<compile_context>
chip_gen: v7x
topology: tpu7x:2x2x1
jax: 0.10.2.dev20260603
libtpu: 0.0.44.dev20260713+nightly
codegen_flags: <defaults>
</compile_context>

<pallas_src>
import jax
import jax.numpy as jnp
from jax import lax
from jax.experimental import pallas as pl
from jax.experimental.pallas import tpu as pltpu, tpu_sc as plsc

B = 16
MAX_LEN = 2048
D = 512
TOTAL = 16384
NW = 32
C = 64
NCB = MAX_LEN // C
LANES = 16


def _unrag_body(cu_hbm, flat_hbm, out_hbm, cu_v, idx0, idx1, buf, zbuf,
                gsem0, gsem1, wsem0, wsem1, zsem):
    cid = lax.axis_index("c")
    sid = lax.axis_index("s")
    w = sid * 2 + cid

    pltpu.sync_copy(cu_hbm, cu_v.at[pl.ds(0, B + 1)])
    lane = lax.iota(jnp.int32, LANES)
    zrow = jnp.zeros((LANES,), jnp.float32)

    def zinit(i, carry):
        for k in range(D // LANES):
            zbuf[i, pl.ds(k * LANES, LANES)] = zrow
        return carry

    lax.fori_loop(0, C, zinit, 0)

    def chunk_params(t):
        seg_start = jnp.where(t == 0, 0, cu_v[pl.ds(t, LANES)][0])
        seg_end = jnp.where(t == B - 1, TOTAL, cu_v[pl.ds(t + 1, LANES)][0])
        cb = lax.rem(w + t, NCB)
        st = seg_start + cb * C
        cnt = jnp.clip(seg_end - st, 0, C)
        dst_off = t * MAX_LEN + cb * C
        return st, cnt, seg_end, dst_off

    def fire_gather(t):
        st, cnt, seg_end, _ = chunk_params(t)

        @pl.when(cnt > 0)
        def _():
            hi = seg_end - 1
            s = lax.rem(t, 2)

            @pl.when(s == 0)
            def _():
                for q in range(C // LANES):
                    idx0[pl.ds(q * LANES, LANES)] = jnp.minimum(
                        st + q * LANES + lane, hi)
                pltpu.make_async_copy(flat_hbm.at[idx0], buf.at[0], gsem0).start()

            @pl.when(s == 1)
            def _():
                for q in range(C // LANES):
                    idx1[pl.ds(q * LANES, LANES)] = jnp.minimum(
                        st + q * LANES + lane, hi)
                pltpu.make_async_copy(flat_hbm.at[idx1], buf.at[1], gsem1).start()

    def wait_write(slot, lt):
        @pl.when(lt >= 0)
        def _():
            _, _, _, dst_off = chunk_params(lt)
            dst = out_hbm.at[pl.ds(dst_off, C)]
            @pl.when(slot == 0)
            def _():
                pltpu.make_async_copy(buf.at[0], dst, wsem0).wait()
            @pl.when(slot == 1)
            def _():
                pltpu.make_async_copy(buf.at[1], dst, wsem1).wait()

    fire_gather(0)

    def body(t, carry):
        lt0, lt1 = carry
        st, cnt, seg_end, dst_off = chunk_params(t)
        s = lax.rem(t, 2)
        dst = out_hbm.at[pl.ds(dst_off, C)]

        @pl.when(cnt == 0)
        def _zero():
            pltpu.make_async_copy(zbuf, dst, zsem).start()

        @pl.when(cnt > 0)
        def _wait_gather():
            hi = seg_end - 1
            @pl.when(s == 0)
            def _():
                pltpu.make_async_copy(flat_hbm.at[idx0], buf.at[0], gsem0).wait()
            @pl.when(s == 1)
            def _():
                pltpu.make_async_copy(flat_hbm.at[idx1], buf.at[1], gsem1).wait()

        @pl.when(t + 1 < B)
        def _next():
            _, cnt1, _, _ = chunk_params(t + 1)

            @pl.when(cnt1 > 0)
            def _():
                s1 = lax.rem(t + 1, 2)
                wait_write(s1, jnp.where(s1 == 0, lt0, lt1))
                fire_gather(t + 1)

        @pl.when(cnt > 0)
        def _emit():
            @pl.when(cnt < C)
            def _tail():
                def ztail(i, carry2):
                    for k in range(D // LANES):
                        @pl.when(s == 0)
                        def _():
                            buf[0, i, pl.ds(k * LANES, LANES)] = zrow
                        @pl.when(s == 1)
                        def _():
                            buf[1, i, pl.ds(k * LANES, LANES)] = zrow
                    return carry2

                lax.fori_loop(cnt, C, ztail, 0)

            @pl.when(s == 0)
            def _():
                pltpu.make_async_copy(buf.at[0], dst, wsem0).start()
            @pl.when(s == 1)
            def _():
                pltpu.make_async_copy(buf.at[1], dst, wsem1).start()

        nlt0 = jnp.where((cnt > 0) & (s == 0), t, lt0)
        nlt1 = jnp.where((cnt > 0) & (s == 1), t, lt1)
        return nlt0, nlt1

    lt0, lt1 = lax.fori_loop(0, B, body, (jnp.int32(-1), jnp.int32(-1)))

    wait_write(jnp.int32(0), lt0)
    wait_write(jnp.int32(1), lt1)

    def zdrain(t, carry):
        _, cnt, _, dst_off = chunk_params(t)

        @pl.when(cnt == 0)
        def _():
            pltpu.make_async_copy(zbuf, out_hbm.at[pl.ds(dst_off, C)], zsem).wait()
        return carry

    lax.fori_loop(0, B, zdrain, 0)


def kernel(flat, cu_seqlens):
    cu = cu_seqlens.astype(jnp.int32)

    run = pl.kernel(
        _unrag_body,
        out_type=jax.ShapeDtypeStruct((B * MAX_LEN, D), jnp.float32),
        mesh=plsc.VectorSubcoreMesh(core_axis_name="c", subcore_axis_name="s"),
        scratch_types=[
            pltpu.VMEM((2 * LANES,), jnp.int32),
            pltpu.VMEM((C,), jnp.int32),
            pltpu.VMEM((C,), jnp.int32),
            pltpu.VMEM((2, C, D), jnp.float32),
            pltpu.VMEM((C, D), jnp.float32),
            pltpu.SemaphoreType.DMA,
            pltpu.SemaphoreType.DMA,
            pltpu.SemaphoreType.DMA,
            pltpu.SemaphoreType.DMA,
            pltpu.SemaphoreType.DMA,
        ],
    )
    dense = run(cu, flat)
    return dense.reshape(B, MAX_LEN, D)

# --- scband reference (transcript-rebuilt; emitter-appended) ---
"""Pipeline reference for scband-unrag-tensor-21672404975925 (READ-ONLY COPY).

The authoritative reference and input builder live on the scoring server;
editing this copy changes nothing except your own understanding.
"""

import jax, jax.numpy as jnp
import numpy as np

B = 16
MAX_LEN = 2048
D = 512
TOTAL = 16384


def setup_inputs(seed: int = 0) -> dict:
    key = jax.random.key(seed)
    k1, k2 = jax.random.split(key)
    flat = jax.random.normal(k1, (TOTAL, D), dtype=jnp.float32)
    cu = jnp.sort(jax.random.randint(k2, (B + 1,), 0, TOTAL, dtype=jnp.int32))
    cu = cu.at[0].set(0).at[-1].set(TOTAL)
    return {"flat": flat, "cu_seqlens": cu}


def reference(flat, cu_seqlens):
    # UnragTensor: RaggedTensor.to_tensor() -> zero-padded dense [B, MAX_LEN, D].
    # Ragged representation here is (flat tokens, cu_seqlens row splits).
    cu = cu_seqlens.astype(jnp.int32)
    cu = cu.at[0].set(0).at[-1].set(flat.shape[0])
    tok = jnp.arange(flat.shape[0], dtype=jnp.int32)
    row = jnp.searchsorted(cu, tok, side='right') - 1
    row = jnp.clip(row, 0, B - 1)
    col = tok - cu[row]
    valid = col < MAX_LEN  # truncate rows longer than the dense width
    col_c = jnp.where(valid, col, 0)
    vals = jnp.where(valid[:, None], flat, 0.0)
    dense = jnp.zeros((B, MAX_LEN, D), dtype=flat.dtype)
    dense = dense.at[row, col_c, :].add(vals)
    return dense

if __name__ == "__main__":
    import jax
    _d = setup_inputs()
    print(jax.jit(kernel)(*tuple(_d.values())))

</pallas_src>

<mosaic_0001>
#map = affine_map<(d0, d1) -> (0)>
#map1 = affine_map<(d0, d1) -> (0, 0)>
module attributes {stable_mosaic.version = 14 : i64} {
  func.func @_unrag_body(%arg0: i32, %arg1: i32, %arg2: memref<17xi32, #tpu.memory_space<hbm>>, %arg3: memref<16384x512xf32, #tpu.memory_space<hbm>>, %arg4: memref<32768x512xf32, #tpu.memory_space<hbm>>, %arg5: memref<32xi32, #tpu.memory_space<vmem>>, %arg6: memref<64xi32, #tpu.memory_space<vmem>>, %arg7: memref<64xi32, #tpu.memory_space<vmem>>, %arg8: memref<2x64x512xf32, #tpu.memory_space<vmem>>, %arg9: memref<64x512xf32, #tpu.memory_space<vmem>>, %arg10: memref<!tpu.dma_semaphore, #tpu.memory_space<semaphore_mem>>, %arg11: memref<!tpu.dma_semaphore, #tpu.memory_space<semaphore_mem>>, %arg12: memref<!tpu.dma_semaphore, #tpu.memory_space<semaphore_mem>>, %arg13: memref<!tpu.dma_semaphore, #tpu.memory_space<semaphore_mem>>, %arg14: memref<!tpu.dma_semaphore, #tpu.memory_space<semaphore_mem>>) attributes {dimension_semantics = [#tpu.dimension_semantics<core_parallel>, #tpu.dimension_semantics<subcore_parallel>], iteration_bounds = array<i64: 2, 16>, scalar_prefetch = 0 : i64, scratch_operands = 10 : i64, tpu.core_type = #tpu.core_type<sc_vector_subcore>, window_params = [{transform_indices = #map}, {transform_indices = #map1}, {transform_indices = #map1}]} {
    %mul3A = arith.constant 2 : i32
    %mul3A_0 = arith.muli %arg1, %mul3A : i32
    %add3A = arith.addi %mul3A_0, %arg0 : i32
    "tpu.region"() ({
      %run_scoped3A = tpu.sem_alloc : memref<!tpu.dma_semaphore, #tpu.memory_space<semaphore_mem>>
      %dma_start3A = arith.constant 0 : i32
      %dma_start3A_57 = tpu.memref_slice %arg5[%dma_start3A] : memref<32xi32, #tpu.memory_space<vmem>> -> memref<17xi32, #tpu.memory_space<vmem>>
      %dma_start3A_58 = arith.constant 0 : i32
      %dma_start3A_59 = tpu.memref_slice %arg5[%dma_start3A_58] : memref<32xi32, #tpu.memory_space<vmem>> -> memref<17xi32, #tpu.memory_space<vmem>>
      tpu.enqueue_dma source(%arg2 : memref<17xi32, #tpu.memory_space<hbm>>) target(%dma_start3A_59 : memref<17xi32, #tpu.memory_space<vmem>>) target_semaphore(%run_scoped3A : memref<!tpu.dma_semaphore, #tpu.memory_space<semaphore_mem>>)
      %dma_wait3A = arith.constant 0 : i32
      %dma_wait3A_60 = tpu.memref_slice %arg5[%dma_wait3A] : memref<32xi32, #tpu.memory_space<vmem>> -> memref<17xi32, #tpu.memory_space<vmem>>
      %dma_wait3A_61 = arith.constant 0 : i32
      %dma_wait3A_62 = tpu.memref_slice %arg5[%dma_wait3A_61] : memref<32xi32, #tpu.memory_space<vmem>> -> memref<17xi32, #tpu.memory_space<vmem>>
      tpu.wait_dma2 semaphore(%run_scoped3A : memref<!tpu.dma_semaphore, #tpu.memory_space<semaphore_mem>>) src(%arg2 : memref<17xi32, #tpu.memory_space<hbm>>) dst(%dma_wait3A_62 : memref<17xi32, #tpu.memory_space<vmem>>)
      tpu.yield
    }) : () -> ()
    %iota3A = tpu.iota {dimensions = array<i32: 0>} : vector<16xi32>
    %broadcast_in_dim3A = arith.constant 0.000000e+00 : f32
    %broadcast_in_dim3A_1 = vector.broadcast %broadcast_in_dim3A : f32 to vector<16xf32>
    %scan3A = arith.constant 0 : i32
    %scan3A_2 = arith.constant 0 : i32
    %scan3A_3 = arith.constant 64 : i32
    %scan3A_4 = arith.addi %scan3A_2, %scan3A_3 : i32
    %scan3A_5 = arith.constant 1 : i32
    scf.for %scan3A_57 = %scan3A_2 to %scan3A_4 step %scan3A_5  : i32 {
      %swap3A = arith.index_cast %scan3A_57 : i32 to index
      %swap3A_58 = arith.constant 0 : index
      %swap3A_59 = tpu.vector_load %arg9[%swap3A, %swap3A_58] {strides = array<i32>} : memref<64x512xf32, #tpu.memory_space<vmem>>, vector<1x16xf32>,
      %swap3A_60 = vector.shape_cast %swap3A_59 : vector<1x16xf32> to vector<16xf32>
      %swap3A_61 = vector.shape_cast %broadcast_in_dim3A_1 : vector<16xf32> to vector<1x16xf32>
      tpu.vector_store %arg9[%swap3A, %swap3A_58], %swap3A_61 {strides = array<i32>} : memref<64x512xf32, #tpu.memory_space<vmem>>, vector<1x16xf32>,
      %swap3A_62 = arith.index_cast %scan3A_57 : i32 to index
      %swap3A_63 = arith.constant 16 : index
      %swap3A_64 = tpu.vector_load %arg9[%swap3A_62, %swap3A_63] {strides = array<i32>} : memref<64x512xf32, #tpu.memory_space<vmem>>, vector<1x16xf32>,
      %swap3A_65 = vector.shape_cast %swap3A_64 : vector<1x16xf32> to vector<16xf32>
      %swap3A_66 = vector.shape_cast %broadcast_in_dim3A_1 : vector<16xf32> to vector<1x16xf32>
      tpu.vector_store %arg9[%swap3A_62, %swap3A_63], %swap3A_66 {strides = array<i32>} : memref<64x512xf32, #tpu.memory_space<vmem>>, vector<1x16xf32>,
      %swap3A_67 = arith.index_cast %scan3A_57 : i32 to index
      %swap3A_68 = arith.constant 32 : index
      %swap3A_69 = tpu.vector_load %arg9[%swap3A_67, %swap3A_68] {strides = array<i32>} : memref<64x512xf32, #tpu.memory_space<vmem>>, vector<1x16xf32>,
      %swap3A_70 = vector.shape_cast %swap3A_69 : vector<1x16xf32> to vector<16xf32>
      %swap3A_71 = vector.shape_cast %broadcast_in_dim3A_1 : vector<16xf32> to vector<1x16xf32>
      tpu.vector_store %arg9[%swap3A_67, %swap3A_68], %swap3A_71 {strides = array<i32>} : memref<64x512xf32, #tpu.memory_space<vmem>>, vector<1x16xf32>,
      %swap3A_72 = arith.index_cast %scan3A_57 : i32 to index
      %swap3A_73 = arith.constant 48 : index
      %swap3A_74 = tpu.vector_load %arg9[%swap3A_72, %swap3A_73] {strides = array<i32>} : memref<64x512xf32, #tpu.memory_space<vmem>>, vector<1x16xf32>,
      %swap3A_75 = vector.shape_cast %swap3A_74 : vector<1x16xf32> to vector<16xf32>
      %swap3A_76 = vector.shape_cast %broadcast_in_dim3A_1 : vector<16xf32> to vector<1x16xf32>
      tpu.vector_store %arg9[%swap3A_72, %swap3A_73], %swap3A_76 {strides = array<i32>} : memref<64x512xf32, #tpu.memory_space<vmem>>, vector<1x16xf32>,
      %swap3A_77 = arith.index_cast %scan3A_57 : i32 to index
      %swap3A_78 = arith.constant 64 : index
      %swap3A_79 = tpu.vector_load %arg9[%swap3A_77, %swap3A_78] {strides = array<i32>} : memref<64x512xf32, #tpu.memory_space<vmem>>, vector<1x16xf32>,
      %swap3A_80 = vector.shape_cast %swap3A_79 : vector<1x16xf32> to vector<16xf32>
      %swap3A_81 = vector.shape_cast %broadcast_in_dim3A_1 : vector<16xf32> to vector<1x16xf32>
      tpu.vector_store %arg9[%swap3A_77, %swap3A_78], %swap3A_81 {strides = array<i32>} : memref<64x512xf32, #tpu.memory_space<vmem>>, vector<1x16xf32>,
      %swap3A_82 = arith.index_cast %scan3A_57 : i32 to index
      %swap3A_83 = arith.constant 80 : index
      %swap3A_84 = tpu.vector_load %arg9[%swap3A_82, %swap3A_83] {strides = array<i32>} : memref<64x512xf32, #tpu.memory_space<vmem>>, vector<1x16xf32>,
      %swap3A_85 = vector.shape_cast %swap3A_84 : vector<1x16xf32> to vector<16xf32>
      %swap3A_86 = vector.shape_cast %broadcast_in_dim3A_1 : vector<16xf32> to vector<1x16xf32>
      tpu.vector_store %arg9[%swap3A_82, %swap3A_83], %swap3A_86 {strides = array<i32>} : memref<64x512xf32, #tpu.memory_space<vmem>>, vector<1x16xf32>,
      %swap3A_87 = arith.index_cast %scan3A_57 : i32 to index
      %swap3A_88 = arith.constant 96 : index
      %swap3A_89 = tpu.vector_load %arg9[%swap3A_87, %swap3A_88] {strides = array<i32>} : memref<64x512xf32, #tpu.memory_space<vmem>>, vector<1x16xf32>,
      %swap3A_90 = vector.shape_cast %swap3A_89 : vector<1x16xf32> to vector<16xf32>
      %swap3A_91 = vector.shape_cast %broadcast_in_dim3A_1 : vector<16xf32> to vector<1x16xf32>
      tpu.vector_store %arg9[%swap3A_87, %swap3A_88], %swap3A_91 {strides = array<i32>} : memref<64x512xf32, #tpu.memory_space<vmem>>, vector<1x16xf32>,
      %swap3A_92 = arith.index_cast %scan3A_57 : i32 to index
      %swap3A_93 = arith.constant 112 : index
      %swap3A_94 = tpu.vector_load %arg9[%swap3A_92, %swap3A_93] {strides = array<i32>} : memref<64x512xf32, #tpu.memory_space<vmem>>, vector<1x16xf32>,
      %swap3A_95 = vector.shape_cast %swap3A_94 : vector<1x16xf32> to vector<16xf32>
      %swap3A_96 = vector.shape_cast %broadcast_in_dim3A_1 : vector<16xf32> to vector<1x16xf32>
      tpu.vector_store %arg9[%swap3A_92, %swap3A_93], %swap3A_96 {strides = array<i32>} : memref<64x512xf32, #tpu.memory_space<vmem>>, vector<1x16xf32>,
      %swap3A_97 = arith.index_cast %scan3A_57 : i32 to index
      %swap3A_98 = arith.constant 128 : index
      %swap3A_99 = tpu.vector_load %arg9[%swap3A_97, %swap3A_98] {strides = array<i32>} : memref<64x512xf32, #tpu.memory_space<vmem>>, vector<1x16xf32>,
      %swap3A_100 = vector.shape_cast %swap3A_99 : vector<1x16xf32> to vector<16xf32>
      %swap3A_101 = vector.shape_cast %broadcast_in_dim3A_1 : vector<16xf32> to vector<1x16xf32>
      tpu.vector_store %arg9[%swap3A_97, %swap3A_98], %swap3A_101 {strides = array<i32>} : memref<64x512xf32, #tpu.memory_space<vmem>>, vector<1x16xf32>,
      %swap3A_102 = arith.index_cast %scan3A_57 : i32 to index
      %swap3A_103 = arith.constant 144 : index
      %swap3A_104 = tpu.vector_load %arg9[%swap3A_102, %swap3A_103] {strides = array<i32>} : memref<64x512xf32, #tpu.memory_space<vmem>>, vector<1x16xf32>,
      %swap3A_105 = vector.shape_cast %swap3A_104 : vector<1x16xf32> to vector<16xf32>
      %swap3A_106 = vector.shape_cast %broadcast_in_dim3A_1 : vector<16xf32> to vector<1x16xf32>
      tpu.vector_store %arg9[%swap3A_102, %swap3A_103], %swap3A_106 {strides = array<i32>} : memref<64x512xf32, #tpu.memory_space<vmem>>, vector<1x16xf32>,
      %swap3A_107 = arith.index_cast %scan3A_57 : i32 to index
      %swap3A_108 = arith.constant 160 : index
      %swap3A_109 = tpu.vector_load %arg9[%swap3A_107, %swap3A_108] {strides = array<i32>} : memref<64x512xf32, #tpu.memory_space<vmem>>, vector<1x16xf32>,
      %swap3A_110 = vector.shape_cast %swap3A_109 : vector<1x16xf32> to vector<16xf32>
      %swap3A_111 = vector.shape_cast %broadcast_in_dim3A_1 : vector<16xf32> to vector<1x16xf32>
      tpu.vector_store %arg9[%swap3A_107, %swap3A_108], %swap3A_111 {strides = array<i32>} : memref<64x512xf32, #tpu.memory_space<vmem>>, vector<1x16xf32>,
      %swap3A_112 = arith.index_cast %scan3A_57 : i32 to index
      %swap3A_113 = arith.constant 176 : index
      %swap3A_114 = tpu.vector_load %arg9[%swap3A_112, %swap3A_113] {strides = array<i32>} : memref<64x512xf32, #tpu.memory_space<vmem>>, vector<1x16xf32>,
      %swap3A_115 = vector.shape_cast %swap3A_114 : vector<1x16xf32> to vector<16xf32>
      %swap3A_116 = vector.shape_cast %broadcast_in_dim3A_1 : vector<16xf32> to vector<1x16xf32>
      tpu.vector_store %arg9[%swap3A_112, %swap3A_113], %swap3A_116 {strides = array<i32>} : memref<64x512xf32, #tpu.memory_space<vmem>>, vector<1x16xf32>,
      %swap3A_117 = arith.index_cast %scan3A_57 : i32 to index
      %swap3A_118 = arith.constant 192 : index
      %swap3A_119 = tpu.vector_load %arg9[%swap3A_117, %swap3A_118] {strides = array<i32>} : memref<64x512xf32, #tpu.memory_space<vmem>>, vector<1x16xf32>,
      %swap3A_120 = vector.shape_cast %swap3A_119 : vector<1x16xf32> to vector<16xf32>
      %swap3A_121 = vector.shape_cast %broadcast_in_dim3A_1 : vector<16xf32> to vector<1x16xf32>
      tpu.vector_store %arg9[%swap3A_117, %swap3A_118], %swap3A_121 {strides = array<i32>} : memref<64x512xf32, #tpu.memory_space<vmem>>, vector<1x16xf32>,
      %swap3A_122 = arith.index_cast %scan3A_57 : i32 to index
      %swap3A_123 = arith.constant 208 : index
      %swap3A_124 = tpu.vector_load %arg9[%swap3A_122, %swap3A_123] {strides = array<i32>} : memref<64x512xf32, #tpu.memory_space<vmem>>, vector<1x16xf32>,
      %swap3A_125 = vector.shape_cast %swap3A_124 : vector<1x16xf32> to vector<16xf32>
      %swap3A_126 = vector.shape_cast %broadcast_in_dim3A_1 : vector<16xf32> to vector<1x16xf32>
      tpu.vector_store %arg9[%swap3A_122, %swap3A_123], %swap3A_126 {strides = array<i32>} : memref<64x512xf32, #tpu.memory_space<vmem>>, vector<1x16xf32>,
      %swap3A_127 = arith.index_cast %scan3A_57 : i32 to index
      %swap3A_128 = arith.constant 224 : index
      %swap3A_129 = tpu.vector_load %arg9[%swap3A_127, %swap3A_128] {strides = array<i32>} : memref<64x512xf32, #tpu.memory_space<vmem>>, vector<1x16xf32>,
      %swap3A_130 = vector.shape_cast %swap3A_129 : vector<1x16xf32> to vector<16xf32>
      %swap3A_131 = vector.shape_cast %broadcast_in_dim3A_1 : vector<16xf32> to vector<1x16xf32>
      tpu.vector_store %arg9[%swap3A_127, %swap3A_128], %swap3A_131 {strides = array<i32>} : memref<64x512xf32, #tpu.memory_space<vmem>>, vector<1x16xf32>,
      %swap3A_132 = arith.index_cast %scan3A_57 : i32 to index
      %swap3A_133 = arith.constant 240 : index
      %swap3A_134 = tpu.vector_load %arg9[%swap3A_132, %swap3A_133] {strides = array<i32>} : memref<64x512xf32, #tpu.memory_space<vmem>>, vector<1x16xf32>,
      %swap3A_135 = vector.shape_cast %swap3A_134 : vector<1x16xf32> to vector<16xf32>
      %swap3A_136 = vector.shape_cast %broadcast_in_dim3A_1 : vector<16xf32> to vector<1x16xf32>
      tpu.vector_store %arg9[%swap3A_132, %swap3A_133], %swap3A_136 {strides = array<i32>} : memref<64x512xf32, #tpu.memory_space<vmem>>, vector<1x16xf32>,
      %swap3A_137 = arith.index_cast %scan3A_57 : i32 to index
      %swap3A_138 = arith.constant 256 : index
      %swap3A_139 = tpu.vector_load %arg9[%swap3A_137, %swap3A_138] {strides = array<i32>} : memref<64x512xf32, #tpu.memory_space<vmem>>, vector<1x16xf32>,
      %swap3A_140 = vector.shape_cast %swap3A_139 : vector<1x16xf32> to vector<16xf32>
      %swap3A_141 = vector.shape_cast %broadcast_in_dim3A_1 : vector<16xf32> to vector<1x16xf32>
      tpu.vector_store %arg9[%swap3A_137, %swap3A_138], %swap3A_141 {strides = array<i32>} : memref<64x512xf32, #tpu.memory_space<vmem>>, vector<1x16xf32>,
      %swap3A_142 = arith.index_cast %scan3A_57 : i32 to index
      %swap3A_143 = arith.constant 272 : index
      %swap3A_144 = tpu.vector_load %arg9[%swap3A_142, %swap3A_143] {strides = array<i32>} : memref<64x512xf32, #tpu.memory_space<vmem>>, vector<1x16xf32>,
      %swap3A_145 = vector.shape_cast %swap3A_144 : vector<1x16xf32> to vector<16xf32>
      %swap3A_146 = vector.shape_cast %broadcast_in_dim3A_1 : vector<16xf32> to vector<1x16xf32>
      tpu.vector_store %arg9[%swap3A_142, %swap3A_143], %swap3A_146 {strides = array<i32>} : memref<64x512xf32, #tpu.memory_space<vmem>>, vector<1x16xf32>,
      %swap3A_147 = arith.index_cast %scan3A_57 : i32 to index
      %swap3A_148 = arith.constant 288 : index
      %swap3A_149 = tpu.vector_load %arg9[%swap3A_147, %swap3A_148] {strides = array<i32>} : memref<64x512xf32, #tpu.memory_space<vmem>>, vector<1x16xf32>,
      %swap3A_150 = vector.shape_cast %swap3A_149 : vector<1x16xf32> to vector<16xf32>
      %swap3A_151 = vector.shape_cast %broadcast_in_dim3A_1 : vector<16xf32> to vector<1x16xf32>
      tpu.vector_store %arg9[%swap3A_147, %swap3A_148], %swap3A_151 {strides = array<i32>} : memref<64x512xf32, #tpu.memory_space<vmem>>, vector<1x16xf32>,
      %swap3A_152 = arith.index_cast %scan3A_57 : i32 to index
      %swap3A_153 = arith.constant 304 : index
      %swap3A_154 = tpu.vector_load %arg9[%swap3A_152, %swap3A_153] {strides = array<i32>} : memref<64x512xf32, #tpu.memory_space<vmem>>, vector<1x16xf32>,
      %swap3A_155 = vector.shape_cast %swap3A_154 : vector<1x16xf32> to vector<16xf32>
      %swap3A_156 = vector.shape_cast %broadcast_in_dim3A_1 : vector<16xf32> to vector<1x16xf32>
      tpu.vector_store %arg9[%swap3A_152, %swap3A_153], %swap3A_156 {strides = array<i32>} : memref<64x512xf32, #tpu.memory_space<vmem>>, vector<1x16xf32>,
      %swap3A_157 = arith.index_cast %scan3A_57 : i32 to index
      %swap3A_158 = arith.constant 320 : index
      %swap3A_159 = tpu.vector_load %arg9[%swap3A_157, %swap3A_158] {strides = array<i32>} : memref<64x512xf32, #tpu.memory_space<vmem>>, vector<1x16xf32>,
      %swap3A_160 = vector.shape_cast %swap3A_159 : vector<1x16xf32> to vector<16xf32>
      %swap3A_161 = vector.shape_cast %broadcast_in_dim3A_1 : vector<16xf32> to vector<1x16xf32>
      tpu.vector_store %arg9[%swap3A_157, %swap3A_158], %swap3A_161 {strides = array<i32>} : memref<64x512xf32, #tpu.memory_space<vmem>>, vector<1x16xf32>,
      %swap3A_162 = arith.index_cast %scan3A_57 : i32 to index
      %swap3A_163 = arith.constant 336 : index
      %swap3A_164 = tpu.vector_load %arg9[%swap3A_162, %swap3A_163] {strides = array<i32>} : memref<64x512xf32, #tpu.memory_space<vmem>>, vector<1x16xf32>,
      %swap3A_165 = vector.shape_cast %swap3A_164 : vector<1x16xf32> to vector<16xf32>
      %swap3A_166 = vector.shape_cast %broadcast_in_dim3A_1 : vector<16xf32> to vector<1x16xf32>
      tpu.vector_store %arg9[%swap3A_162, %swap3A_163], %swap3A_166 {strides = array<i32>} : memref<64x512xf32, #tpu.memory_space<vmem>>, vector<1x16xf32>,
      %swap3A_167 = arith.index_cast %scan3A_57 : i32 to index
      %swap3A_168 = arith.constant 352 : index
      %swap3A_169 = tpu.vector_load %arg9[%swap3A_167, %swap3A_168] {strides = array<i32>} : memref<64x512xf32, #tpu.memory_space<vmem>>, vector<1x16xf32>,
      %swap3A_170 = vector.shape_cast %swap3A_169 : vector<1x16xf32> to vector<16xf32>
      %swap3A_171 = vector.shape_cast %broadcast_in_dim3A_1 : vector<16xf32> to vector<1x16xf32>
      tpu.vector_store %arg9[%swap3A_167, %swap3A_168], %swap3A_171 {strides = array<i32>} : memref<64x512xf32, #tpu.memory_space<vmem>>, vector<1x16xf32>,
      %swap3A_172 = arith.index_cast %scan3A_57 : i32 to index
      %swap3A_173 = arith.constant 368 : index
      %swap3A_174 = tpu.vector_load %arg9[%swap3A_172, %swap3A_173] {strides = array<i32>} : memref<64x512xf32, #tpu.memory_space<vmem>>, vector<1x16xf32>,
      %swap3A_175 = vector.shape_cast %swap3A_174 : vector<1x16xf32> to vector<16xf32>
      %swap3A_176 = vector.shape_cast %broadcast_in_dim3A_1 : vector<16xf32> to vector<1x16xf32>
      tpu.vector_store %arg9[%swap3A_172, %swap3A_173], %swap3A_176 {strides = array<i32>} : memref<64x512xf32, #tpu.memory_space<vmem>>, vector<1x16xf32>,
      %swap3A_177 = arith.index_cast %scan3A_57 : i32 to index
      %swap3A_178 = arith.constant 384 : index
      %swap3A_179 = tpu.vector_load %arg9[%swap3A_177, %swap3A_178] {strides = array<i32>} : memref<64x512xf32, #tpu.memory_space<vmem>>, vector<1x16xf32>,
      %swap3A_180 = vector.shape_cast %swap3A_179 : vector<1x16xf32> to vector<16xf32>
      %swap3A_181 = vector.shape_cast %broadcast_in_dim3A_1 : vector<16xf32> to vector<1x16xf32>
      tpu.vector_store %arg9[%swap3A_177, %swap3A_178], %swap3A_181 {strides = array<i32>} : memref<64x512xf32, #tpu.memory_space<vmem>>, vector<1x16xf32>,
      %swap3A_182 = arith.index_cast %scan3A_57 : i32 to index
      %swap3A_183 = arith.constant 400 : index
      %swap3A_184 = tpu.vector_load %arg9[%swap3A_182, %swap3A_183] {strides = array<i32>} : memref<64x512xf32, #tpu.memory_space<vmem>>, vector<1x16xf32>,
      %swap3A_185 = vector.shape_cast %swap3A_184 : vector<1x16xf32> to vector<16xf32>
      %swap3A_186 = vector.shape_cast %broadcast_in_dim3A_1 : vector<16xf32> to vector<1x16xf32>
      tpu.vector_store %arg9[%swap3A_182, %swap3A_183], %swap3A_186 {strides = array<i32>} : memref<64x512xf32, #tpu.memory_space<vmem>>, vector<1x16xf32>,
      %swap3A_187 = arith.index_cast %scan3A_57 : i32 to index
      %swap3A_188 = arith.constant 416 : index
      %swap3A_189 = tpu.vector_load %arg9[%swap3A_187, %swap3A_188] {strides = array<i32>} : memref<64x512xf32, #tpu.memory_space<vmem>>, vector<1x16xf32>,
      %swap3A_190 = vector.shape_cast %swap3A_189 : vector<1x16xf32> to vector<16xf32>
      %swap3A_191 = vector.shape_cast %broadcast_in_dim3A_1 : vector<16xf32> to vector<1x16xf32>
      tpu.vector_store %arg9[%swap3A_187, %swap3A_188], %swap3A_191 {strides = array<i32>} : memref<64x512xf32, #tpu.memory_space<vmem>>, vector<1x16xf32>,
      %swap3A_192 = arith.index_cast %scan3A_57 : i32 to index
      %swap3A_193 = arith.constant 432 : index
      %swap3A_194 = tpu.vector_load %arg9[%swap3A_192, %swap3A_193] {strides = array<i32>} : memref<64x512xf32, #tpu.memory_space<vmem>>, vector<1x16xf32>,
      %swap3A_195 = vector.shape_cast %swap3A_194 : vector<1x16xf32> to vector<16xf32>
      %swap3A_196 = vector.shape_cast %broadcast_in_dim3A_1 : vector<16xf32> to vector<1x16xf32>
      tpu.vector_store %arg9[%swap3A_192, %swap3A_193], %swap3A_196 {strides = array<i32>} : memref<64x512xf32, #tpu.memory_space<vmem>>, vector<1x16xf32>,
      %swap3A_197 = arith.index_cast %scan3A_57 : i32 to index
      %swap3A_198 = arith.constant 448 : index
      %swap3A_199 = tpu.vector_load %arg9[%swap3A_197, %swap3A_198] {strides = array<i32>} : memref<64x512xf32, #tpu.memory_space<vmem>>, vector<1x16xf32>,
      %swap3A_200 = vector.shape_cast %swap3A_199 : vector<1x16xf32> to vector<16xf32>
      %swap3A_201 = vector.shape_cast %broadcast_in_dim3A_1 : vector<16xf32> to vector<1x16xf32>
      tpu.vector_store %arg9[%swap3A_197, %swap3A_198], %swap3A_201 {strides = array<i32>} : memref<64x512xf32, #tpu.memory_space<vmem>>, vector<1x16xf32>,
      %swap3A_202 = arith.index_cast %scan3A_57 : i32 to index
      %swap3A_203 = arith.constant 464 : index
      %swap3A_204 = tpu.vector_load %arg9[%swap3A_202, %swap3A_203] {strides = array<i32>} : memref<64x512xf32, #tpu.memory_space<vmem>>, vector<1x16xf32>,
      %swap3A_205 = vector.shape_cast %swap3A_204 : vector<1x16xf32> to vector<16xf32>
      %swap3A_206 = vector.shape_cast %broadcast_in_dim3A_1 : vector<16xf32> to vector<1x16xf32>
      tpu.vector_store %arg9[%swap3A_202, %swap3A_203], %swap3A_206 {strides = array<i32>} : memref<64x512xf32, #tpu.memory_space<vmem>>, vector<1x16xf32>,
      %swap3A_207 = arith.index_cast %scan3A_57 : i32 to index
      %swap3A_208 = arith.constant 480 : index
      %swap3A_209 = tpu.vector_load %arg9[%swap3A_207, %swap3A_208] {strides = array<i32>} : memref<64x512xf32, #tpu.memory_space<vmem>>, vector<1x16xf32>,
      %swap3A_210 = vector.shape_cast %swap3A_209 : vector<1x16xf32> to vector<16xf32>
      %swap3A_211 = vector.shape_cast %broadcast_in_dim3A_1 : vector<16xf32> to vector<1x16xf32>
      tpu.vector_store %arg9[%swap3A_207, %swap3A_208], %swap3A_211 {strides = array<i32>} : memref<64x512xf32, #tpu.memory_space<vmem>>, vector<1x16xf32>,
      %swap3A_212 = arith.index_cast %scan3A_57 : i32 to index
      %swap3A_213 = arith.constant 496 : index
      %swap3A_214 = tpu.vector_load %arg9[%swap3A_212, %swap3A_213] {strides = array<i32>} : memref<64x512xf32, #tpu.memory_space<vmem>>, vector<1x16xf32>,
      %swap3A_215 = vector.shape_cast %swap3A_214 : vector<1x16xf32> to vector<16xf32>
      %swap3A_216 = vector.shape_cast %broadcast_in_dim3A_1 : vector<16xf32> to vector<1x16xf32>
      tpu.vector_store %arg9[%swap3A_212, %swap3A_213], %swap3A_216 {strides = array<i32>} : memref<64x512xf32, #tpu.memory_space<vmem>>, vector<1x16xf32>,
    }
    %scan3A_6 = arith.constant 64 : i32
    %get3A = arith.constant 0 : index
    %get3A_7 = tpu.vector_load %arg5[%get3A] {strides = array<i32>} : memref<32xi32, #tpu.memory_space<vmem>>, vector<16xi32>,
    %get3A_8 = vector.shape_cast %get3A_7 : vector<16xi32> to vector<16xi32>
    %slice3A = vector.extract_strided_slice %get3A_8 {offsets = [0], sizes = [1], strides = [1]} : vector<16xi32> to vector<1xi32>
    %squeeze3A = vector.extract %slice3A[0] : i32 from vector<1xi32>
    %jit3A = arith.constant true
    %jit3A_9 = arith.constant 0 : i32
    %select_n3A = arith.select %jit3A, %jit3A_9, %squeeze3A : i32
    %get3A_10 = arith.constant 1 : index
    %get3A_11 = tpu.vector_load %arg5[%get3A_10] {strides = array<i32>} : memref<32xi32, #tpu.memory_space<vmem>>, vector<16xi32>,
    %get3A_12 = vector.shape_cast %get3A_11 : vector<16xi32> to vector<16xi32>
    %slice3A_13 = vector.extract_strided_slice %get3A_12 {offsets = [0], sizes = [1], strides = [1]} : vector<16xi32> to vector<1xi32>
    %squeeze3A_14 = vector.extract %slice3A_13[0] : i32 from vector<1xi32>
    %jit3A_15 = arith.constant false
    %jit3A_16 = arith.constant 16384 : i32
    %select_n3A_17 = arith.select %jit3A_15, %jit3A_16, %squeeze3A_14 : i32
    %add3A_18 = arith.constant 0 : i32
    %add3A_19 = arith.addi %add3A, %add3A_18 : i32
    %rem3A = arith.constant 32 : i32
    %rem3A_20 = arith.remsi %add3A_19, %rem3A : i32
    %mul3A_21 = arith.constant 64 : i32
    %mul3A_22 = arith.muli %rem3A_20, %mul3A_21 : i32
    %add3A_23 = arith.addi %select_n3A, %mul3A_22 : i32
    %sub3A = arith.subi %select_n3A_17, %add3A_23 : i32
    %jit3A_24 = arith.constant 0 : i32
    %jit3A_25 = arith.constant 64 : i32
    %max3A = arith.maxsi %jit3A_24, %sub3A : i32
    %min3A = arith.minsi %jit3A_25, %max3A : i32
    %mul3A_26 = arith.constant 64 : i32
    %mul3A_27 = arith.muli %rem3A_20, %mul3A_26 : i32
    %add3A_28 = arith.constant 0 : i32
    %add3A_29 = arith.addi %add3A_28, %mul3A_27 : i32
    %gt3A = arith.constant 0 : i32
    %gt3A_30 = arith.cmpi sgt, %min3A, %gt3A : i32
    %convert_element_type3A = arith.extui %gt3A_30 : i1 to i32
    %cond3A = arith.constant 0 : i32
    %cond3A_31 = arith.cmpi ne, %convert_element_type3A, %cond3A : i32
    scf.if %cond3A_31 {
      %sub3A_57 = arith.constant 1 : i32
      %sub3A_58 = arith.subi %select_n3A_17, %sub3A_57 : i32
      %rem3A_59 = arith.constant 0 : i32
      %rem3A_60 = arith.constant 2 : i32
      %rem3A_61 = arith.remsi %rem3A_59, %rem3A_60 : i32
      %eq3A = arith.constant 0 : i32
      %eq3A_62 = arith.cmpi eq, %rem3A_61, %eq3A : i32
      %convert_element_type3A_63 = arith.extui %eq3A_62 : i1 to i32
      %cond3A_64 = arith.constant 0 : i32
      %cond3A_65 = arith.cmpi ne, %convert_element_type3A_63, %cond3A_64 : i32
      scf.if %cond3A_65 {
        %add3A_71 = arith.constant 0 : i32
        %add3A_72 = arith.addi %add3A_23, %add3A_71 : i32
        %add3A_73 = vector.broadcast %add3A_72 : i32 to vector<16xi32>
        %add3A_74 = arith.addi %add3A_73, %iota3A : vector<16xi32>
        %min3A_75 = vector.broadcast %sub3A_58 : i32 to vector<16xi32>
        %min3A_76 = arith.minsi %add3A_74, %min3A_75 : vector<16xi32>
        %swap3A = arith.constant 0 : index
        %swap3A_77 = tpu.vector_load %arg6[%swap3A] {strides = array<i32>} : memref<64xi32, #tpu.memory_space<vmem>>, vector<16xi32>,
        %swap3A_78 = vector.shape_cast %swap3A_77 : vector<16xi32> to vector<16xi32>
        %swap3A_79 = vector.shape_cast %min3A_76 : vector<16xi32> to vector<16xi32>
        tpu.vector_store %arg6[%swap3A], %swap3A_79 {strides = array<i32>} : memref<64xi32, #tpu.memory_space<vmem>>, vector<16xi32>,
        %add3A_80 = arith.constant 16 : i32
        %add3A_81 = arith.addi %add3A_23, %add3A_80 : i32
        %add3A_82 = vector.broadcast %add3A_81 : i32 to vector<16xi32>
        %add3A_83 = arith.addi %add3A_82, %iota3A : vector<16xi32>
        %min3A_84 = vector.broadcast %sub3A_58 : i32 to vector<16xi32>
        %min3A_85 = arith.minsi %add3A_83, %min3A_84 : vector<16xi32>
        %swap3A_86 = arith.constant 16 : index
        %swap3A_87 = tpu.vector_load %arg6[%swap3A_86] {strides = array<i32>} : memref<64xi32, #tpu.memory_space<vmem>>, vector<16xi32>,
        %swap3A_88 = vector.shape_cast %swap3A_87 : vector<16xi32> to vector<16xi32>
        %swap3A_89 = vector.shape_cast %min3A_85 : vector<16xi32> to vector<16xi32>
        tpu.vector_store %arg6[%swap3A_86], %swap3A_89 {strides = array<i32>} : memref<64xi32, #tpu.memory_space<vmem>>, vector<16xi32>,
        %add3A_90 = arith.constant 32 : i32
        %add3A_91 = arith.addi %add3A_23, %add3A_90 : i32
        %add3A_92 = vector.broadcast %add3A_91 : i32 to vector<16xi32>
        %add3A_93 = arith.addi %add3A_92, %iota3A : vector<16xi32>
        %min3A_94 = vector.broadcast %sub3A_58 : i32 to vector<16xi32>
        %min3A_95 = arith.minsi %add3A_93, %min3A_94 : vector<16xi32>
        %swap3A_96 = arith.constant 32 : index
        %swap3A_97 = tpu.vector_load %arg6[%swap3A_96] {strides = array<i32>} : memref<64xi32, #tpu.memory_space<vmem>>, vector<16xi32>,
        %swap3A_98 = vector.shape_cast %swap3A_97 : vector<16xi32> to vector<16xi32>
        %swap3A_99 = vector.shape_cast %min3A_95 : vector<16xi32> to vector<16xi32>
        tpu.vector_store %arg6[%swap3A_96], %swap3A_99 {strides = array<i32>} : memref<64xi32, #tpu.memory_space<vmem>>, vector<16xi32>,
        %add3A_100 = arith.constant 48 : i32
        %add3A_101 = arith.addi %add3A_23, %add3A_100 : i32
        %add3A_102 = vector.broadcast %add3A_101 : i32 to vector<16xi32>
        %add3A_103 = arith.addi %add3A_102, %iota3A : vector<16xi32>
        %min3A_104 = vector.broadcast %sub3A_58 : i32 to vector<16xi32>
        %min3A_105 = arith.minsi %add3A_103, %min3A_104 : vector<16xi32>
        %swap3A_106 = arith.constant 48 : index
        %swap3A_107 = tpu.vector_load %arg6[%swap3A_106] {strides = array<i32>} : memref<64xi32, #tpu.memory_space<vmem>>, vector<16xi32>,
        %swap3A_108 = vector.shape_cast %swap3A_107 : vector<16xi32> to vector<16xi32>
        %swap3A_109 = vector.shape_cast %min3A_105 : vector<16xi32> to vector<16xi32>
        tpu.vector_store %arg6[%swap3A_106], %swap3A_109 {strides = array<i32>} : memref<64xi32, #tpu.memory_space<vmem>>, vector<16xi32>,
        %dma_start3A = arith.constant 0 : i32
        %dma_start3A_110 = arith.constant 0 : i32
        %dma_start3A_111 = arith.constant 0 : i32
        %dma_start3A_112 = tpu.memref_slice %arg8[%dma_start3A, %dma_start3A_110, %dma_start3A_111] : memref<2x64x512xf32, #tpu.memory_space<vmem>> -> memref<1x64x512xf32, #tpu.memory_space<vmem>>
        %dma_start3A_113 = tpu.memref_squeeze %dma_start3A_112 : memref<1x64x512xf32, #tpu.memory_space<vmem>> -> memref<64x512xf32, #tpu.memory_space<vmem>>
        %dma_start3A_114 = arith.constant 0 : i32
        %dma_start3A_115 = arith.constant 0 : i32
        %dma_start3A_116 = tpu.memref_slice %arg3[%dma_start3A_114, %dma_start3A_115] : memref<16384x512xf32, #tpu.memory_space<hbm>> -> memref<16384x512xf32, #tpu.memory_space<hbm>>
        tpu.enqueue_indirect_dma source(%dma_start3A_116 : memref<16384x512xf32, #tpu.memory_space<hbm>>) target(%dma_start3A_113 : memref<64x512xf32, #tpu.memory_space<vmem>>) offsets(%arg6 : memref<64xi32, #tpu.memory_space<vmem>>) semaphore(%arg10 : memref<!tpu.dma_semaphore, #tpu.memory_space<semaphore_mem>>)
      } else {
      }
      %eq3A_66 = arith.constant 1 : i32
      %eq3A_67 = arith.cmpi eq, %rem3A_61, %eq3A_66 : i32
      %convert_element_type3A_68 = arith.extui %eq3A_67 : i1 to i32
      %cond3A_69 = arith.constant 0 : i32
      %cond3A_70 = arith.cmpi ne, %convert_element_type3A_68, %cond3A_69 : i32
      scf.if %cond3A_70 {
        %add3A_71 = arith.constant 0 : i32
        %add3A_72 = arith.addi %add3A_23, %add3A_71 : i32
        %add3A_73 = vector.broadcast %add3A_72 : i32 to vector<16xi32>
        %add3A_74 = arith.addi %add3A_73, %iota3A : vector<16xi32>
        %min3A_75 = vector.broadcast %sub3A_58 : i32 to vector<16xi32>
        %min3A_76 = arith.minsi %add3A_74, %min3A_75 : vector<16xi32>
        %swap3A = arith.constant 0 : index
        %swap3A_77 = tpu.vector_load %arg7[%swap3A] {strides = array<i32>} : memref<64xi32, #tpu.memory_space<vmem>>, vector<16xi32>,
        %swap3A_78 = vector.shape_cast %swap3A_77 : vector<16xi32> to vector<16xi32>
        %swap3A_79 = vector.shape_cast %min3A_76 : vector<16xi32> to vector<16xi32>
        tpu.vector_store %arg7[%swap3A], %swap3A_79 {strides = array<i32>} : memref<64xi32, #tpu.memory_space<vmem>>, vector<16xi32>,
        %add3A_80 = arith.constant 16 : i32
        %add3A_81 = arith.addi %add3A_23, %add3A_80 : i32
        %add3A_82 = vector.broadcast %add3A_81 : i32 to vector<16xi32>
        %add3A_83 = arith.addi %add3A_82, %iota3A : vector<16xi32>
        %min3A_84 = vector.broadcast %sub3A_58 : i32 to vector<16xi32>
        %min3A_85 = arith.minsi %add3A_83, %min3A_84 : vector<16xi32>
        %swap3A_86 = arith.constant 16 : index
        %swap3A_87 = tpu.vector_load %arg7[%swap3A_86] {strides = array<i32>} : memref<64xi32, #tpu.memory_space<vmem>>, vector<16xi32>,
        %swap3A_88 = vector.shape_cast %swap3A_87 : vector<16xi32> to vector<16xi32>
        %swap3A_89 = vector.shape_cast %min3A_85 : vector<16xi32> to vector<16xi32>
        tpu.vector_store %arg7[%swap3A_86], %swap3A_89 {strides = array<i32>} : memref<64xi32, #tpu.memory_space<vmem>>, vector<16xi32>,
        %add3A_90 = arith.constant 32 : i32
        %add3A_91 = arith.addi %add3A_23, %add3A_90 : i32
        %add3A_92 = vector.broadcast %add3A_91 : i32 to vector<16xi32>
        %add3A_93 = arith.addi %add3A_92, %iota3A : vector<16xi32>
        %min3A_94 = vector.broadcast %sub3A_58 : i32 to vector<16xi32>
        %min3A_95 = arith.minsi %add3A_93, %min3A_94 : vector<16xi32>
        %swap3A_96 = arith.constant 32 : index
        %swap3A_97 = tpu.vector_load %arg7[%swap3A_96] {strides = array<i32>} : memref<64xi32, #tpu.memory_space<vmem>>, vector<16xi32>,
        %swap3A_98 = vector.shape_cast %swap3A_97 : vector<16xi32> to vector<16xi32>
        %swap3A_99 = vector.shape_cast %min3A_95 : vector<16xi32> to vector<16xi32>
        tpu.vector_store %arg7[%swap3A_96], %swap3A_99 {strides = array<i32>} : memref<64xi32, #tpu.memory_space<vmem>>, vector<16xi32>,
        %add3A_100 = arith.constant 48 : i32
        %add3A_101 = arith.addi %add3A_23, %add3A_100 : i32
        %add3A_102 = vector.broadcast %add3A_101 : i32 to vector<16xi32>
        %add3A_103 = arith.addi %add3A_102, %iota3A : vector<16xi32>
        %min3A_104 = vector.broadcast %sub3A_58 : i32 to vector<16xi32>
        %min3A_105 = arith.minsi %add3A_103, %min3A_104 : vector<16xi32>
        %swap3A_106 = arith.constant 48 : index
        %swap3A_107 = tpu.vector_load %arg7[%swap3A_106] {strides = array<i32>} : memref<64xi32, #tpu.memory_space<vmem>>, vector<16xi32>,
        %swap3A_108 = vector.shape_cast %swap3A_107 : vector<16xi32> to vector<16xi32>
        %swap3A_109 = vector.shape_cast %min3A_105 : vector<16xi32> to vector<16xi32>
        tpu.vector_store %arg7[%swap3A_106], %swap3A_109 {strides = array<i32>} : memref<64xi32, #tpu.memory_space<vmem>>, vector<16xi32>,
        %dma_start3A = arith.constant 1 : i32
        %dma_start3A_110 = arith.constant 0 : i32
        %dma_start3A_111 = arith.constant 0 : i32
        %dma_start3A_112 = tpu.memref_slice %arg8[%dma_start3A, %dma_start3A_110, %dma_start3A_111] : memref<2x64x512xf32, #tpu.memory_space<vmem>> -> memref<1x64x512xf32, #tpu.memory_space<vmem>>
        %dma_start3A_113 = tpu.memref_squeeze %dma_start3A_112 : memref<1x64x512xf32, #tpu.memory_space<vmem>> -> memref<64x512xf32, #tpu.memory_space<vmem>>
        %dma_start3A_114 = arith.constant 0 : i32
        %dma_start3A_115 = arith.constant 0 : i32
        %dma_start3A_116 = tpu.memref_slice %arg3[%dma_start3A_114, %dma_start3A_115] : memref<16384x512xf32, #tpu.memory_space<hbm>> -> memref<16384x512xf32, #tpu.memory_space<hbm>>
        tpu.enqueue_indirect_dma source(%dma_start3A_116 : memref<16384x512xf32, #tpu.memory_space<hbm>>) target(%dma_start3A_113 : memref<64x512xf32, #tpu.memory_space<vmem>>) offsets(%arg7 : memref<64xi32, #tpu.memory_space<vmem>>) semaphore(%arg11 : memref<!tpu.dma_semaphore, #tpu.memory_space<semaphore_mem>>)
      } else {
      }
    } else {
    }
    %scan3A_32 = arith.constant -1 : i32
    %scan3A_33 = arith.constant -1 : i32
    %scan3A_34 = arith.constant 0 : i32
    %scan3A_35 = arith.constant 16 : i32
    %scan3A_36 = arith.addi %scan3A_34, %scan3A_35 : i32
    %scan3A_37 = arith.constant 1 : i32
    %scan3A_38:2 = scf.for %scan3A_57 = %scan3A_34 to %scan3A_36 step %scan3A_37 iter_args(%scan3A_58 = %scan3A_32, %scan3A_59 = %scan3A_33) -> (i32, i32)  : i32 {
      %eq3A = arith.constant 0 : i32
      %eq3A_60 = arith.cmpi eq, %scan3A_57, %eq3A : i32
      %get3A_61 = arith.index_cast %scan3A_57 : i32 to index
      %get3A_62 = tpu.vector_load %arg5[%get3A_61] {strides = array<i32>} : memref<32xi32, #tpu.memory_space<vmem>>, vector<16xi32>,
      %get3A_63 = vector.shape_cast %get3A_62 : vector<16xi32> to vector<16xi32>
      %slice3A_64 = vector.extract_strided_slice %get3A_63 {offsets = [0], sizes = [1], strides = [1]} : vector<16xi32> to vector<1xi32>
      %squeeze3A_65 = vector.extract %slice3A_64[0] : i32 from vector<1xi32>
      %jit3A_66 = arith.constant 0 : i32
      %select_n3A_67 = arith.select %eq3A_60, %jit3A_66, %squeeze3A_65 : i32
      %eq3A_68 = arith.constant 15 : i32
      %eq3A_69 = arith.cmpi eq, %scan3A_57, %eq3A_68 : i32
      %add3A_70 = arith.constant 1 : i32
      %add3A_71 = arith.addi %scan3A_57, %add3A_70 : i32
      %get3A_72 = arith.index_cast %add3A_71 : i32 to index
      %get3A_73 = tpu.vector_load %arg5[%get3A_72] {strides = array<i32>} : memref<32xi32, #tpu.memory_space<vmem>>, vector<16xi32>,
      %get3A_74 = vector.shape_cast %get3A_73 : vector<16xi32> to vector<16xi32>
      %slice3A_75 = vector.extract_strided_slice %get3A_74 {offsets = [0], sizes = [1], strides = [1]} : vector<16xi32> to vector<1xi32>
      %squeeze3A_76 = vector.extract %slice3A_75[0] : i32 from vector<1xi32>
      %jit3A_77 = arith.constant 16384 : i32
      %select_n3A_78 = arith.select %eq3A_69, %jit3A_77, %squeeze3A_76 : i32
      %add3A_79 = arith.addi %add3A, %scan3A_57 : i32
      %rem3A_80 = arith.constant 32 : i32
      %rem3A_81 = arith.remsi %add3A_79, %rem3A_80 : i32
      %mul3A_82 = arith.constant 64 : i32
      %mul3A_83 = arith.muli %rem3A_81, %mul3A_82 : i32
      %add3A_84 = arith.addi %select_n3A_67, %mul3A_83 : i32
      %sub3A_85 = arith.subi %select_n3A_78, %add3A_84 : i32
      %jit3A_86 = arith.constant 0 : i32
      %jit3A_87 = arith.constant 64 : i32
      %max3A_88 = arith.maxsi %jit3A_86, %sub3A_85 : i32
      %min3A_89 = arith.minsi %jit3A_87, %max3A_88 : i32
      %mul3A_90 = arith.constant 2048 : i32
      %mul3A_91 = arith.muli %scan3A_57, %mul3A_90 : i32
      %mul3A_92 = arith.constant 64 : i32
      %mul3A_93 = arith.muli %rem3A_81, %mul3A_92 : i32
      %add3A_94 = arith.addi %mul3A_91, %mul3A_93 : i32
      %rem3A_95 = arith.constant 2 : i32
      %rem3A_96 = arith.remsi %scan3A_57, %rem3A_95 : i32
      %eq3A_97 = arith.constant 0 : i32
      %eq3A_98 = arith.cmpi eq, %min3A_89, %eq3A_97 : i32
      %convert_element_type3A_99 = arith.extui %eq3A_98 : i1 to i32
      %cond3A_100 = arith.constant 0 : i32
      %cond3A_101 = arith.cmpi ne, %convert_element_type3A_99, %cond3A_100 : i32
      scf.if %cond3A_101 {
        %dma_start3A = arith.constant 0 : i32
        %dma_start3A_129 = tpu.memref_slice %arg4[%add3A_94, %dma_start3A] : memref<32768x512xf32, #tpu.memory_space<hbm>> -> memref<64x512xf32, #tpu.memory_space<hbm>>
        %dma_start3A_130 = arith.constant 0 : i32
        %dma_start3A_131 = tpu.memref_slice %arg4[%add3A_94, %dma_start3A_130] : memref<32768x512xf32, #tpu.memory_space<hbm>> -> memref<64x512xf32, #tpu.memory_space<hbm>>
        tpu.enqueue_dma source(%arg9 : memref<64x512xf32, #tpu.memory_space<vmem>>) target(%dma_start3A_131 : memref<64x512xf32, #tpu.memory_space<hbm>>) target_semaphore(%arg14 : memref<!tpu.dma_semaphore, #tpu.memory_space<semaphore_mem>>)
      } else {
      }
      %gt3A_102 = arith.constant 0 : i32
      %gt3A_103 = arith.cmpi sgt, %min3A_89, %gt3A_102 : i32
      %convert_element_type3A_104 = arith.extui %gt3A_103 : i1 to i32
      %cond3A_105 = arith.constant 0 : i32
      %cond3A_106 = arith.cmpi ne, %convert_element_type3A_104, %cond3A_105 : i32
      scf.if %cond3A_106 {
        %sub3A_129 = arith.constant 1 : i32
        %sub3A_130 = arith.subi %select_n3A_78, %sub3A_129 : i32
        %eq3A_131 = arith.constant 0 : i32
        %eq3A_132 = arith.cmpi eq, %rem3A_96, %eq3A_131 : i32
        %convert_element_type3A_133 = arith.extui %eq3A_132 : i1 to i32
        %cond3A_134 = arith.constant 0 : i32
        %cond3A_135 = arith.cmpi ne, %convert_element_type3A_133, %cond3A_134 : i32
        scf.if %cond3A_135 {
          %dma_wait3A = arith.constant 0 : i32
          %dma_wait3A_141 = arith.constant 0 : i32
          %dma_wait3A_142 = arith.constant 0 : i32
          %dma_wait3A_143 = tpu.memref_slice %arg8[%dma_wait3A, %dma_wait3A_141, %dma_wait3A_142] : memref<2x64x512xf32, #tpu.memory_space<vmem>> -> memref<1x64x512xf32, #tpu.memory_space<vmem>>
          %dma_wait3A_144 = tpu.memref_squeeze %dma_wait3A_143 : memref<1x64x512xf32, #tpu.memory_space<vmem>> -> memref<64x512xf32, #tpu.memory_space<vmem>>
          %dma_wait3A_145 = arith.constant 0 : i32
          %dma_wait3A_146 = arith.constant 0 : i32
          %dma_wait3A_147 = tpu.memref_slice %arg3[%dma_wait3A_145, %dma_wait3A_146] : memref<16384x512xf32, #tpu.memory_space<hbm>> -> memref<16384x512xf32, #tpu.memory_space<hbm>>
          tpu.wait_indirect_dma semaphore(%arg10 : memref<!tpu.dma_semaphore, #tpu.memory_space<semaphore_mem>>) src(%dma_wait3A_147 : memref<16384x512xf32, #tpu.memory_space<hbm>>) dst(%dma_wait3A_144 : memref<64x512xf32, #tpu.memory_space<vmem>>)
        } else {
        }
        %eq3A_136 = arith.constant 1 : i32
        %eq3A_137 = arith.cmpi eq, %rem3A_96, %eq3A_136 : i32
        %convert_element_type3A_138 = arith.extui %eq3A_137 : i1 to i32
        %cond3A_139 = arith.constant 0 : i32
        %cond3A_140 = arith.cmpi ne, %convert_element_type3A_138, %cond3A_139 : i32
        scf.if %cond3A_140 {
          %dma_wait3A = arith.constant 1 : i32
          %dma_wait3A_141 = arith.constant 0 : i32
          %dma_wait3A_142 = arith.constant 0 : i32
          %dma_wait3A_143 = tpu.memref_slice %arg8[%dma_wait3A, %dma_wait3A_141, %dma_wait3A_142] : memref<2x64x512xf32, #tpu.memory_space<vmem>> -> memref<1x64x512xf32, #tpu.memory_space<vmem>>
          %dma_wait3A_144 = tpu.memref_squeeze %dma_wait3A_143 : memref<1x64x512xf32, #tpu.memory_space<vmem>> -> memref<64x512xf32, #tpu.memory_space<vmem>>
          %dma_wait3A_145 = arith.constant 0 : i32
          %dma_wait3A_146 = arith.constant 0 : i32
          %dma_wait3A_147 = tpu.memref_slice %arg3[%dma_wait3A_145, %dma_wait3A_146] : memref<16384x512xf32, #tpu.memory_space<hbm>> -> memref<16384x512xf32, #tpu.memory_space<hbm>>
          tpu.wait_indirect_dma semaphore(%arg11 : memref<!tpu.dma_semaphore, #tpu.memory_space<semaphore_mem>>) src(%dma_wait3A_147 : memref<16384x512xf32, #tpu.memory_space<hbm>>) dst(%dma_wait3A_144 : memref<64x512xf32, #tpu.memory_space<vmem>>)
        } else {
        }
      } else {
      }
      %add3A_107 = arith.constant 1 : i32
      %add3A_108 = arith.addi %scan3A_57, %add3A_107 : i32
      %lt3A = arith.constant 16 : i32
      %lt3A_109 = arith.cmpi slt, %add3A_108, %lt3A : i32
      %convert_element_type3A_110 = arith.extui %lt3A_109 : i1 to i32
      %cond3A_111 = arith.constant 0 : i32
      %cond3A_112 = arith.cmpi ne, %convert_element_type3A_110, %cond3A_111 : i32
      scf.if %cond3A_112 {
        %add3A_129 = arith.constant 1 : i32
        %add3A_130 = arith.addi %scan3A_57, %add3A_129 : i32
        %eq3A_131 = arith.constant 0 : i32
        %eq3A_132 = arith.cmpi eq, %add3A_130, %eq3A_131 : i32
        %get3A_133 = arith.index_cast %add3A_130 : i32 to index
        %get3A_134 = tpu.vector_load %arg5[%get3A_133] {strides = array<i32>} : memref<32xi32, #tpu.memory_space<vmem>>, vector<16xi32>,
        %get3A_135 = vector.shape_cast %get3A_134 : vector<16xi32> to vector<16xi32>
        %slice3A_136 = vector.extract_strided_slice %get3A_135 {offsets = [0], sizes = [1], strides = [1]} : vector<16xi32> to vector<1xi32>
        %squeeze3A_137 = vector.extract %slice3A_136[0] : i32 from vector<1xi32>
        %jit3A_138 = arith.constant 0 : i32
        %select_n3A_139 = arith.select %eq3A_132, %jit3A_138, %squeeze3A_137 : i32
        %eq3A_140 = arith.constant 15 : i32
        %eq3A_141 = arith.cmpi eq, %add3A_130, %eq3A_140 : i32
        %add3A_142 = arith.constant 1 : i32
        %add3A_143 = arith.addi %add3A_130, %add3A_142 : i32
        %get3A_144 = arith.index_cast %add3A_143 : i32 to index
        %get3A_145 = tpu.vector_load %arg5[%get3A_144] {strides = array<i32>} : memref<32xi32, #tpu.memory_space<vmem>>, vector<16xi32>,
        %get3A_146 = vector.shape_cast %get3A_145 : vector<16xi32> to vector<16xi32>
        %slice3A_147 = vector.extract_strided_slice %get3A_146 {offsets = [0], sizes = [1], strides = [1]} : vector<16xi32> to vector<1xi32>
        %squeeze3A_148 = vector.extract %slice3A_147[0] : i32 from vector<1xi32>
        %jit3A_149 = arith.constant 16384 : i32
        %select_n3A_150 = arith.select %eq3A_141, %jit3A_149, %squeeze3A_148 : i32
        %add3A_151 = arith.addi %add3A, %add3A_130 : i32
        %rem3A_152 = arith.constant 32 : i32
        %rem3A_153 = arith.remsi %add3A_151, %rem3A_152 : i32
        %mul3A_154 = arith.constant 64 : i32
        %mul3A_155 = arith.muli %rem3A_153, %mul3A_154 : i32
        %add3A_156 = arith.addi %select_n3A_139, %mul3A_155 : i32
        %sub3A_157 = arith.subi %select_n3A_150, %add3A_156 : i32
        %jit3A_158 = arith.constant 0 : i32
        %jit3A_159 = arith.constant 64 : i32
        %max3A_160 = arith.maxsi %jit3A_158, %sub3A_157 : i32
        %min3A_161 = arith.minsi %jit3A_159, %max3A_160 : i32
        %mul3A_162 = arith.constant 2048 : i32
        %mul3A_163 = arith.muli %add3A_130, %mul3A_162 : i32
        %mul3A_164 = arith.constant 64 : i32
        %mul3A_165 = arith.muli %rem3A_153, %mul3A_164 : i32
        %add3A_166 = arith.addi %mul3A_163, %mul3A_165 : i32
        %gt3A_167 = arith.constant 0 : i32
        %gt3A_168 = arith.cmpi sgt, %min3A_161, %gt3A_167 : i32
        %convert_element_type3A_169 = arith.extui %gt3A_168 : i1 to i32
        %cond3A_170 = arith.constant 0 : i32
        %cond3A_171 = arith.cmpi ne, %convert_element_type3A_169, %cond3A_170 : i32
        scf.if %cond3A_171 {
          %add3A_172 = arith.constant 1 : i32
          %add3A_173 = arith.addi %scan3A_57, %add3A_172 : i32
          %rem3A_174 = arith.constant 2 : i32
          %rem3A_175 = arith.remsi %add3A_173, %rem3A_174 : i32
          %eq3A_176 = arith.constant 0 : i32
          %eq3A_177 = arith.cmpi eq, %rem3A_175, %eq3A_176 : i32
          %select_n3A_178 = arith.select %eq3A_177, %scan3A_58, %scan3A_59 : i32
          %ge3A_179 = arith.constant 0 : i32
          %ge3A_180 = arith.cmpi sge, %select_n3A_178, %ge3A_179 : i32
          %convert_element_type3A_181 = arith.extui %ge3A_180 : i1 to i32
          %cond3A_182 = arith.constant 0 : i32
          %cond3A_183 = arith.cmpi ne, %convert_element_type3A_181, %cond3A_182 : i32
          scf.if %cond3A_183 {
            %eq3A_227 = arith.constant 0 : i32
            %eq3A_228 = arith.cmpi eq, %select_n3A_178, %eq3A_227 : i32
            %get3A_229 = arith.index_cast %select_n3A_178 : i32 to index
            %get3A_230 = tpu.vector_load %arg5[%get3A_229] {strides = array<i32>} : memref<32xi32, #tpu.memory_space<vmem>>, vector<16xi32>,
            %get3A_231 = vector.shape_cast %get3A_230 : vector<16xi32> to vector<16xi32>
            %slice3A_232 = vector.extract_strided_slice %get3A_231 {offsets = [0], sizes = [1], strides = [1]} : vector<16xi32> to vector<1xi32>
            %squeeze3A_233 = vector.extract %slice3A_232[0] : i32 from vector<1xi32>
            %jit3A_234 = arith.constant 0 : i32
            %select_n3A_235 = arith.select %eq3A_228, %jit3A_234, %squeeze3A_233 : i32
            %eq3A_236 = arith.constant 15 : i32
            %eq3A_237 = arith.cmpi eq, %select_n3A_178, %eq3A_236 : i32
            %add3A_238 = arith.constant 1 : i32
            %add3A_239 = arith.addi %select_n3A_178, %add3A_238 : i32
            %get3A_240 = arith.index_cast %add3A_239 : i32 to index
            %get3A_241 = tpu.vector_load %arg5[%get3A_240] {strides = array<i32>} : memref<32xi32, #tpu.memory_space<vmem>>, vector<16xi32>,
            %get3A_242 = vector.shape_cast %get3A_241 : vector<16xi32> to vector<16xi32>
            %slice3A_243 = vector.extract_strided_slice %get3A_242 {offsets = [0], sizes = [1], strides = [1]} : vector<16xi32> to vector<1xi32>
            %squeeze3A_244 = vector.extract %slice3A_243[0] : i32 from vector<1xi32>
            %jit3A_245 = arith.constant 16384 : i32
            %select_n3A_246 = arith.select %eq3A_237, %jit3A_245, %squeeze3A_244 : i32
            %add3A_247 = arith.addi %add3A, %select_n3A_178 : i32
            %rem3A_248 = arith.constant 32 : i32
            %rem3A_249 = arith.remsi %add3A_247, %rem3A_248 : i32
            %mul3A_250 = arith.constant 64 : i32
            %mul3A_251 = arith.muli %rem3A_249, %mul3A_250 : i32
            %add3A_252 = arith.addi %select_n3A_235, %mul3A_251 : i32
            %sub3A_253 = arith.subi %select_n3A_246, %add3A_252 : i32
            %jit3A_254 = arith.constant 0 : i32
            %jit3A_255 = arith.constant 64 : i32
            %max3A_256 = arith.maxsi %jit3A_254, %sub3A_253 : i32
            %min3A_257 = arith.minsi %jit3A_255, %max3A_256 : i32
            %mul3A_258 = arith.constant 2048 : i32
            %mul3A_259 = arith.muli %select_n3A_178, %mul3A_258 : i32
            %mul3A_260 = arith.constant 64 : i32
            %mul3A_261 = arith.muli %rem3A_249, %mul3A_260 : i32
            %add3A_262 = arith.addi %mul3A_259, %mul3A_261 : i32
            %eq3A_263 = arith.constant 0 : i32
            %eq3A_264 = arith.cmpi eq, %rem3A_175, %eq3A_263 : i32
            %convert_element_type3A_265 = arith.extui %eq3A_264 : i1 to i32
            %cond3A_266 = arith.constant 0 : i32
            %cond3A_267 = arith.cmpi ne, %convert_element_type3A_265, %cond3A_266 : i32
            scf.if %cond3A_267 {
              %dma_wait3A = arith.constant 0 : i32
              %dma_wait3A_273 = arith.constant 0 : i32
              %dma_wait3A_274 = arith.constant 0 : i32
              %dma_wait3A_275 = tpu.memref_slice %arg8[%dma_wait3A, %dma_wait3A_273, %dma_wait3A_274] : memref<2x64x512xf32, #tpu.memory_space<vmem>> -> memref<1x64x512xf32, #tpu.memory_space<vmem>>
              %dma_wait3A_276 = tpu.memref_squeeze %dma_wait3A_275 : memref<1x64x512xf32, #tpu.memory_space<vmem>> -> memref<64x512xf32, #tpu.memory_space<vmem>>
              %dma_wait3A_277 = arith.constant 0 : i32
              %dma_wait3A_278 = tpu.memref_slice %arg4[%add3A_262, %dma_wait3A_277] : memref<32768x512xf32, #tpu.memory_space<hbm>> -> memref<64x512xf32, #tpu.memory_space<hbm>>
              %dma_wait3A_279 = arith.constant 0 : i32
              %dma_wait3A_280 = tpu.memref_slice %arg4[%add3A_262, %dma_wait3A_279] : memref<32768x512xf32, #tpu.memory_space<hbm>> -> memref<64x512xf32, #tpu.memory_space<hbm>>
              %dma_wait3A_281 = arith.constant 0 : i32
              %dma_wait3A_282 = arith.constant 0 : i32
              %dma_wait3A_283 = tpu.memref_slice %arg8[%dma_wait3A, %dma_wait3A_281, %dma_wait3A_282] : memref<2x64x512xf32, #tpu.memory_space<vmem>> -> memref<1x64x512xf32, #tpu.memory_space<vmem>>
              %dma_wait3A_284 = tpu.memref_squeeze %dma_wait3A_283 : memref<1x64x512xf32, #tpu.memory_space<vmem>> -> memref<64x512xf32, #tpu.memory_space<vmem>>
              tpu.wait_dma2 semaphore(%arg12 : memref<!tpu.dma_semaphore, #tpu.memory_space<semaphore_mem>>) src(%dma_wait3A_284 : memref<64x512xf32, #tpu.memory_space<vmem>>) dst(%dma_wait3A_280 : memref<64x512xf32, #tpu.memory_space<hbm>>)
            } else {
            }
            %eq3A_268 = arith.constant 1 : i32
            %eq3A_269 = arith.cmpi eq, %rem3A_175, %eq3A_268 : i32
            %convert_element_type3A_270 = arith.extui %eq3A_269 : i1 to i32
            %cond3A_271 = arith.constant 0 : i32
            %cond3A_272 = arith.cmpi ne, %convert_element_type3A_270, %cond3A_271 : i32
            scf.if %cond3A_272 {
              %dma_wait3A = arith.constant 1 : i32
              %dma_wait3A_273 = arith.constant 0 : i32
              %dma_wait3A_274 = arith.constant 0 : i32
              %dma_wait3A_275 = tpu.memref_slice %arg8[%dma_wait3A, %dma_wait3A_273, %dma_wait3A_274] : memref<2x64x512xf32, #tpu.memory_space<vmem>> -> memref<1x64x512xf32, #tpu.memory_space<vmem>>
              %dma_wait3A_276 = tpu.memref_squeeze %dma_wait3A_275 : memref<1x64x512xf32, #tpu.memory_space<vmem>> -> memref<64x512xf32, #tpu.memory_space<vmem>>
              %dma_wait3A_277 = arith.constant 0 : i32
              %dma_wait3A_278 = tpu.memref_slice %arg4[%add3A_262, %dma_wait3A_277] : memref<32768x512xf32, #tpu.memory_space<hbm>> -> memref<64x512xf32, #tpu.memory_space<hbm>>
              %dma_wait3A_279 = arith.constant 0 : i32
              %dma_wait3A_280 = tpu.memref_slice %arg4[%add3A_262, %dma_wait3A_279] : memref<32768x512xf32, #tpu.memory_space<hbm>> -> memref<64x512xf32, #tpu.memory_space<hbm>>
              %dma_wait3A_281 = arith.constant 0 : i32
              %dma_wait3A_282 = arith.constant 0 : i32
              %dma_wait3A_283 = tpu.memref_slice %arg8[%dma_wait3A, %dma_wait3A_281, %dma_wait3A_282] : memref<2x64x512xf32, #tpu.memory_space<vmem>> -> memref<1x64x512xf32, #tpu.memory_space<vmem>>
              %dma_wait3A_284 = tpu.memref_squeeze %dma_wait3A_283 : memref<1x64x512xf32, #tpu.memory_space<vmem>> -> memref<64x512xf32, #tpu.memory_space<vmem>>
              tpu.wait_dma2 semaphore(%arg13 : memref<!tpu.dma_semaphore, #tpu.memory_space<semaphore_mem>>) src(%dma_wait3A_284 : memref<64x512xf32, #tpu.memory_space<vmem>>) dst(%dma_wait3A_280 : memref<64x512xf32, #tpu.memory_space<hbm>>)
            } else {
            }
          } else {
          }
          %add3A_184 = arith.constant 1 : i32
          %add3A_185 = arith.addi %scan3A_57, %add3A_184 : i32
          %eq3A_186 = arith.constant 0 : i32
          %eq3A_187 = arith.cmpi eq, %add3A_185, %eq3A_186 : i32
          %get3A_188 = arith.index_cast %add3A_185 : i32 to index
          %get3A_189 = tpu.vector_load %arg5[%get3A_188] {strides = array<i32>} : memref<32xi32, #tpu.memory_space<vmem>>, vector<16xi32>,
          %get3A_190 = vector.shape_cast %get3A_189 : vector<16xi32> to vector<16xi32>
          %slice3A_191 = vector.extract_strided_slice %get3A_190 {offsets = [0], sizes = [1], strides = [1]} : vector<16xi32> to vector<1xi32>
          %squeeze3A_192 = vector.extract %slice3A_191[0] : i32 from vector<1xi32>
          %jit3A_193 = arith.constant 0 : i32
          %select_n3A_194 = arith.select %eq3A_187, %jit3A_193, %squeeze3A_192 : i32
          %eq3A_195 = arith.constant 15 : i32
          %eq3A_196 = arith.cmpi eq, %add3A_185, %eq3A_195 : i32
          %add3A_197 = arith.constant 1 : i32
          %add3A_198 = arith.addi %add3A_185, %add3A_197 : i32
          %get3A_199 = arith.index_cast %add3A_198 : i32 to index
          %get3A_200 = tpu.vector_load %arg5[%get3A_199] {strides = array<i32>} : memref<32xi32, #tpu.memory_space<vmem>>, vector<16xi32>,
          %get3A_201 = vector.shape_cast %get3A_200 : vector<16xi32> to vector<16xi32>
          %slice3A_202 = vector.extract_strided_slice %get3A_201 {offsets = [0], sizes = [1], strides = [1]} : vector<16xi32> to vector<1xi32>
          %squeeze3A_203 = vector.extract %slice3A_202[0] : i32 from vector<1xi32>
          %jit3A_204 = arith.constant 16384 : i32
          %select_n3A_205 = arith.select %eq3A_196, %jit3A_204, %squeeze3A_203 : i32
          %add3A_206 = arith.addi %add3A, %add3A_185 : i32
          %rem3A_207 = arith.constant 32 : i32
          %rem3A_208 = arith.remsi %add3A_206, %rem3A_207 : i32
          %mul3A_209 = arith.constant 64 : i32
          %mul3A_210 = arith.muli %rem3A_208, %mul3A_209 : i32
          %add3A_211 = arith.addi %select_n3A_194, %mul3A_210 : i32
          %sub3A_212 = arith.subi %select_n3A_205, %add3A_211 : i32
          %jit3A_213 = arith.constant 0 : i32
          %jit3A_214 = arith.constant 64 : i32
          %max3A_215 = arith.maxsi %jit3A_213, %sub3A_212 : i32
          %min3A_216 = arith.minsi %jit3A_214, %max3A_215 : i32
          %mul3A_217 = arith.constant 2048 : i32
          %mul3A_218 = arith.muli %add3A_185, %mul3A_217 : i32
          %mul3A_219 = arith.constant 64 : i32
          %mul3A_220 = arith.muli %rem3A_208, %mul3A_219 : i32
          %add3A_221 = arith.addi %mul3A_218, %mul3A_220 : i32
          %gt3A_222 = arith.constant 0 : i32
          %gt3A_223 = arith.cmpi sgt, %min3A_216, %gt3A_222 : i32
          %convert_element_type3A_224 = arith.extui %gt3A_223 : i1 to i32
          %cond3A_225 = arith.constant 0 : i32
          %cond3A_226 = arith.cmpi ne, %convert_element_type3A_224, %cond3A_225 : i32
          scf.if %cond3A_226 {
            %sub3A_227 = arith.constant 1 : i32
            %sub3A_228 = arith.subi %select_n3A_205, %sub3A_227 : i32
            %rem3A_229 = arith.constant 2 : i32
            %rem3A_230 = arith.remsi %add3A_185, %rem3A_229 : i32
            %eq3A_231 = arith.constant 0 : i32
            %eq3A_232 = arith.cmpi eq, %rem3A_230, %eq3A_231 : i32
            %convert_element_type3A_233 = arith.extui %eq3A_232 : i1 to i32
            %cond3A_234 = arith.constant 0 : i32
            %cond3A_235 = arith.cmpi ne, %convert_element_type3A_233, %cond3A_234 : i32
            scf.if %cond3A_235 {
              %add3A_241 = arith.constant 0 : i32
              %add3A_242 = arith.addi %add3A_211, %add3A_241 : i32
              %add3A_243 = vector.broadcast %add3A_242 : i32 to vector<16xi32>
              %add3A_244 = arith.addi %add3A_243, %iota3A : vector<16xi32>
              %min3A_245 = vector.broadcast %sub3A_228 : i32 to vector<16xi32>
              %min3A_246 = arith.minsi %add3A_244, %min3A_245 : vector<16xi32>
              %swap3A = arith.constant 0 : index
              %swap3A_247 = tpu.vector_load %arg6[%swap3A] {strides = array<i32>} : memref<64xi32, #tpu.memory_space<vmem>>, vector<16xi32>,
              %swap3A_248 = vector.shape_cast %swap3A_247 : vector<16xi32> to vector<16xi32>
              %swap3A_249 = vector.shape_cast %min3A_246 : vector<16xi32> to vector<16xi32>
              tpu.vector_store %arg6[%swap3A], %swap3A_249 {strides = array<i32>} : memref<64xi32, #tpu.memory_space<vmem>>, vector<16xi32>,
              %add3A_250 = arith.constant 16 : i32
              %add3A_251 = arith.addi %add3A_211, %add3A_250 : i32
              %add3A_252 = vector.broadcast %add3A_251 : i32 to vector<16xi32>
              %add3A_253 = arith.addi %add3A_252, %iota3A : vector<16xi32>
              %min3A_254 = vector.broadcast %sub3A_228 : i32 to vector<16xi32>
              %min3A_255 = arith.minsi %add3A_253, %min3A_254 : vector<16xi32>
              %swap3A_256 = arith.constant 16 : index
              %swap3A_257 = tpu.vector_load %arg6[%swap3A_256] {strides = array<i32>} : memref<64xi32, #tpu.memory_space<vmem>>, vector<16xi32>,
              %swap3A_258 = vector.shape_cast %swap3A_257 : vector<16xi32> to vector<16xi32>
              %swap3A_259 = vector.shape_cast %min3A_255 : vector<16xi32> to vector<16xi32>
              tpu.vector_store %arg6[%swap3A_256], %swap3A_259 {strides = array<i32>} : memref<64xi32, #tpu.memory_space<vmem>>, vector<16xi32>,
              %add3A_260 = arith.constant 32 : i32
              %add3A_261 = arith.addi %add3A_211, %add3A_260 : i32
              %add3A_262 = vector.broadcast %add3A_261 : i32 to vector<16xi32>
              %add3A_263 = arith.addi %add3A_262, %iota3A : vector<16xi32>
              %min3A_264 = vector.broadcast %sub3A_228 : i32 to vector<16xi32>
              %min3A_265 = arith.minsi %add3A_263, %min3A_264 : vector<16xi32>
              %swap3A_266 = arith.constant 32 : index
              %swap3A_267 = tpu.vector_load %arg6[%swap3A_266] {strides = array<i32>} : memref<64xi32, #tpu.memory_space<vmem>>, vector<16xi32>,
              %swap3A_268 = vector.shape_cast %swap3A_267 : vector<16xi32> to vector<16xi32>
              %swap3A_269 = vector.shape_cast %min3A_265 : vector<16xi32> to vector<16xi32>
              tpu.vector_store %arg6[%swap3A_266], %swap3A_269 {strides = array<i32>} : memref<64xi32, #tpu.memory_space<vmem>>, vector<16xi32>,
              %add3A_270 = arith.constant 48 : i32
              %add3A_271 = arith.addi %add3A_211, %add3A_270 : i32
              %add3A_272 = vector.broadcast %add3A_271 : i32 to vector<16xi32>
              %add3A_273 = arith.addi %add3A_272, %iota3A : vector<16xi32>
              %min3A_274 = vector.broadcast %sub3A_228 : i32 to vector<16xi32>
              %min3A_275 = arith.minsi %add3A_273, %min3A_274 : vector<16xi32>
              %swap3A_276 = arith.constant 48 : index
              %swap3A_277 = tpu.vector_load %arg6[%swap3A_276] {strides = array<i32>} : memref<64xi32, #tpu.memory_space<vmem>>, vector<16xi32>,
              %swap3A_278 = vector.shape_cast %swap3A_277 : vector<16xi32> to vector<16xi32>
              %swap3A_279 = vector.shape_cast %min3A_275 : vector<16xi32> to vector<16xi32>
              tpu.vector_store %arg6[%swap3A_276], %swap3A_279 {strides = array<i32>} : memref<64xi32, #tpu.memory_space<vmem>>, vector<16xi32>,
              %dma_start3A = arith.constant 0 : i32
              %dma_start3A_280 = arith.constant 0 : i32
              %dma_start3A_281 = arith.constant 0 : i32
              %dma_start3A_282 = tpu.memref_slice %arg8[%dma_start3A, %dma_start3A_280, %dma_start3A_281] : memref<2x64x512xf32, #tpu.memory_space<vmem>> -> memref<1x64x512xf32, #tpu.memory_space<vmem>>
              %dma_start3A_283 = tpu.memref_squeeze %dma_start3A_282 : memref<1x64x512xf32, #tpu.memory_space<vmem>> -> memref<64x512xf32, #tpu.memory_space<vmem>>
              %dma_start3A_284 = arith.constant 0 : i32
              %dma_start3A_285 = arith.constant 0 : i32
              %dma_start3A_286 = tpu.memref_slice %arg3[%dma_start3A_284, %dma_start3A_285] : memref<16384x512xf32, #tpu.memory_space<hbm>> -> memref<16384x512xf32, #tpu.memory_space<hbm>>
              tpu.enqueue_indirect_dma source(%dma_start3A_286 : memref<16384x512xf32, #tpu.memory_space<hbm>>) target(%dma_start3A_283 : memref<64x512xf32, #tpu.memory_space<vmem>>) offsets(%arg6 : memref<64xi32, #tpu.memory_space<vmem>>) semaphore(%arg10 : memref<!tpu.dma_semaphore, #tpu.memory_space<semaphore_mem>>)
            } else {
            }
            %eq3A_236 = arith.constant 1 : i32
            %eq3A_237 = arith.cmpi eq, %rem3A_230, %eq3A_236 : i32
            %convert_element_type3A_238 = arith.extui %eq3A_237 : i1 to i32
            %cond3A_239 = arith.constant 0 : i32
            %cond3A_240 = arith.cmpi ne, %convert_element_type3A_238, %cond3A_239 : i32
            scf.if %cond3A_240 {
              %add3A_241 = arith.constant 0 : i32
              %add3A_242 = arith.addi %add3A_211, %add3A_241 : i32
              %add3A_243 = vector.broadcast %add3A_242 : i32 to vector<16xi32>
              %add3A_244 = arith.addi %add3A_243, %iota3A : vector<16xi32>
              %min3A_245 = vector.broadcast %sub3A_228 : i32 to vector<16xi32>
              %min3A_246 = arith.minsi %add3A_244, %min3A_245 : vector<16xi32>
              %swap3A = arith.constant 0 : index
              %swap3A_247 = tpu.vector_load %arg7[%swap3A] {strides = array<i32>} : memref<64xi32, #tpu.memory_space<vmem>>, vector<16xi32>,
              %swap3A_248 = vector.shape_cast %swap3A_247 : vector<16xi32> to vector<16xi32>
              %swap3A_249 = vector.shape_cast %min3A_246 : vector<16xi32> to vector<16xi32>
              tpu.vector_store %arg7[%swap3A], %swap3A_249 {strides = array<i32>} : memref<64xi32, #tpu.memory_space<vmem>>, vector<16xi32>,
              %add3A_250 = arith.constant 16 : i32
              %add3A_251 = arith.addi %add3A_211, %add3A_250 : i32
              %add3A_252 = vector.broadcast %add3A_251 : i32 to vector<16xi32>
              %add3A_253 = arith.addi %add3A_252, %iota3A : vector<16xi32>
              %min3A_254 = vector.broadcast %sub3A_228 : i32 to vector<16xi32>
              %min3A_255 = arith.minsi %add3A_253, %min3A_254 : vector<16xi32>
              %swap3A_256 = arith.constant 16 : index
              %swap3A_257 = tpu.vector_load %arg7[%swap3A_256] {strides = array<i32>} : memref<64xi32, #tpu.memory_space<vmem>>, vector<16xi32>,
              %swap3A_258 = vector.shape_cast %swap3A_257 : vector<16xi32> to vector<16xi32>
              %swap3A_259 = vector.shape_cast %min3A_255 : vector<16xi32> to vector<16xi32>
              tpu.vector_store %arg7[%swap3A_256], %swap3A_259 {strides = array<i32>} : memref<64xi32, #tpu.memory_space<vmem>>, vector<16xi32>,
              %add3A_260 = arith.constant 32 : i32
              %add3A_261 = arith.addi %add3A_211, %add3A_260 : i32
              %add3A_262 = vector.broadcast %add3A_261 : i32 to vector<16xi32>
              %add3A_263 = arith.addi %add3A_262, %iota3A : vector<16xi32>
              %min3A_264 = vector.broadcast %sub3A_228 : i32 to vector<16xi32>
              %min3A_265 = arith.minsi %add3A_263, %min3A_264 : vector<16xi32>
              %swap3A_266 = arith.constant 32 : index
              %swap3A_267 = tpu.vector_load %arg7[%swap3A_266] {strides = array<i32>} : memref<64xi32, #tpu.memory_space<vmem>>, vector<16xi32>,
              %swap3A_268 = vector.shape_cast %swap3A_267 : vector<16xi32> to vector<16xi32>
              %swap3A_269 = vector.shape_cast %min3A_265 : vector<16xi32> to vector<16xi32>
              tpu.vector_store %arg7[%swap3A_266], %swap3A_269 {strides = array<i32>} : memref<64xi32, #tpu.memory_space<vmem>>, vector<16xi32>,
              %add3A_270 = arith.constant 48 : i32
              %add3A_271 = arith.addi %add3A_211, %add3A_270 : i32
              %add3A_272 = vector.broadcast %add3A_271 : i32 to vector<16xi32>
              %add3A_273 = arith.addi %add3A_272, %iota3A : vector<16xi32>
              %min3A_274 = vector.broadcast %sub3A_228 : i32 to vector<16xi32>
              %min3A_275 = arith.minsi %add3A_273, %min3A_274 : vector<16xi32>
              %swap3A_276 = arith.constant 48 : index
              %swap3A_277 = tpu.vector_load %arg7[%swap3A_276] {strides = array<i32>} : memref<64xi32, #tpu.memory_space<vmem>>, vector<16xi32>,
              %swap3A_278 = vector.shape_cast %swap3A_277 : vector<16xi32> to vector<16xi32>
              %swap3A_279 = vector.shape_cast %min3A_275 : vector<16xi32> to vector<16xi32>
              tpu.vector_store %arg7[%swap3A_276], %swap3A_279 {strides = array<i32>} : memref<64xi32, #tpu.memory_space<vmem>>, vector<16xi32>,
              %dma_start3A = arith.constant 1 : i32
              %dma_start3A_280 = arith.constant 0 : i32
              %dma_start3A_281 = arith.constant 0 : i32
              %dma_start3A_282 = tpu.memref_slice %arg8[%dma_start3A, %dma_start3A_280, %dma_start3A_281] : memref<2x64x512xf32, #tpu.memory_space<vmem>> -> memref<1x64x512xf32, #tpu.memory_space<vmem>>
              %dma_start3A_283 = tpu.memref_squeeze %dma_start3A_282 : memref<1x64x512xf32, #tpu.memory_space<vmem>> -> memref<64x512xf32, #tpu.memory_space<vmem>>
              %dma_start3A_284 = arith.constant 0 : i32
              %dma_start3A_285 = arith.constant 0 : i32
              %dma_start3A_286 = tpu.memref_slice %arg3[%dma_start3A_284, %dma_start3A_285] : memref<16384x512xf32, #tpu.memory_space<hbm>> -> memref<16384x512xf32, #tpu.memory_space<hbm>>
              tpu.enqueue_indirect_dma source(%dma_start3A_286 : memref<16384x512xf32, #tpu.memory_space<hbm>>) target(%dma_start3A_283 : memref<64x512xf32, #tpu.memory_space<vmem>>) offsets(%arg7 : memref<64xi32, #tpu.memory_space<vmem>>) semaphore(%arg11 : memref<!tpu.dma_semaphore, #tpu.memory_space<semaphore_mem>>)
            } else {
            }
          } else {
          }
        } else {
        }
      } else {
      }
      %gt3A_113 = arith.constant 0 : i32
      %gt3A_114 = arith.cmpi sgt, %min3A_89, %gt3A_113 : i32
      %convert_element_type3A_115 = arith.extui %gt3A_114 : i1 to i32
      %cond3A_116 = arith.constant 0 : i32
      %cond3A_117 = arith.cmpi ne, %convert_element_type3A_115, %cond3A_116 : i32
      scf.if %cond3A_117 {
        %lt3A_129 = arith.constant 64 : i32
        %lt3A_130 = arith.cmpi slt, %min3A_89, %lt3A_129 : i32
        %convert_element_type3A_131 = arith.extui %lt3A_130 : i1 to i32
        %cond3A_132 = arith.constant 0 : i32
        %cond3A_133 = arith.cmpi ne, %convert_element_type3A_131, %cond3A_132 : i32
        scf.if %cond3A_133 {
          %while3A = arith.constant 0 : i32
          %while3A_144 = arith.constant 64 : i32
          %while3A_145 = arith.subi %while3A_144, %min3A_89 : i32
          %while3A_146 = arith.addi %min3A_89, %while3A_145 : i32
          %while3A_147 = arith.constant 1 : i32
          %while3A_148 = arith.divsi %while3A_145, %while3A_147 : i32
          %while3A_149 = arith.muli %while3A_148, %while3A_147 : i32
          %while3A_150 = arith.addi %min3A_89, %while3A_149 : i32
          %while3A_151 = arith.constant 1 : i32
          scf.for %while3A_153 = %min3A_89 to %while3A_150 step %while3A_151  : i32 {
            %eq3A_154 = arith.constant 0 : i32
            %eq3A_155 = arith.cmpi eq, %rem3A_96, %eq3A_154 : i32
            %convert_element_type3A_156 = arith.extui %eq3A_155 : i1 to i32
            %cond3A_157 = arith.constant 0 : i32
            %cond3A_158 = arith.cmpi ne, %convert_element_type3A_156, %cond3A_157 : i32
            scf.if %cond3A_158 {
              %swap3A = arith.constant 0 : i32
              %swap3A_474 = arith.index_cast %swap3A : i32 to index
              %swap3A_475 = arith.index_cast %while3A_153 : i32 to index
              %swap3A_476 = arith.constant 0 : index
              %swap3A_477 = tpu.vector_load %arg8[%swap3A_474, %swap3A_475, %swap3A_476] {strides = array<i32>} : memref<2x64x512xf32, #tpu.memory_space<vmem>>, vector<1x1x16xf32>,
              %swap3A_478 = vector.shape_cast %swap3A_477 : vector<1x1x16xf32> to vector<16xf32>
              %swap3A_479 = vector.shape_cast %broadcast_in_dim3A_1 : vector<16xf32> to vector<1x1x16xf32>
              tpu.vector_store %arg8[%swap3A_474, %swap3A_475, %swap3A_476], %swap3A_479 {strides = array<i32>} : memref<2x64x512xf32, #tpu.memory_space<vmem>>, vector<1x1x16xf32>,
            } else {
            }
            %eq3A_159 = arith.constant 1 : i32
            %eq3A_160 = arith.cmpi eq, %rem3A_96, %eq3A_159 : i32
            %convert_element_type3A_161 = arith.extui %eq3A_160 : i1 to i32
            %cond3A_162 = arith.constant 0 : i32
            %cond3A_163 = arith.cmpi ne, %convert_element_type3A_161, %cond3A_162 : i32
            scf.if %cond3A_163 {
              %swap3A = arith.constant 1 : i32
              %swap3A_474 = arith.index_cast %swap3A : i32 to index
              %swap3A_475 = arith.index_cast %while3A_153 : i32 to index
              %swap3A_476 = arith.constant 0 : index
              %swap3A_477 = tpu.vector_load %arg8[%swap3A_474, %swap3A_475, %swap3A_476] {strides = array<i32>} : memref<2x64x512xf32, #tpu.memory_space<vmem>>, vector<1x1x16xf32>,
              %swap3A_478 = vector.shape_cast %swap3A_477 : vector<1x1x16xf32> to vector<16xf32>
              %swap3A_479 = vector.shape_cast %broadcast_in_dim3A_1 : vector<16xf32> to vector<1x1x16xf32>
              tpu.vector_store %arg8[%swap3A_474, %swap3A_475, %swap3A_476], %swap3A_479 {strides = array<i32>} : memref<2x64x512xf32, #tpu.memory_space<vmem>>, vector<1x1x16xf32>,
            } else {
            }
            %eq3A_164 = arith.constant 0 : i32
            %eq3A_165 = arith.cmpi eq, %rem3A_96, %eq3A_164 : i32
            %convert_element_type3A_166 = arith.extui %eq3A_165 : i1 to i32
            %cond3A_167 = arith.constant 0 : i32
            %cond3A_168 = arith.cmpi ne, %convert_element_type3A_166, %cond3A_167 : i32
            scf.if %cond3A_168 {
              %swap3A = arith.constant 0 : i32
              %swap3A_474 = arith.index_cast %swap3A : i32 to index
              %swap3A_475 = arith.index_cast %while3A_153 : i32 to index
              %swap3A_476 = arith.constant 16 : index
              %swap3A_477 = tpu.vector_load %arg8[%swap3A_474, %swap3A_475, %swap3A_476] {strides = array<i32>} : memref<2x64x512xf32, #tpu.memory_space<vmem>>, vector<1x1x16xf32>,
              %swap3A_478 = vector.shape_cast %swap3A_477 : vector<1x1x16xf32> to vector<16xf32>
              %swap3A_479 = vector.shape_cast %broadcast_in_dim3A_1 : vector<16xf32> to vector<1x1x16xf32>
              tpu.vector_store %arg8[%swap3A_474, %swap3A_475, %swap3A_476], %swap3A_479 {strides = array<i32>} : memref<2x64x512xf32, #tpu.memory_space<vmem>>, vector<1x1x16xf32>,
            } else {
            }
            %eq3A_169 = arith.constant 1 : i32
            %eq3A_170 = arith.cmpi eq, %rem3A_96, %eq3A_169 : i32
            %convert_element_type3A_171 = arith.extui %eq3A_170 : i1 to i32
            %cond3A_172 = arith.constant 0 : i32
            %cond3A_173 = arith.cmpi ne, %convert_element_type3A_171, %cond3A_172 : i32
            scf.if %cond3A_173 {
              %swap3A = arith.constant 1 : i32
              %swap3A_474 = arith.index_cast %swap3A : i32 to index
              %swap3A_475 = arith.index_cast %while3A_153 : i32 to index
              %swap3A_476 = arith.constant 16 : index
              %swap3A_477 = tpu.vector_load %arg8[%swap3A_474, %swap3A_475, %swap3A_476] {strides = array<i32>} : memref<2x64x512xf32, #tpu.memory_space<vmem>>, vector<1x1x16xf32>,
              %swap3A_478 = vector.shape_cast %swap3A_477 : vector<1x1x16xf32> to vector<16xf32>
              %swap3A_479 = vector.shape_cast %broadcast_in_dim3A_1 : vector<16xf32> to vector<1x1x16xf32>
              tpu.vector_store %arg8[%swap3A_474, %swap3A_475, %swap3A_476], %swap3A_479 {strides = array<i32>} : memref<2x64x512xf32, #tpu.memory_space<vmem>>, vector<1x1x16xf32>,
            } else {
            }
            %eq3A_174 = arith.constant 0 : i32
            %eq3A_175 = arith.cmpi eq, %rem3A_96, %eq3A_174 : i32
            %convert_element_type3A_176 = arith.extui %eq3A_175 : i1 to i32
            %cond3A_177 = arith.constant 0 : i32
            %cond3A_178 = arith.cmpi ne, %convert_element_type3A_176, %cond3A_177 : i32
            scf.if %cond3A_178 {
              %swap3A = arith.constant 0 : i32
              %swap3A_474 = arith.index_cast %swap3A : i32 to index
              %swap3A_475 = arith.index_cast %while3A_153 : i32 to index
              %swap3A_476 = arith.constant 32 : index
              %swap3A_477 = tpu.vector_load %arg8[%swap3A_474, %swap3A_475, %swap3A_476] {strides = array<i32>} : memref<2x64x512xf32, #tpu.memory_space<vmem>>, vector<1x1x16xf32>,
              %swap3A_478 = vector.shape_cast %swap3A_477 : vector<1x1x16xf32> to vector<16xf32>
              %swap3A_479 = vector.shape_cast %broadcast_in_dim3A_1 : vector<16xf32> to vector<1x1x16xf32>
              tpu.vector_store %arg8[%swap3A_474, %swap3A_475, %swap3A_476], %swap3A_479 {strides = array<i32>} : memref<2x64x512xf32, #tpu.memory_space<vmem>>, vector<1x1x16xf32>,
            } else {
            }
            %eq3A_179 = arith.constant 1 : i32
            %eq3A_180 = arith.cmpi eq, %rem3A_96, %eq3A_179 : i32
            %convert_element_type3A_181 = arith.extui %eq3A_180 : i1 to i32
            %cond3A_182 = arith.constant 0 : i32
            %cond3A_183 = arith.cmpi ne, %convert_element_type3A_181, %cond3A_182 : i32
            scf.if %cond3A_183 {
              %swap3A = arith.constant 1 : i32
              %swap3A_474 = arith.index_cast %swap3A : i32 to index
              %swap3A_475 = arith.index_cast %while3A_153 : i32 to index
              %swap3A_476 = arith.constant 32 : index
              %swap3A_477 = tpu.vector_load %arg8[%swap3A_474, %swap3A_475, %swap3A_476] {strides = array<i32>} : memref<2x64x512xf32, #tpu.memory_space<vmem>>, vector<1x1x16xf32>,
              %swap3A_478 = vector.shape_cast %swap3A_477 : vector<1x1x16xf32> to vector<16xf32>
              %swap3A_479 = vector.shape_cast %broadcast_in_dim3A_1 : vector<16xf32> to vector<1x1x16xf32>
              tpu.vector_store %arg8[%swap3A_474, %swap3A_475, %swap3A_476], %swap3A_479 {strides = array<i32>} : memref<2x64x512xf32, #tpu.memory_space<vmem>>, vector<1x1x16xf32>,
            } else {
            }
            %eq3A_184 = arith.constant 0 : i32
            %eq3A_185 = arith.cmpi eq, %rem3A_96, %eq3A_184 : i32
            %convert_element_type3A_186 = arith.extui %eq3A_185 : i1 to i32
            %cond3A_187 = arith.constant 0 : i32
            %cond3A_188 = arith.cmpi ne, %convert_element_type3A_186, %cond3A_187 : i32
            scf.if %cond3A_188 {
              %swap3A = arith.constant 0 : i32
              %swap3A_474 = arith.index_cast %swap3A : i32 to index
              %swap3A_475 = arith.index_cast %while3A_153 : i32 to index
              %swap3A_476 = arith.constant 48 : index
              %swap3A_477 = tpu.vector_load %arg8[%swap3A_474, %swap3A_475, %swap3A_476] {strides = array<i32>} : memref<2x64x512xf32, #tpu.memory_space<vmem>>, vector<1x1x16xf32>,
              %swap3A_478 = vector.shape_cast %swap3A_477 : vector<1x1x16xf32> to vector<16xf32>
              %swap3A_479 = vector.shape_cast %broadcast_in_dim3A_1 : vector<16xf32> to vector<1x1x16xf32>
              tpu.vector_store %arg8[%swap3A_474, %swap3A_475, %swap3A_476], %swap3A_479 {strides = array<i32>} : memref<2x64x512xf32, #tpu.memory_space<vmem>>, vector<1x1x16xf32>,
            } else {
            }
            %eq3A_189 = arith.constant 1 : i32
            %eq3A_190 = arith.cmpi eq, %rem3A_96, %eq3A_189 : i32
            %convert_element_type3A_191 = arith.extui %eq3A_190 : i1 to i32
            %cond3A_192 = arith.constant 0 : i32
            %cond3A_193 = arith.cmpi ne, %convert_element_type3A_191, %cond3A_192 : i32
            scf.if %cond3A_193 {
              %swap3A = arith.constant 1 : i32
              %swap3A_474 = arith.index_cast %swap3A : i32 to index
              %swap3A_475 = arith.index_cast %while3A_153 : i32 to index
              %swap3A_476 = arith.constant 48 : index
              %swap3A_477 = tpu.vector_load %arg8[%swap3A_474, %swap3A_475, %swap3A_476] {strides = array<i32>} : memref<2x64x512xf32, #tpu.memory_space<vmem>>, vector<1x1x16xf32>,
              %swap3A_478 = vector.shape_cast %swap3A_477 : vector<1x1x16xf32> to vector<16xf32>
              %swap3A_479 = vector.shape_cast %broadcast_in_dim3A_1 : vector<16xf32> to vector<1x1x16xf32>
              tpu.vector_store %arg8[%swap3A_474, %swap3A_475, %swap3A_476], %swap3A_479 {strides = array<i32>} : memref<2x64x512xf32, #tpu.memory_space<vmem>>, vector<1x1x16xf32>,
            } else {
            }
            %eq3A_194 = arith.constant 0 : i32
            %eq3A_195 = arith.cmpi eq, %rem3A_96, %eq3A_194 : i32
            %convert_element_type3A_196 = arith.extui %eq3A_195 : i1 to i32
            %cond3A_197 = arith.constant 0 : i32
            %cond3A_198 = arith.cmpi ne, %convert_element_type3A_196, %cond3A_197 : i32
            scf.if %cond3A_198 {
              %swap3A = arith.constant 0 : i32
              %swap3A_474 = arith.index_cast %swap3A : i32 to index
              %swap3A_475 = arith.index_cast %while3A_153 : i32 to index
              %swap3A_476 = arith.constant 64 : index
              %swap3A_477 = tpu.vector_load %arg8[%swap3A_474, %swap3A_475, %swap3A_476] {strides = array<i32>} : memref<2x64x512xf32, #tpu.memory_space<vmem>>, vector<1x1x16xf32>,
              %swap3A_478 = vector.shape_cast %swap3A_477 : vector<1x1x16xf32> to vector<16xf32>
              %swap3A_479 = vector.shape_cast %broadcast_in_dim3A_1 : vector<16xf32> to vector<1x1x16xf32>
              tpu.vector_store %arg8[%swap3A_474, %swap3A_475, %swap3A_476], %swap3A_479 {strides = array<i32>} : memref<2x64x512xf32, #tpu.memory_space<vmem>>, vector<1x1x16xf32>,
            } else {
            }
            %eq3A_199 = arith.constant 1 : i32
            %eq3A_200 = arith.cmpi eq, %rem3A_96, %eq3A_199 : i32
            %convert_element_type3A_201 = arith.extui %eq3A_200 : i1 to i32
            %cond3A_202 = arith.constant 0 : i32
            %cond3A_203 = arith.cmpi ne, %convert_element_type3A_201, %cond3A_202 : i32
            scf.if %cond3A_203 {
              %swap3A = arith.constant 1 : i32
              %swap3A_474 = arith.index_cast %swap3A : i32 to index
              %swap3A_475 = arith.index_cast %while3A_153 : i32 to index
              %swap3A_476 = arith.constant 64 : index
              %swap3A_477 = tpu.vector_load %arg8[%swap3A_474, %swap3A_475, %swap3A_476] {strides = array<i32>} : memref<2x64x512xf32, #tpu.memory_space<vmem>>, vector<1x1x16xf32>,
              %swap3A_478 = vector.shape_cast %swap3A_477 : vector<1x1x16xf32> to vector<16xf32>
              %swap3A_479 = vector.shape_cast %broadcast_in_dim3A_1 : vector<16xf32> to vector<1x1x16xf32>
              tpu.vector_store %arg8[%swap3A_474, %swap3A_475, %swap3A_476], %swap3A_479 {strides = array<i32>} : memref<2x64x512xf32, #tpu.memory_space<vmem>>, vector<1x1x16xf32>,
            } else {
            }
            %eq3A_204 = arith.constant 0 : i32
            %eq3A_205 = arith.cmpi eq, %rem3A_96, %eq3A_204 : i32
            %convert_element_type3A_206 = arith.extui %eq3A_205 : i1 to i32
            %cond3A_207 = arith.constant 0 : i32
            %cond3A_208 = arith.cmpi ne, %convert_element_type3A_206, %cond3A_207 : i32
            scf.if %cond3A_208 {
              %swap3A = arith.constant 0 : i32
              %swap3A_474 = arith.index_cast %swap3A : i32 to index
              %swap3A_475 = arith.index_cast %while3A_153 : i32 to index
              %swap3A_476 = arith.constant 80 : index
              %swap3A_477 = tpu.vector_load %arg8[%swap3A_474, %swap3A_475, %swap3A_476] {strides = array<i32>} : memref<2x64x512xf32, #tpu.memory_space<vmem>>, vector<1x1x16xf32>,
              %swap3A_478 = vector.shape_cast %swap3A_477 : vector<1x1x16xf32> to vector<16xf32>
              %swap3A_479 = vector.shape_cast %broadcast_in_dim3A_1 : vector<16xf32> to vector<1x1x16xf32>
              tpu.vector_store %arg8[%swap3A_474, %swap3A_475, %swap3A_476], %swap3A_479 {strides = array<i32>} : memref<2x64x512xf32, #tpu.memory_space<vmem>>, vector<1x1x16xf32>,
            } else {
            }
            %eq3A_209 = arith.constant 1 : i32
            %eq3A_210 = arith.cmpi eq, %rem3A_96, %eq3A_209 : i32
            %convert_element_type3A_211 = arith.extui %eq3A_210 : i1 to i32
            %cond3A_212 = arith.constant 0 : i32
            %cond3A_213 = arith.cmpi ne, %convert_element_type3A_211, %cond3A_212 : i32
            scf.if %cond3A_213 {
              %swap3A = arith.constant 1 : i32
              %swap3A_474 = arith.index_cast %swap3A : i32 to index
              %swap3A_475 = arith.index_cast %while3A_153 : i32 to index
              %swap3A_476 = arith.constant 80 : index
              %swap3A_477 = tpu.vector_load %arg8[%swap3A_474, %swap3A_475, %swap3A_476] {strides = array<i32>} : memref<2x64x512xf32, #tpu.memory_space<vmem>>, vector<1x1x16xf32>,
              %swap3A_478 = vector.shape_cast %swap3A_477 : vector<1x1x16xf32> to vector<16xf32>
              %swap3A_479 = vector.shape_cast %broadcast_in_dim3A_1 : vector<16xf32> to vector<1x1x16xf32>
              tpu.vector_store %arg8[%swap3A_474, %swap3A_475, %swap3A_476], %swap3A_479 {strides = array<i32>} : memref<2x64x512xf32, #tpu.memory_space<vmem>>, vector<1x1x16xf32>,
            } else {
            }
            %eq3A_214 = arith.constant 0 : i32
            %eq3A_215 = arith.cmpi eq, %rem3A_96, %eq3A_214 : i32
            %convert_element_type3A_216 = arith.extui %eq3A_215 : i1 to i32
            %cond3A_217 = arith.constant 0 : i32
            %cond3A_218 = arith.cmpi ne, %convert_element_type3A_216, %cond3A_217 : i32
            scf.if %cond3A_218 {
              %swap3A = arith.constant 0 : i32
              %swap3A_474 = arith.index_cast %swap3A : i32 to index
              %swap3A_475 = arith.index_cast %while3A_153 : i32 to index
              %swap3A_476 = arith.constant 96 : index
              %swap3A_477 = tpu.vector_load %arg8[%swap3A_474, %swap3A_475, %swap3A_476] {strides = array<i32>} : memref<2x64x512xf32, #tpu.memory_space<vmem>>, vector<1x1x16xf32>,
              %swap3A_478 = vector.shape_cast %swap3A_477 : vector<1x1x16xf32> to vector<16xf32>
              %swap3A_479 = vector.shape_cast %broadcast_in_dim3A_1 : vector<16xf32> to vector<1x1x16xf32>
              tpu.vector_store %arg8[%swap3A_474, %swap3A_475, %swap3A_476], %swap3A_479 {strides = array<i32>} : memref<2x64x512xf32, #tpu.memory_space<vmem>>, vector<1x1x16xf32>,
            } else {
            }
            %eq3A_219 = arith.constant 1 : i32
            %eq3A_220 = arith.cmpi eq, %rem3A_96, %eq3A_219 : i32
            %convert_element_type3A_221 = arith.extui %eq3A_220 : i1 to i32
            %cond3A_222 = arith.constant 0 : i32
            %cond3A_223 = arith.cmpi ne, %convert_element_type3A_221, %cond3A_222 : i32
            scf.if %cond3A_223 {
              %swap3A = arith.constant 1 : i32
              %swap3A_474 = arith.index_cast %swap3A : i32 to index
              %swap3A_475 = arith.index_cast %while3A_153 : i32 to index
              %swap3A_476 = arith.constant 96 : index
              %swap3A_477 = tpu.vector_load %arg8[%swap3A_474, %swap3A_475, %swap3A_476] {strides = array<i32>} : memref<2x64x512xf32, #tpu.memory_space<vmem>>, vector<1x1x16xf32>,
              %swap3A_478 = vector.shape_cast %swap3A_477 : vector<1x1x16xf32> to vector<16xf32>
              %swap3A_479 = vector.shape_cast %broadcast_in_dim3A_1 : vector<16xf32> to vector<1x1x16xf32>
              tpu.vector_store %arg8[%swap3A_474, %swap3A_475, %swap3A_476], %swap3A_479 {strides = array<i32>} : memref<2x64x512xf32, #tpu.memory_space<vmem>>, vector<1x1x16xf32>,
            } else {
            }
            %eq3A_224 = arith.constant 0 : i32
            %eq3A_225 = arith.cmpi eq, %rem3A_96, %eq3A_224 : i32
            %convert_element_type3A_226 = arith.extui %eq3A_225 : i1 to i32
            %cond3A_227 = arith.constant 0 : i32
            %cond3A_228 = arith.cmpi ne, %convert_element_type3A_226, %cond3A_227 : i32
            scf.if %cond3A_228 {
              %swap3A = arith.constant 0 : i32
              %swap3A_474 = arith.index_cast %swap3A : i32 to index
              %swap3A_475 = arith.index_cast %while3A_153 : i32 to index
              %swap3A_476 = arith.constant 112 : index
              %swap3A_477 = tpu.vector_load %arg8[%swap3A_474, %swap3A_475, %swap3A_476] {strides = array<i32>} : memref<2x64x512xf32, #tpu.memory_space<vmem>>, vector<1x1x16xf32>,
              %swap3A_478 = vector.shape_cast %swap3A_477 : vector<1x1x16xf32> to vector<16xf32>
              %swap3A_479 = vector.shape_cast %broadcast_in_dim3A_1 : vector<16xf32> to vector<1x1x16xf32>
              tpu.vector_store %arg8[%swap3A_474, %swap3A_475, %swap3A_476], %swap3A_479 {strides = array<i32>} : memref<2x64x512xf32, #tpu.memory_space<vmem>>, vector<1x1x16xf32>,
            } else {
            }
            %eq3A_229 = arith.constant 1 : i32
            %eq3A_230 = arith.cmpi eq, %rem3A_96, %eq3A_229 : i32
            %convert_element_type3A_231 = arith.extui %eq3A_230 : i1 to i32
            %cond3A_232 = arith.constant 0 : i32
            %cond3A_233 = arith.cmpi ne, %convert_element_type3A_231, %cond3A_232 : i32
            scf.if %cond3A_233 {
              %swap3A = arith.constant 1 : i32
              %swap3A_474 = arith.index_cast %swap3A : i32 to index
              %swap3A_475 = arith.index_cast %while3A_153 : i32 to index
              %swap3A_476 = arith.constant 112 : index
              %swap3A_477 = tpu.vector_load %arg8[%swap3A_474, %swap3A_475, %swap3A_476] {strides = array<i32>} : memref<2x64x512xf32, #tpu.memory_space<vmem>>, vector<1x1x16xf32>,
              %swap3A_478 = vector.shape_cast %swap3A_477 : vector<1x1x16xf32> to vector<16xf32>
              %swap3A_479 = vector.shape_cast %broadcast_in_dim3A_1 : vector<16xf32> to vector<1x1x16xf32>
              tpu.vector_store %arg8[%swap3A_474, %swap3A_475, %swap3A_476], %swap3A_479 {strides = array<i32>} : memref<2x64x512xf32, #tpu.memory_space<vmem>>, vector<1x1x16xf32>,
            } else {
            }
            %eq3A_234 = arith.constant 0 : i32
            %eq3A_235 = arith.cmpi eq, %rem3A_96, %eq3A_234 : i32
            %convert_element_type3A_236 = arith.extui %eq3A_235 : i1 to i32
            %cond3A_237 = arith.constant 0 : i32
            %cond3A_238 = arith.cmpi ne, %convert_element_type3A_236, %cond3A_237 : i32
            scf.if %cond3A_238 {
              %swap3A = arith.constant 0 : i32
              %swap3A_474 = arith.index_cast %swap3A : i32 to index
              %swap3A_475 = arith.index_cast %while3A_153 : i32 to index
              %swap3A_476 = arith.constant 128 : index
              %swap3A_477 = tpu.vector_load %arg8[%swap3A_474, %swap3A_475, %swap3A_476] {strides = array<i32>} : memref<2x64x512xf32, #tpu.memory_space<vmem>>, vector<1x1x16xf32>,
              %swap3A_478 = vector.shape_cast %swap3A_477 : vector<1x1x16xf32> to vector<16xf32>
              %swap3A_479 = vector.shape_cast %broadcast_in_dim3A_1 : vector<16xf32> to vector<1x1x16xf32>
              tpu.vector_store %arg8[%swap3A_474, %swap3A_475, %swap3A_476], %swap3A_479 {strides = array<i32>} : memref<2x64x512xf32, #tpu.memory_space<vmem>>, vector<1x1x16xf32>,
            } else {
            }
            %eq3A_239 = arith.constant 1 : i32
            %eq3A_240 = arith.cmpi eq, %rem3A_96, %eq3A_239 : i32
            %convert_element_type3A_241 = arith.extui %eq3A_240 : i1 to i32
            %cond3A_242 = arith.constant 0 : i32
            %cond3A_243 = arith.cmpi ne, %convert_element_type3A_241, %cond3A_242 : i32
            scf.if %cond3A_243 {
              %swap3A = arith.constant 1 : i32
              %swap3A_474 = arith.index_cast %swap3A : i32 to index
              %swap3A_475 = arith.index_cast %while3A_153 : i32 to index
              %swap3A_476 = arith.constant 128 : index
              %swap3A_477 = tpu.vector_load %arg8[%swap3A_474, %swap3A_475, %swap3A_476] {strides = array<i32>} : memref<2x64x512xf32, #tpu.memory_space<vmem>>, vector<1x1x16xf32>,
              %swap3A_478 = vector.shape_cast %swap3A_477 : vector<1x1x16xf32> to vector<16xf32>
              %swap3A_479 = vector.shape_cast %broadcast_in_dim3A_1 : vector<16xf32> to vector<1x1x16xf32>
              tpu.vector_store %arg8[%swap3A_474, %swap3A_475, %swap3A_476], %swap3A_479 {strides = array<i32>} : memref<2x64x512xf32, #tpu.memory_space<vmem>>, vector<1x1x16xf32>,
            } else {
            }
            %eq3A_244 = arith.constant 0 : i32
            %eq3A_245 = arith.cmpi eq, %rem3A_96, %eq3A_244 : i32
            %convert_element_type3A_246 = arith.extui %eq3A_245 : i1 to i32
            %cond3A_247 = arith.constant 0 : i32
            %cond3A_248 = arith.cmpi ne, %convert_element_type3A_246, %cond3A_247 : i32
            scf.if %cond3A_248 {
              %swap3A = arith.constant 0 : i32
              %swap3A_474 = arith.index_cast %swap3A : i32 to index
              %swap3A_475 = arith.index_cast %while3A_153 : i32 to index
              %swap3A_476 = arith.constant 144 : index
              %swap3A_477 = tpu.vector_load %arg8[%swap3A_474, %swap3A_475, %swap3A_476] {strides = array<i32>} : memref<2x64x512xf32, #tpu.memory_space<vmem>>, vector<1x1x16xf32>,
              %swap3A_478 = vector.shape_cast %swap3A_477 : vector<1x1x16xf32> to vector<16xf32>
              %swap3A_479 = vector.shape_cast %broadcast_in_dim3A_1 : vector<16xf32> to vector<1x1x16xf32>
              tpu.vector_store %arg8[%swap3A_474, %swap3A_475, %swap3A_476], %swap3A_479 {strides = array<i32>} : memref<2x64x512xf32, #tpu.memory_space<vmem>>, vector<1x1x16xf32>,
            } else {
            }
            %eq3A_249 = arith.constant 1 : i32
            %eq3A_250 = arith.cmpi eq, %rem3A_96, %eq3A_249 : i32
            %convert_element_type3A_251 = arith.extui %eq3A_250 : i1 to i32
            %cond3A_252 = arith.constant 0 : i32
            %cond3A_253 = arith.cmpi ne, %convert_element_type3A_251, %cond3A_252 : i32
            scf.if %cond3A_253 {
              %swap3A = arith.constant 1 : i32
              %swap3A_474 = arith.index_cast %swap3A : i32 to index
              %swap3A_475 = arith.index_cast %while3A_153 : i32 to index
              %swap3A_476 = arith.constant 144 : index
              %swap3A_477 = tpu.vector_load %arg8[%swap3A_474, %swap3A_475, %swap3A_476] {strides = array<i32>} : memref<2x64x512xf32, #tpu.memory_space<vmem>>, vector<1x1x16xf32>,
              %swap3A_478 = vector.shape_cast %swap3A_477 : vector<1x1x16xf32> to vector<16xf32>
              %swap3A_479 = vector.shape_cast %broadcast_in_dim3A_1 : vector<16xf32> to vector<1x1x16xf32>
              tpu.vector_store %arg8[%swap3A_474, %swap3A_475, %swap3A_476], %swap3A_479 {strides = array<i32>} : memref<2x64x512xf32, #tpu.memory_space<vmem>>, vector<1x1x16xf32>,
            } else {
            }
            %eq3A_254 = arith.constant 0 : i32
            %eq3A_255 = arith.cmpi eq, %rem3A_96, %eq3A_254 : i32
            %convert_element_type3A_256 = arith.extui %eq3A_255 : i1 to i32
            %cond3A_257 = arith.constant 0 : i32
            %cond3A_258 = arith.cmpi ne, %convert_element_type3A_256, %cond3A_257 : i32
            scf.if %cond3A_258 {
              %swap3A = arith.constant 0 : i32
              %swap3A_474 = arith.index_cast %swap3A : i32 to index
              %swap3A_475 = arith.index_cast %while3A_153 : i32 to index
              %swap3A_476 = arith.constant 160 : index
              %swap3A_477 = tpu.vector_load %arg8[%swap3A_474, %swap3A_475, %swap3A_476] {strides = array<i32>} : memref<2x64x512xf32, #tpu.memory_space<vmem>>, vector<1x1x16xf32>,
              %swap3A_478 = vector.shape_cast %swap3A_477 : vector<1x1x16xf32> to vector<16xf32>
              %swap3A_479 = vector.shape_cast %broadcast_in_dim3A_1 : vector<16xf32> to vector<1x1x16xf32>
              tpu.vector_store %arg8[%swap3A_474, %swap3A_475, %swap3A_476], %swap3A_479 {strides = array<i32>} : memref<2x64x512xf32, #tpu.memory_space<vmem>>, vector<1x1x16xf32>,
            } else {
            }
            %eq3A_259 = arith.constant 1 : i32
            %eq3A_260 = arith.cmpi eq, %rem3A_96, %eq3A_259 : i32
            %convert_element_type3A_261 = arith.extui %eq3A_260 : i1 to i32
            %cond3A_262 = arith.constant 0 : i32
            %cond3A_263 = arith.cmpi ne, %convert_element_type3A_261, %cond3A_262 : i32
            scf.if %cond3A_263 {
              %swap3A = arith.constant 1 : i32
              %swap3A_474 = arith.index_cast %swap3A : i32 to index
              %swap3A_475 = arith.index_cast %while3A_153 : i32 to index
              %swap3A_476 = arith.constant 160 : index
              %swap3A_477 = tpu.vector_load %arg8[%swap3A_474, %swap3A_475, %swap3A_476] {strides = array<i32>} : memref<2x64x512xf32, #tpu.memory_space<vmem>>, vector<1x1x16xf32>,
              %swap3A_478 = vector.shape_cast %swap3A_477 : vector<1x1x16xf32> to vector<16xf32>
              %swap3A_479 = vector.shape_cast %broadcast_in_dim3A_1 : vector<16xf32> to vector<1x1x16xf32>
              tpu.vector_store %arg8[%swap3A_474, %swap3A_475, %swap3A_476], %swap3A_479 {strides = array<i32>} : memref<2x64x512xf32, #tpu.memory_space<vmem>>, vector<1x1x16xf32>,
            } else {
            }
            %eq3A_264 = arith.constant 0 : i32
            %eq3A_265 = arith.cmpi eq, %rem3A_96, %eq3A_264 : i32
            %convert_element_type3A_266 = arith.extui %eq3A_265 : i1 to i32
            %cond3A_267 = arith.constant 0 : i32
            %cond3A_268 = arith.cmpi ne, %convert_element_type3A_266, %cond3A_267 : i32
            scf.if %cond3A_268 {
              %swap3A = arith.constant 0 : i32
              %swap3A_474 = arith.index_cast %swap3A : i32 to index
              %swap3A_475 = arith.index_cast %while3A_153 : i32 to index
              %swap3A_476 = arith.constant 176 : index
              %swap3A_477 = tpu.vector_load %arg8[%swap3A_474, %swap3A_475, %swap3A_476] {strides = array<i32>} : memref<2x64x512xf32, #tpu.memory_space<vmem>>, vector<1x1x16xf32>,
              %swap3A_478 = vector.shape_cast %swap3A_477 : vector<1x1x16xf32> to vector<16xf32>
              %swap3A_479 = vector.shape_cast %broadcast_in_dim3A_1 : vector<16xf32> to vector<1x1x16xf32>
              tpu.vector_store %arg8[%swap3A_474, %swap3A_475, %swap3A_476], %swap3A_479 {strides = array<i32>} : memref<2x64x512xf32, #tpu.memory_space<vmem>>, vector<1x1x16xf32>,
            } else {
            }
            %eq3A_269 = arith.constant 1 : i32
            %eq3A_270 = arith.cmpi eq, %rem3A_96, %eq3A_269 : i32
            %convert_element_type3A_271 = arith.extui %eq3A_270 : i1 to i32
            %cond3A_272 = arith.constant 0 : i32
            %cond3A_273 = arith.cmpi ne, %convert_element_type3A_271, %cond3A_272 : i32
            scf.if %cond3A_273 {
              %swap3A = arith.constant 1 : i32
              %swap3A_474 = arith.index_cast %swap3A : i32 to index
              %swap3A_475 = arith.index_cast %while3A_153 : i32 to index
              %swap3A_476 = arith.constant 176 : index
              %swap3A_477 = tpu.vector_load %arg8[%swap3A_474, %swap3A_475, %swap3A_476] {strides = array<i32>} : memref<2x64x512xf32, #tpu.memory_space<vmem>>, vector<1x1x16xf32>,
              %swap3A_478 = vector.shape_cast %swap3A_477 : vector<1x1x16xf32> to vector<16xf32>
              %swap3A_479 = vector.shape_cast %broadcast_in_dim3A_1 : vector<16xf32> to vector<1x1x16xf32>
              tpu.vector_store %arg8[%swap3A_474, %swap3A_475, %swap3A_476], %swap3A_479 {strides = array<i32>} : memref<2x64x512xf32, #tpu.memory_space<vmem>>, vector<1x1x16xf32>,
            } else {
            }
            %eq3A_274 = arith.constant 0 : i32
            %eq3A_275 = arith.cmpi eq, %rem3A_96, %eq3A_274 : i32
            %convert_element_type3A_276 = arith.extui %eq3A_275 : i1 to i32
            %cond3A_277 = arith.constant 0 : i32
            %cond3A_278 = arith.cmpi ne, %convert_element_type3A_276, %cond3A_277 : i32
            scf.if %cond3A_278 {
              %swap3A = arith.constant 0 : i32
              %swap3A_474 = arith.index_cast %swap3A : i32 to index
              %swap3A_475 = arith.index_cast %while3A_153 : i32 to index
              %swap3A_476 = arith.constant 192 : index
              %swap3A_477 = tpu.vector_load %arg8[%swap3A_474, %swap3A_475, %swap3A_476] {strides = array<i32>} : memref<2x64x512xf32, #tpu.memory_space<vmem>>, vector<1x1x16xf32>,
              %swap3A_478 = vector.shape_cast %swap3A_477 : vector<1x1x16xf32> to vector<16xf32>
              %swap3A_479 = vector.shape_cast %broadcast_in_dim3A_1 : vector<16xf32> to vector<1x1x16xf32>
              tpu.vector_store %arg8[%swap3A_474, %swap3A_475, %swap3A_476], %swap3A_479 {strides = array<i32>} : memref<2x64x512xf32, #tpu.memory_space<vmem>>, vector<1x1x16xf32>,
            } else {
            }
            %eq3A_279 = arith.constant 1 : i32
            %eq3A_280 = arith.cmpi eq, %rem3A_96, %eq3A_279 : i32
            %convert_element_type3A_281 = arith.extui %eq3A_280 : i1 to i32
            %cond3A_282 = arith.constant 0 : i32
            %cond3A_283 = arith.cmpi ne, %convert_element_type3A_281, %cond3A_282 : i32
            scf.if %cond3A_283 {
              %swap3A = arith.constant 1 : i32
              %swap3A_474 = arith.index_cast %swap3A : i32 to index
              %swap3A_475 = arith.index_cast %while3A_153 : i32 to index
              %swap3A_476 = arith.constant 192 : index
              %swap3A_477 = tpu.vector_load %arg8[%swap3A_474, %swap3A_475, %swap3A_476] {strides = array<i32>} : memref<2x64x512xf32, #tpu.memory_space<vmem>>, vector<1x1x16xf32>,
              %swap3A_478 = vector.shape_cast %swap3A_477 : vector<1x1x16xf32> to vector<16xf32>
              %swap3A_479 = vector.shape_cast %broadcast_in_dim3A_1 : vector<16xf32> to vector<1x1x16xf32>
              tpu.vector_store %arg8[%swap3A_474, %swap3A_475, %swap3A_476], %swap3A_479 {strides = array<i32>} : memref<2x64x512xf32, #tpu.memory_space<vmem>>, vector<1x1x16xf32>,
            } else {
            }
            %eq3A_284 = arith.constant 0 : i32
            %eq3A_285 = arith.cmpi eq, %rem3A_96, %eq3A_284 : i32
            %convert_element_type3A_286 = arith.extui %eq3A_285 : i1 to i32
            %cond3A_287 = arith.constant 0 : i32
            %cond3A_288 = arith.cmpi ne, %convert_element_type3A_286, %cond3A_287 : i32
            scf.if %cond3A_288 {
              %swap3A = arith.constant 0 : i32
              %swap3A_474 = arith.index_cast %swap3A : i32 to index
              %swap3A_475 = arith.index_cast %while3A_153 : i32 to index
              %swap3A_476 = arith.constant 208 : index
              %swap3A_477 = tpu.vector_load %arg8[%swap3A_474, %swap3A_475, %swap3A_476] {strides = array<i32>} : memref<2x64x512xf32, #tpu.memory_space<vmem>>, vector<1x1x16xf32>,
              %swap3A_478 = vector.shape_cast %swap3A_477 : vector<1x1x16xf32> to vector<16xf32>
              %swap3A_479 = vector.shape_cast %broadcast_in_dim3A_1 : vector<16xf32> to vector<1x1x16xf32>
              tpu.vector_store %arg8[%swap3A_474, %swap3A_475, %swap3A_476], %swap3A_479 {strides = array<i32>} : memref<2x64x512xf32, #tpu.memory_space<vmem>>, vector<1x1x16xf32>,
            } else {
            }
            %eq3A_289 = arith.constant 1 : i32
            %eq3A_290 = arith.cmpi eq, %rem3A_96, %eq3A_289 : i32
            %convert_element_type3A_291 = arith.extui %eq3A_290 : i1 to i32
            %cond3A_292 = arith.constant 0 : i32
            %cond3A_293 = arith.cmpi ne, %convert_element_type3A_291, %cond3A_292 : i32
            scf.if %cond3A_293 {
              %swap3A = arith.constant 1 : i32
              %swap3A_474 = arith.index_cast %swap3A : i32 to index
              %swap3A_475 = arith.index_cast %while3A_153 : i32 to index
              %swap3A_476 = arith.constant 208 : index
              %swap3A_477 = tpu.vector_load %arg8[%swap3A_474, %swap3A_475, %swap3A_476] {strides = array<i32>} : memref<2x64x512xf32, #tpu.memory_space<vmem>>, vector<1x1x16xf32>,
              %swap3A_478 = vector.shape_cast %swap3A_477 : vector<1x1x16xf32> to vector<16xf32>
              %swap3A_479 = vector.shape_cast %broadcast_in_dim3A_1 : vector<16xf32> to vector<1x1x16xf32>
              tpu.vector_store %arg8[%swap3A_474, %swap3A_475, %swap3A_476], %swap3A_479 {strides = array<i32>} : memref<2x64x512xf32, #tpu.memory_space<vmem>>, vector<1x1x16xf32>,
            } else {
            }
            %eq3A_294 = arith.constant 0 : i32
            %eq3A_295 = arith.cmpi eq, %rem3A_96, %eq3A_294 : i32
            %convert_element_type3A_296 = arith.extui %eq3A_295 : i1 to i32
            %cond3A_297 = arith.constant 0 : i32
            %cond3A_298 = arith.cmpi ne, %convert_element_type3A_296, %cond3A_297 : i32
            scf.if %cond3A_298 {
              %swap3A = arith.constant 0 : i32
              %swap3A_474 = arith.index_cast %swap3A : i32 to index
              %swap3A_475 = arith.index_cast %while3A_153 : i32 to index
              %swap3A_476 = arith.constant 224 : index
              %swap3A_477 = tpu.vector_load %arg8[%swap3A_474, %swap3A_475, %swap3A_476] {strides = array<i32>} : memref<2x64x512xf32, #tpu.memory_space<vmem>>, vector<1x1x16xf32>,
              %swap3A_478 = vector.shape_cast %swap3A_477 : vector<1x1x16xf32> to vector<16xf32>
              %swap3A_479 = vector.shape_cast %broadcast_in_dim3A_1 : vector<16xf32> to vector<1x1x16xf32>
              tpu.vector_store %arg8[%swap3A_474, %swap3A_475, %swap3A_476], %swap3A_479 {strides = array<i32>} : memref<2x64x512xf32, #tpu.memory_space<vmem>>, vector<1x1x16xf32>,
            } else {
            }
            %eq3A_299 = arith.constant 1 : i32
            %eq3A_300 = arith.cmpi eq, %rem3A_96, %eq3A_299 : i32
            %convert_element_type3A_301 = arith.extui %eq3A_300 : i1 to i32
            %cond3A_302 = arith.constant 0 : i32
            %cond3A_303 = arith.cmpi ne, %convert_element_type3A_301, %cond3A_302 : i32
            scf.if %cond3A_303 {
              %swap3A = arith.constant 1 : i32
              %swap3A_474 = arith.index_cast %swap3A : i32 to index
              %swap3A_475 = arith.index_cast %while3A_153 : i32 to index
              %swap3A_476 = arith.constant 224 : index
              %swap3A_477 = tpu.vector_load %arg8[%swap3A_474, %swap3A_475, %swap3A_476] {strides = array<i32>} : memref<2x64x512xf32, #tpu.memory_space<vmem>>, vector<1x1x16xf32>,
              %swap3A_478 = vector.shape_cast %swap3A_477 : vector<1x1x16xf32> to vector<16xf32>
              %swap3A_479 = vector.shape_cast %broadcast_in_dim3A_1 : vector<16xf32> to vector<1x1x16xf32>
              tpu.vector_store %arg8[%swap3A_474, %swap3A_475, %swap3A_476], %swap3A_479 {strides = array<i32>} : memref<2x64x512xf32, #tpu.memory_space<vmem>>, vector<1x1x16xf32>,
            } else {
            }
            %eq3A_304 = arith.constant 0 : i32
            %eq3A_305 = arith.cmpi eq, %rem3A_96, %eq3A_304 : i32
            %convert_element_type3A_306 = arith.extui %eq3A_305 : i1 to i32
            %cond3A_307 = arith.constant 0 : i32
            %cond3A_308 = arith.cmpi ne, %convert_element_type3A_306, %cond3A_307 : i32
            scf.if %cond3A_308 {
              %swap3A = arith.constant 0 : i32
              %swap3A_474 = arith.index_cast %swap3A : i32 to index
              %swap3A_475 = arith.index_cast %while3A_153 : i32 to index
              %swap3A_476 = arith.constant 240 : index
              %swap3A_477 = tpu.vector_load %arg8[%swap3A_474, %swap3A_475, %swap3A_476] {strides = array<i32>} : memref<2x64x512xf32, #tpu.memory_space<vmem>>, vector<1x1x16xf32>,
              %swap3A_478 = vector.shape_cast %swap3A_477 : vector<1x1x16xf32> to vector<16xf32>
              %swap3A_479 = vector.shape_cast %broadcast_in_dim3A_1 : vector<16xf32> to vector<1x1x16xf32>
              tpu.vector_store %arg8[%swap3A_474, %swap3A_475, %swap3A_476], %swap3A_479 {strides = array<i32>} : memref<2x64x512xf32, #tpu.memory_space<vmem>>, vector<1x1x16xf32>,
            } else {
            }
            %eq3A_309 = arith.constant 1 : i32
            %eq3A_310 = arith.cmpi eq, %rem3A_96, %eq3A_309 : i32
            %convert_element_type3A_311 = arith.extui %eq3A_310 : i1 to i32
            %cond3A_312 = arith.constant 0 : i32
            %cond3A_313 = arith.cmpi ne, %convert_element_type3A_311, %cond3A_312 : i32
            scf.if %cond3A_313 {
              %swap3A = arith.constant 1 : i32
              %swap3A_474 = arith.index_cast %swap3A : i32 to index
              %swap3A_475 = arith.index_cast %while3A_153 : i32 to index
              %swap3A_476 = arith.constant 240 : index
              %swap3A_477 = tpu.vector_load %arg8[%swap3A_474, %swap3A_475, %swap3A_476] {strides = array<i32>} : memref<2x64x512xf32, #tpu.memory_space<vmem>>, vector<1x1x16xf32>,
              %swap3A_478 = vector.shape_cast %swap3A_477 : vector<1x1x16xf32> to vector<16xf32>
              %swap3A_479 = vector.shape_cast %broadcast_in_dim3A_1 : vector<16xf32> to vector<1x1x16xf32>
              tpu.vector_store %arg8[%swap3A_474, %swap3A_475, %swap3A_476], %swap3A_479 {strides = array<i32>} : memref<2x64x512xf32, #tpu.memory_space<vmem>>, vector<1x1x16xf32>,
            } else {
            }
            %eq3A_314 = arith.constant 0 : i32
            %eq3A_315 = arith.cmpi eq, %rem3A_96, %eq3A_314 : i32
            %convert_element_type3A_316 = arith.extui %eq3A_315 : i1 to i32
            %cond3A_317 = arith.constant 0 : i32
            %cond3A_318 = arith.cmpi ne, %convert_element_type3A_316, %cond3A_317 : i32
            scf.if %cond3A_318 {
              %swap3A = arith.constant 0 : i32
              %swap3A_474 = arith.index_cast %swap3A : i32 to index
              %swap3A_475 = arith.index_cast %while3A_153 : i32 to index
              %swap3A_476 = arith.constant 256 : index
              %swap3A_477 = tpu.vector_load %arg8[%swap3A_474, %swap3A_475, %swap3A_476] {strides = array<i32>} : memref<2x64x512xf32, #tpu.memory_space<vmem>>, vector<1x1x16xf32>,
              %swap3A_478 = vector.shape_cast %swap3A_477 : vector<1x1x16xf32> to vector<16xf32>
              %swap3A_479 = vector.shape_cast %broadcast_in_dim3A_1 : vector<16xf32> to vector<1x1x16xf32>
              tpu.vector_store %arg8[%swap3A_474, %swap3A_475, %swap3A_476], %swap3A_479 {strides = array<i32>} : memref<2x64x512xf32, #tpu.memory_space<vmem>>, vector<1x1x16xf32>,
            } else {
            }
            %eq3A_319 = arith.constant 1 : i32
            %eq3A_320 = arith.cmpi eq, %rem3A_96, %eq3A_319 : i32
            %convert_element_type3A_321 = arith.extui %eq3A_320 : i1 to i32
            %cond3A_322 = arith.constant 0 : i32
            %cond3A_323 = arith.cmpi ne, %convert_element_type3A_321, %cond3A_322 : i32
            scf.if %cond3A_323 {
              %swap3A = arith.constant 1 : i32
              %swap3A_474 = arith.index_cast %swap3A : i32 to index
              %swap3A_475 = arith.index_cast %while3A_153 : i32 to index
              %swap3A_476 = arith.constant 256 : index
              %swap3A_477 = tpu.vector_load %arg8[%swap3A_474, %swap3A_475, %swap3A_476] {strides = array<i32>} : memref<2x64x512xf32, #tpu.memory_space<vmem>>, vector<1x1x16xf32>,
              %swap3A_478 = vector.shape_cast %swap3A_477 : vector<1x1x16xf32> to vector<16xf32>
              %swap3A_479 = vector.shape_cast %broadcast_in_dim3A_1 : vector<16xf32> to vector<1x1x16xf32>
              tpu.vector_store %arg8[%swap3A_474, %swap3A_475, %swap3A_476], %swap3A_479 {strides = array<i32>} : memref<2x64x512xf32, #tpu.memory_space<vmem>>, vector<1x1x16xf32>,
            } else {
            }
            %eq3A_324 = arith.constant 0 : i32
            %eq3A_325 = arith.cmpi eq, %rem3A_96, %eq3A_324 : i32
            %convert_element_type3A_326 = arith.extui %eq3A_325 : i1 to i32
            %cond3A_327 = arith.constant 0 : i32
            %cond3A_328 = arith.cmpi ne, %convert_element_type3A_326, %cond3A_327 : i32
            scf.if %cond3A_328 {
              %swap3A = arith.constant 0 : i32
              %swap3A_474 = arith.index_cast %swap3A : i32 to index
              %swap3A_475 = arith.index_cast %while3A_153 : i32 to index
              %swap3A_476 = arith.constant 272 : index
              %swap3A_477 = tpu.vector_load %arg8[%swap3A_474, %swap3A_475, %swap3A_476] {strides = array<i32>} : memref<2x64x512xf32, #tpu.memory_space<vmem>>, vector<1x1x16xf32>,
              %swap3A_478 = vector.shape_cast %swap3A_477 : vector<1x1x16xf32> to vector<16xf32>
              %swap3A_479 = vector.shape_cast %broadcast_in_dim3A_1 : vector<16xf32> to vector<1x1x16xf32>
              tpu.vector_store %arg8[%swap3A_474, %swap3A_475, %swap3A_476], %swap3A_479 {strides = array<i32>} : memref<2x64x512xf32, #tpu.memory_space<vmem>>, vector<1x1x16xf32>,
            } else {
            }
            %eq3A_329 = arith.constant 1 : i32
            %eq3A_330 = arith.cmpi eq, %rem3A_96, %eq3A_329 : i32
            %convert_element_type3A_331 = arith.extui %eq3A_330 : i1 to i32
            %cond3A_332 = arith.constant 0 : i32
            %cond3A_333 = arith.cmpi ne, %convert_element_type3A_331, %cond3A_332 : i32
            scf.if %cond3A_333 {
              %swap3A = arith.constant 1 : i32
              %swap3A_474 = arith.index_cast %swap3A : i32 to index
              %swap3A_475 = arith.index_cast %while3A_153 : i32 to index
              %swap3A_476 = arith.constant 272 : index
              %swap3A_477 = tpu.vector_load %arg8[%swap3A_474, %swap3A_475, %swap3A_476] {strides = array<i32>} : memref<2x64x512xf32, #tpu.memory_space<vmem>>, vector<1x1x16xf32>,
              %swap3A_478 = vector.shape_cast %swap3A_477 : vector<1x1x16xf32> to vector<16xf32>
              %swap3A_479 = vector.shape_cast %broadcast_in_dim3A_1 : vector<16xf32> to vector<1x1x16xf32>
              tpu.vector_store %arg8[%swap3A_474, %swap3A_475, %swap3A_476], %swap3A_479 {strides = array<i32>} : memref<2x64x512xf32, #tpu.memory_space<vmem>>, vector<1x1x16xf32>,
            } else {
            }
            %eq3A_334 = arith.constant 0 : i32
            %eq3A_335 = arith.cmpi eq, %rem3A_96, %eq3A_334 : i32
            %convert_element_type3A_336 = arith.extui %eq3A_335 : i1 to i32
            %cond3A_337 = arith.constant 0 : i32
            %cond3A_338 = arith.cmpi ne, %convert_element_type3A_336, %cond3A_337 : i32
            scf.if %cond3A_338 {
              %swap3A = arith.constant 0 : i32
              %swap3A_474 = arith.index_cast %swap3A : i32 to index
              %swap3A_475 = arith.index_cast %while3A_153 : i32 to index
              %swap3A_476 = arith.constant 288 : index
              %swap3A_477 = tpu.vector_load %arg8[%swap3A_474, %swap3A_475, %swap3A_476] {strides = array<i32>} : memref<2x64x512xf32, #tpu.memory_space<vmem>>, vector<1x1x16xf32>,
              %swap3A_478 = vector.shape_cast %swap3A_477 : vector<1x1x16xf32> to vector<16xf32>
              %swap3A_479 = vector.shape_cast %broadcast_in_dim3A_1 : vector<16xf32> to vector<1x1x16xf32>
              tpu.vector_store %arg8[%swap3A_474, %swap3A_475, %swap3A_476], %swap3A_479 {strides = array<i32>} : memref<2x64x512xf32, #tpu.memory_space<vmem>>, vector<1x1x16xf32>,
            } else {
            }
            %eq3A_339 = arith.constant 1 : i32
            %eq3A_340 = arith.cmpi eq, %rem3A_96, %eq3A_339 : i32
            %convert_element_type3A_341 = arith.extui %eq3A_340 : i1 to i32
            %cond3A_342 = arith.constant 0 : i32
            %cond3A_343 = arith.cmpi ne, %convert_element_type3A_341, %cond3A_342 : i32
            scf.if %cond3A_343 {
              %swap3A = arith.constant 1 : i32
              %swap3A_474 = arith.index_cast %swap3A : i32 to index
              %swap3A_475 = arith.index_cast %while3A_153 : i32 to index
              %swap3A_476 = arith.constant 288 : index
              %swap3A_477 = tpu.vector_load %arg8[%swap3A_474, %swap3A_475, %swap3A_476] {strides = array<i32>} : memref<2x64x512xf32, #tpu.memory_space<vmem>>, vector<1x1x16xf32>,
              %swap3A_478 = vector.shape_cast %swap3A_477 : vector<1x1x16xf32> to vector<16xf32>
              %swap3A_479 = vector.shape_cast %broadcast_in_dim3A_1 : vector<16xf32> to vector<1x1x16xf32>
              tpu.vector_store %arg8[%swap3A_474, %swap3A_475, %swap3A_476], %swap3A_479 {strides = array<i32>} : memref<2x64x512xf32, #tpu.memory_space<vmem>>, vector<1x1x16xf32>,
            } else {
            }
            %eq3A_344 = arith.constant 0 : i32
            %eq3A_345 = arith.cmpi eq, %rem3A_96, %eq3A_344 : i32
            %convert_element_type3A_346 = arith.extui %eq3A_345 : i1 to i32
            %cond3A_347 = arith.constant 0 : i32
            %cond3A_348 = arith.cmpi ne, %convert_element_type3A_346, %cond3A_347 : i32
            scf.if %cond3A_348 {
              %swap3A = arith.constant 0 : i32
              %swap3A_474 = arith.index_cast %swap3A : i32 to index
              %swap3A_475 = arith.index_cast %while3A_153 : i32 to index
              %swap3A_476 = arith.constant 304 : index
              %swap3A_477 = tpu.vector_load %arg8[%swap3A_474, %swap3A_475, %swap3A_476] {strides = array<i32>} : memref<2x64x512xf32, #tpu.memory_space<vmem>>, vector<1x1x16xf32>,
              %swap3A_478 = vector.shape_cast %swap3A_477 : vector<1x1x16xf32> to vector<16xf32>
              %swap3A_479 = vector.shape_cast %broadcast_in_dim3A_1 : vector<16xf32> to vector<1x1x16xf32>
              tpu.vector_store %arg8[%swap3A_474, %swap3A_475, %swap3A_476], %swap3A_479 {strides = array<i32>} : memref<2x64x512xf32, #tpu.memory_space<vmem>>, vector<1x1x16xf32>,
            } else {
            }
            %eq3A_349 = arith.constant 1 : i32
            %eq3A_350 = arith.cmpi eq, %rem3A_96, %eq3A_349 : i32
            %convert_element_type3A_351 = arith.extui %eq3A_350 : i1 to i32
            %cond3A_352 = arith.constant 0 : i32
            %cond3A_353 = arith.cmpi ne, %convert_element_type3A_351, %cond3A_352 : i32
            scf.if %cond3A_353 {
              %swap3A = arith.constant 1 : i32
              %swap3A_474 = arith.index_cast %swap3A : i32 to index
              %swap3A_475 = arith.index_cast %while3A_153 : i32 to index
              %swap3A_476 = arith.constant 304 : index
              %swap3A_477 = tpu.vector_load %arg8[%swap3A_474, %swap3A_475, %swap3A_476] {strides = array<i32>} : memref<2x64x512xf32, #tpu.memory_space<vmem>>, vector<1x1x16xf32>,
              %swap3A_478 = vector.shape_cast %swap3A_477 : vector<1x1x16xf32> to vector<16xf32>
              %swap3A_479 = vector.shape_cast %broadcast_in_dim3A_1 : vector<16xf32> to vector<1x1x16xf32>
              tpu.vector_store %arg8[%swap3A_474, %swap3A_475, %swap3A_476], %swap3A_479 {strides = array<i32>} : memref<2x64x512xf32, #tpu.memory_space<vmem>>, vector<1x1x16xf32>,
            } else {
            }
            %eq3A_354 = arith.constant 0 : i32
            %eq3A_355 = arith.cmpi eq, %rem3A_96, %eq3A_354 : i32
            %convert_element_type3A_356 = arith.extui %eq3A_355 : i1 to i32
            %cond3A_357 = arith.constant 0 : i32
            %cond3A_358 = arith.cmpi ne, %convert_element_type3A_356, %cond3A_357 : i32
            scf.if %cond3A_358 {
              %swap3A = arith.constant 0 : i32
              %swap3A_474 = arith.index_cast %swap3A : i32 to index
              %swap3A_475 = arith.index_cast %while3A_153 : i32 to index
              %swap3A_476 = arith.constant 320 : index
              %swap3A_477 = tpu.vector_load %arg8[%swap3A_474, %swap3A_475, %swap3A_476] {strides = array<i32>} : memref<2x64x512xf32, #tpu.memory_space<vmem>>, vector<1x1x16xf32>,
              %swap3A_478 = vector.shape_cast %swap3A_477 : vector<1x1x16xf32> to vector<16xf32>
              %swap3A_479 = vector.shape_cast %broadcast_in_dim3A_1 : vector<16xf32> to vector<1x1x16xf32>
              tpu.vector_store %arg8[%swap3A_474, %swap3A_475, %swap3A_476], %swap3A_479 {strides = array<i32>} : memref<2x64x512xf32, #tpu.memory_space<vmem>>, vector<1x1x16xf32>,
            } else {
            }
            %eq3A_359 = arith.constant 1 : i32
            %eq3A_360 = arith.cmpi eq, %rem3A_96, %eq3A_359 : i32
            %convert_element_type3A_361 = arith.extui %eq3A_360 : i1 to i32
            %cond3A_362 = arith.constant 0 : i32
            %cond3A_363 = arith.cmpi ne, %convert_element_type3A_361, %cond3A_362 : i32
            scf.if %cond3A_363 {
              %swap3A = arith.constant 1 : i32
              %swap3A_474 = arith.index_cast %swap3A : i32 to index
              %swap3A_475 = arith.index_cast %while3A_153 : i32 to index
              %swap3A_476 = arith.constant 320 : index
              %swap3A_477 = tpu.vector_load %arg8[%swap3A_474, %swap3A_475, %swap3A_476] {strides = array<i32>} : memref<2x64x512xf32, #tpu.memory_space<vmem>>, vector<1x1x16xf32>,
              %swap3A_478 = vector.shape_cast %swap3A_477 : vector<1x1x16xf32> to vector<16xf32>
              %swap3A_479 = vector.shape_cast %broadcast_in_dim3A_1 : vector<16xf32> to vector<1x1x16xf32>
              tpu.vector_store %arg8[%swap3A_474, %swap3A_475, %swap3A_476], %swap3A_479 {strides = array<i32>} : memref<2x64x512xf32, #tpu.memory_space<vmem>>, vector<1x1x16xf32>,
            } else {
            }
            %eq3A_364 = arith.constant 0 : i32
            %eq3A_365 = arith.cmpi eq, %rem3A_96, %eq3A_364 : i32
            %convert_element_type3A_366 = arith.extui %eq3A_365 : i1 to i32
            %cond3A_367 = arith.constant 0 : i32
            %cond3A_368 = arith.cmpi ne, %convert_element_type3A_366, %cond3A_367 : i32
            scf.if %cond3A_368 {
              %swap3A = arith.constant 0 : i32
              %swap3A_474 = arith.index_cast %swap3A : i32 to index
              %swap3A_475 = arith.index_cast %while3A_153 : i32 to index
              %swap3A_476 = arith.constant 336 : index
              %swap3A_477 = tpu.vector_load %arg8[%swap3A_474, %swap3A_475, %swap3A_476] {strides = array<i32>} : memref<2x64x512xf32, #tpu.memory_space<vmem>>, vector<1x1x16xf32>,
              %swap3A_478 = vector.shape_cast %swap3A_477 : vector<1x1x16xf32> to vector<16xf32>
              %swap3A_479 = vector.shape_cast %broadcast_in_dim3A_1 : vector<16xf32> to vector<1x1x16xf32>
              tpu.vector_store %arg8[%swap3A_474, %swap3A_475, %swap3A_476], %swap3A_479 {strides = array<i32>} : memref<2x64x512xf32, #tpu.memory_space<vmem>>, vector<1x1x16xf32>,
            } else {
            }
            %eq3A_369 = arith.constant 1 : i32
            %eq3A_370 = arith.cmpi eq, %rem3A_96, %eq3A_369 : i32
            %convert_element_type3A_371 = arith.extui %eq3A_370 : i1 to i32
            %cond3A_372 = arith.constant 0 : i32
            %cond3A_373 = arith.cmpi ne, %convert_element_type3A_371, %cond3A_372 : i32
            scf.if %cond3A_373 {
              %swap3A = arith.constant 1 : i32
              %swap3A_474 = arith.index_cast %swap3A : i32 to index
              %swap3A_475 = arith.index_cast %while3A_153 : i32 to index
              %swap3A_476 = arith.constant 336 : index
              %swap3A_477 = tpu.vector_load %arg8[%swap3A_474, %swap3A_475, %swap3A_476] {strides = array<i32>} : memref<2x64x512xf32, #tpu.memory_space<vmem>>, vector<1x1x16xf32>,
              %swap3A_478 = vector.shape_cast %swap3A_477 : vector<1x1x16xf32> to vector<16xf32>
              %swap3A_479 = vector.shape_cast %broadcast_in_dim3A_1 : vector<16xf32> to vector<1x1x16xf32>
              tpu.vector_store %arg8[%swap3A_474, %swap3A_475, %swap3A_476], %swap3A_479 {strides = array<i32>} : memref<2x64x512xf32, #tpu.memory_space<vmem>>, vector<1x1x16xf32>,
            } else {
            }
            %eq3A_374 = arith.constant 0 : i32
            %eq3A_375 = arith.cmpi eq, %rem3A_96, %eq3A_374 : i32
            %convert_element_type3A_376 = arith.extui %eq3A_375 : i1 to i32
            %cond3A_377 = arith.constant 0 : i32
            %cond3A_378 = arith.cmpi ne, %convert_element_type3A_376, %cond3A_377 : i32
            scf.if %cond3A_378 {
              %swap3A = arith.constant 0 : i32
              %swap3A_474 = arith.index_cast %swap3A : i32 to index
              %swap3A_475 = arith.index_cast %while3A_153 : i32 to index
              %swap3A_476 = arith.constant 352 : index
              %swap3A_477 = tpu.vector_load %arg8[%swap3A_474, %swap3A_475, %swap3A_476] {strides = array<i32>} : memref<2x64x512xf32, #tpu.memory_space<vmem>>, vector<1x1x16xf32>,
              %swap3A_478 = vector.shape_cast %swap3A_477 : vector<1x1x16xf32> to vector<16xf32>
              %swap3A_479 = vector.shape_cast %broadcast_in_dim3A_1 : vector<16xf32> to vector<1x1x16xf32>
              tpu.vector_store %arg8[%swap3A_474, %swap3A_475, %swap3A_476], %swap3A_479 {strides = array<i32>} : memref<2x64x512xf32, #tpu.memory_space<vmem>>, vector<1x1x16xf32>,
            } else {
            }
            %eq3A_379 = arith.constant 1 : i32
            %eq3A_380 = arith.cmpi eq, %rem3A_96, %eq3A_379 : i32
            %convert_element_type3A_381 = arith.extui %eq3A_380 : i1 to i32
            %cond3A_382 = arith.constant 0 : i32
            %cond3A_383 = arith.cmpi ne, %convert_element_type3A_381, %cond3A_382 : i32
            scf.if %cond3A_383 {
              %swap3A = arith.constant 1 : i32
              %swap3A_474 = arith.index_cast %swap3A : i32 to index
              %swap3A_475 = arith.index_cast %while3A_153 : i32 to index
              %swap3A_476 = arith.constant 352 : index
              %swap3A_477 = tpu.vector_load %arg8[%swap3A_474, %swap3A_475, %swap3A_476] {strides = array<i32>} : memref<2x64x512xf32, #tpu.memory_space<vmem>>, vector<1x1x16xf32>,
              %swap3A_478 = vector.shape_cast %swap3A_477 : vector<1x1x16xf32> to vector<16xf32>
              %swap3A_479 = vector.shape_cast %broadcast_in_dim3A_1 : vector<16xf32> to vector<1x1x16xf32>
              tpu.vector_store %arg8[%swap3A_474, %swap3A_475, %swap3A_476], %swap3A_479 {strides = array<i32>} : memref<2x64x512xf32, #tpu.memory_space<vmem>>, vector<1x1x16xf32>,
            } else {
            }
            %eq3A_384 = arith.constant 0 : i32
            %eq3A_385 = arith.cmpi eq, %rem3A_96, %eq3A_384 : i32
            %convert_element_type3A_386 = arith.extui %eq3A_385 : i1 to i32
            %cond3A_387 = arith.constant 0 : i32
            %cond3A_388 = arith.cmpi ne, %convert_element_type3A_386, %cond3A_387 : i32
            scf.if %cond3A_388 {
              %swap3A = arith.constant 0 : i32
              %swap3A_474 = arith.index_cast %swap3A : i32 to index
              %swap3A_475 = arith.index_cast %while3A_153 : i32 to index
              %swap3A_476 = arith.constant 368 : index
              %swap3A_477 = tpu.vector_load %arg8[%swap3A_474, %swap3A_475, %swap3A_476] {strides = array<i32>} : memref<2x64x512xf32, #tpu.memory_space<vmem>>, vector<1x1x16xf32>,
              %swap3A_478 = vector.shape_cast %swap3A_477 : vector<1x1x16xf32> to vector<16xf32>
              %swap3A_479 = vector.shape_cast %broadcast_in_dim3A_1 : vector<16xf32> to vector<1x1x16xf32>
              tpu.vector_store %arg8[%swap3A_474, %swap3A_475, %swap3A_476], %swap3A_479 {strides = array<i32>} : memref<2x64x512xf32, #tpu.memory_space<vmem>>, vector<1x1x16xf32>,
            } else {
            }
            %eq3A_389 = arith.constant 1 : i32
            %eq3A_390 = arith.cmpi eq, %rem3A_96, %eq3A_389 : i32
            %convert_element_type3A_391 = arith.extui %eq3A_390 : i1 to i32
            %cond3A_392 = arith.constant 0 : i32
            %cond3A_393 = arith.cmpi ne, %convert_element_type3A_391, %cond3A_392 : i32
            scf.if %cond3A_393 {
              %swap3A = arith.constant 1 : i32
              %swap3A_474 = arith.index_cast %swap3A : i32 to index
              %swap3A_475 = arith.index_cast %while3A_153 : i32 to index
              %swap3A_476 = arith.constant 368 : index
              %swap3A_477 = tpu.vector_load %arg8[%swap3A_474, %swap3A_475, %swap3A_476] {strides = array<i32>} : memref<2x64x512xf32, #tpu.memory_space<vmem>>, vector<1x1x16xf32>,
              %swap3A_478 = vector.shape_cast %swap3A_477 : vector<1x1x16xf32> to vector<16xf32>
              %swap3A_479 = vector.shape_cast %broadcast_in_dim3A_1 : vector<16xf32> to vector<1x1x16xf32>
              tpu.vector_store %arg8[%swap3A_474, %swap3A_475, %swap3A_476], %swap3A_479 {strides = array<i32>} : memref<2x64x512xf32, #tpu.memory_space<vmem>>, vector<1x1x16xf32>,
            } else {
            }
            %eq3A_394 = arith.constant 0 : i32
            %eq3A_395 = arith.cmpi eq, %rem3A_96, %eq3A_394 : i32
            %convert_element_type3A_396 = arith.extui %eq3A_395 : i1 to i32
            %cond3A_397 = arith.constant 0 : i32
            %cond3A_398 = arith.cmpi ne, %convert_element_type3A_396, %cond3A_397 : i32
            scf.if %cond3A_398 {
              %swap3A = arith.constant 0 : i32
              %swap3A_474 = arith.index_cast %swap3A : i32 to index
              %swap3A_475 = arith.index_cast %while3A_153 : i32 to index
              %swap3A_476 = arith.constant 384 : index
              %swap3A_477 = tpu.vector_load %arg8[%swap3A_474, %swap3A_475, %swap3A_476] {strides = array<i32>} : memref<2x64x512xf32, #tpu.memory_space<vmem>>, vector<1x1x16xf32>,
              %swap3A_478 = vector.shape_cast %swap3A_477 : vector<1x1x16xf32> to vector<16xf32>
              %swap3A_479 = vector.shape_cast %broadcast_in_dim3A_1 : vector<16xf32> to vector<1x1x16xf32>
              tpu.vector_store %arg8[%swap3A_474, %swap3A_475, %swap3A_476], %swap3A_479 {strides = array<i32>} : memref<2x64x512xf32, #tpu.memory_space<vmem>>, vector<1x1x16xf32>,
            } else {
            }
            %eq3A_399 = arith.constant 1 : i32
            %eq3A_400 = arith.cmpi eq, %rem3A_96, %eq3A_399 : i32
            %convert_element_type3A_401 = arith.extui %eq3A_400 : i1 to i32
            %cond3A_402 = arith.constant 0 : i32
            %cond3A_403 = arith.cmpi ne, %convert_element_type3A_401, %cond3A_402 : i32
            scf.if %cond3A_403 {
              %swap3A = arith.constant 1 : i32
              %swap3A_474 = arith.index_cast %swap3A : i32 to index
              %swap3A_475 = arith.index_cast %while3A_153 : i32 to index
              %swap3A_476 = arith.constant 384 : index
              %swap3A_477 = tpu.vector_load %arg8[%swap3A_474, %swap3A_475, %swap3A_476] {strides = array<i32>} : memref<2x64x512xf32, #tpu.memory_space<vmem>>, vector<1x1x16xf32>,
              %swap3A_478 = vector.shape_cast %swap3A_477 : vector<1x1x16xf32> to vector<16xf32>
              %swap3A_479 = vector.shape_cast %broadcast_in_dim3A_1 : vector<16xf32> to vector<1x1x16xf32>
              tpu.vector_store %arg8[%swap3A_474, %swap3A_475, %swap3A_476], %swap3A_479 {strides = array<i32>} : memref<2x64x512xf32, #tpu.memory_space<vmem>>, vector<1x1x16xf32>,
            } else {
            }
            %eq3A_404 = arith.constant 0 : i32
            %eq3A_405 = arith.cmpi eq, %rem3A_96, %eq3A_404 : i32
            %convert_element_type3A_406 = arith.extui %eq3A_405 : i1 to i32
            %cond3A_407 = arith.constant 0 : i32
            %cond3A_408 = arith.cmpi ne, %convert_element_type3A_406, %cond3A_407 : i32
            scf.if %cond3A_408 {
              %swap3A = arith.constant 0 : i32
              %swap3A_474 = arith.index_cast %swap3A : i32 to index
              %swap3A_475 = arith.index_cast %while3A_153 : i32 to index
              %swap3A_476 = arith.constant 400 : index
              %swap3A_477 = tpu.vector_load %arg8[%swap3A_474, %swap3A_475, %swap3A_476] {strides = array<i32>} : memref<2x64x512xf32, #tpu.memory_space<vmem>>, vector<1x1x16xf32>,
              %swap3A_478 = vector.shape_cast %swap3A_477 : vector<1x1x16xf32> to vector<16xf32>
              %swap3A_479 = vector.shape_cast %broadcast_in_dim3A_1 : vector<16xf32> to vector<1x1x16xf32>
              tpu.vector_store %arg8[%swap3A_474, %swap3A_475, %swap3A_476], %swap3A_479 {strides = array<i32>} : memref<2x64x512xf32, #tpu.memory_space<vmem>>, vector<1x1x16xf32>,
            } else {
            }
            %eq3A_409 = arith.constant 1 : i32
            %eq3A_410 = arith.cmpi eq, %rem3A_96, %eq3A_409 : i32
            %convert_element_type3A_411 = arith.extui %eq3A_410 : i1 to i32
            %cond3A_412 = arith.constant 0 : i32
            %cond3A_413 = arith.cmpi ne, %convert_element_type3A_411, %cond3A_412 : i32
            scf.if %cond3A_413 {
              %swap3A = arith.constant 1 : i32
              %swap3A_474 = arith.index_cast %swap3A : i32 to index
              %swap3A_475 = arith.index_cast %while3A_153 : i32 to index
              %swap3A_476 = arith.constant 400 : index
              %swap3A_477 = tpu.vector_load %arg8[%swap3A_474, %swap3A_475, %swap3A_476] {strides = array<i32>} : memref<2x64x512xf32, #tpu.memory_space<vmem>>, vector<1x1x16xf32>,
              %swap3A_478 = vector.shape_cast %swap3A_477 : vector<1x1x16xf32> to vector<16xf32>
              %swap3A_479 = vector.shape_cast %broadcast_in_dim3A_1 : vector<16xf32> to vector<1x1x16xf32>
              tpu.vector_store %arg8[%swap3A_474, %swap3A_475, %swap3A_476], %swap3A_479 {strides = array<i32>} : memref<2x64x512xf32, #tpu.memory_space<vmem>>, vector<1x1x16xf32>,
            } else {
            }
            %eq3A_414 = arith.constant 0 : i32
            %eq3A_415 = arith.cmpi eq, %rem3A_96, %eq3A_414 : i32
            %convert_element_type3A_416 = arith.extui %eq3A_415 : i1 to i32
            %cond3A_417 = arith.constant 0 : i32
            %cond3A_418 = arith.cmpi ne, %convert_element_type3A_416, %cond3A_417 : i32
            scf.if %cond3A_418 {
              %swap3A = arith.constant 0 : i32
              %swap3A_474 = arith.index_cast %swap3A : i32 to index
              %swap3A_475 = arith.index_cast %while3A_153 : i32 to index
              %swap3A_476 = arith.constant 416 : index
              %swap3A_477 = tpu.vector_load %arg8[%swap3A_474, %swap3A_475, %swap3A_476] {strides = array<i32>} : memref<2x64x512xf32, #tpu.memory_space<vmem>>, vector<1x1x16xf32>,
              %swap3A_478 = vector.shape_cast %swap3A_477 : vector<1x1x16xf32> to vector<16xf32>
              %swap3A_479 = vector.shape_cast %broadcast_in_dim3A_1 : vector<16xf32> to vector<1x1x16xf32>
              tpu.vector_store %arg8[%swap3A_474, %swap3A_475, %swap3A_476], %swap3A_479 {strides = array<i32>} : memref<2x64x512xf32, #tpu.memory_space<vmem>>, vector<1x1x16xf32>,
            } else {
            }
            %eq3A_419 = arith.constant 1 : i32
            %eq3A_420 = arith.cmpi eq, %rem3A_96, %eq3A_419 : i32
            %convert_element_type3A_421 = arith.extui %eq3A_420 : i1 to i32
            %cond3A_422 = arith.constant 0 : i32
            %cond3A_423 = arith.cmpi ne, %convert_element_type3A_421, %cond3A_422 : i32
            scf.if %cond3A_423 {
              %swap3A = arith.constant 1 : i32
              %swap3A_474 = arith.index_cast %swap3A : i32 to index
              %swap3A_475 = arith.index_cast %while3A_153 : i32 to index
              %swap3A_476 = arith.constant 416 : index
              %swap3A_477 = tpu.vector_load %arg8[%swap3A_474, %swap3A_475, %swap3A_476] {strides = array<i32>} : memref<2x64x512xf32, #tpu.memory_space<vmem>>, vector<1x1x16xf32>,
              %swap3A_478 = vector.shape_cast %swap3A_477 : vector<1x1x16xf32> to vector<16xf32>
              %swap3A_479 = vector.shape_cast %broadcast_in_dim3A_1 : vector<16xf32> to vector<1x1x16xf32>
              tpu.vector_store %arg8[%swap3A_474, %swap3A_475, %swap3A_476], %swap3A_479 {strides = array<i32>} : memref<2x64x512xf32, #tpu.memory_space<vmem>>, vector<1x1x16xf32>,
            } else {
            }
            %eq3A_424 = arith.constant 0 : i32
            %eq3A_425 = arith.cmpi eq, %rem3A_96, %eq3A_424 : i32
            %convert_element_type3A_426 = arith.extui %eq3A_425 : i1 to i32
            %cond3A_427 = arith.constant 0 : i32
            %cond3A_428 = arith.cmpi ne, %convert_element_type3A_426, %cond3A_427 : i32
            scf.if %cond3A_428 {
              %swap3A = arith.constant 0 : i32
              %swap3A_474 = arith.index_cast %swap3A : i32 to index
              %swap3A_475 = arith.index_cast %while3A_153 : i32 to index
              %swap3A_476 = arith.constant 432 : index
              %swap3A_477 = tpu.vector_load %arg8[%swap3A_474, %swap3A_475, %swap3A_476] {strides = array<i32>} : memref<2x64x512xf32, #tpu.memory_space<vmem>>, vector<1x1x16xf32>,
              %swap3A_478 = vector.shape_cast %swap3A_477 : vector<1x1x16xf32> to vector<16xf32>
              %swap3A_479 = vector.shape_cast %broadcast_in_dim3A_1 : vector<16xf32> to vector<1x1x16xf32>
              tpu.vector_store %arg8[%swap3A_474, %swap3A_475, %swap3A_476], %swap3A_479 {strides = array<i32>} : memref<2x64x512xf32, #tpu.memory_space<vmem>>, vector<1x1x16xf32>,
            } else {
            }
            %eq3A_429 = arith.constant 1 : i32
            %eq3A_430 = arith.cmpi eq, %rem3A_96, %eq3A_429 : i32
            %convert_element_type3A_431 = arith.extui %eq3A_430 : i1 to i32
            %cond3A_432 = arith.constant 0 : i32
            %cond3A_433 = arith.cmpi ne, %convert_element_type3A_431, %cond3A_432 : i32
            scf.if %cond3A_433 {
              %swap3A = arith.constant 1 : i32
              %swap3A_474 = arith.index_cast %swap3A : i32 to index
              %swap3A_475 = arith.index_cast %while3A_153 : i32 to index
              %swap3A_476 = arith.constant 432 : index
              %swap3A_477 = tpu.vector_load %arg8[%swap3A_474, %swap3A_475, %swap3A_476] {strides = array<i32>} : memref<2x64x512xf32, #tpu.memory_space<vmem>>, vector<1x1x16xf32>,
              %swap3A_478 = vector.shape_cast %swap3A_477 : vector<1x1x16xf32> to vector<16xf32>
              %swap3A_479 = vector.shape_cast %broadcast_in_dim3A_1 : vector<16xf32> to vector<1x1x16xf32>
              tpu.vector_store %arg8[%swap3A_474, %swap3A_475, %swap3A_476], %swap3A_479 {strides = array<i32>} : memref<2x64x512xf32, #tpu.memory_space<vmem>>, vector<1x1x16xf32>,
            } else {
            }
            %eq3A_434 = arith.constant 0 : i32
            %eq3A_435 = arith.cmpi eq, %rem3A_96, %eq3A_434 : i32
            %convert_element_type3A_436 = arith.extui %eq3A_435 : i1 to i32
            %cond3A_437 = arith.constant 0 : i32
            %cond3A_438 = arith.cmpi ne, %convert_element_type3A_436, %cond3A_437 : i32
            scf.if %cond3A_438 {
              %swap3A = arith.constant 0 : i32
              %swap3A_474 = arith.index_cast %swap3A : i32 to index
              %swap3A_475 = arith.index_cast %while3A_153 : i32 to index
              %swap3A_476 = arith.constant 448 : index
              %swap3A_477 = tpu.vector_load %arg8[%swap3A_474, %swap3A_475, %swap3A_476] {strides = array<i32>} : memref<2x64x512xf32, #tpu.memory_space<vmem>>, vector<1x1x16xf32>,
              %swap3A_478 = vector.shape_cast %swap3A_477 : vector<1x1x16xf32> to vector<16xf32>
              %swap3A_479 = vector.shape_cast %broadcast_in_dim3A_1 : vector<16xf32> to vector<1x1x16xf32>
              tpu.vector_store %arg8[%swap3A_474, %swap3A_475, %swap3A_476], %swap3A_479 {strides = array<i32>} : memref<2x64x512xf32, #tpu.memory_space<vmem>>, vector<1x1x16xf32>,
            } else {
            }
            %eq3A_439 = arith.constant 1 : i32
            %eq3A_440 = arith.cmpi eq, %rem3A_96, %eq3A_439 : i32
            %convert_element_type3A_441 = arith.extui %eq3A_440 : i1 to i32
            %cond3A_442 = arith.constant 0 : i32
            %cond3A_443 = arith.cmpi ne, %convert_element_type3A_441, %cond3A_442 : i32
            scf.if %cond3A_443 {
              %swap3A = arith.constant 1 : i32
              %swap3A_474 = arith.index_cast %swap3A : i32 to index
              %swap3A_475 = arith.index_cast %while3A_153 : i32 to index
              %swap3A_476 = arith.constant 448 : index
              %swap3A_477 = tpu.vector_load %arg8[%swap3A_474, %swap3A_475, %swap3A_476] {strides = array<i32>} : memref<2x64x512xf32, #tpu.memory_space<vmem>>, vector<1x1x16xf32>,
              %swap3A_478 = vector.shape_cast %swap3A_477 : vector<1x1x16xf32> to vector<16xf32>
              %swap3A_479 = vector.shape_cast %broadcast_in_dim3A_1 : vector<16xf32> to vector<1x1x16xf32>
              tpu.vector_store %arg8[%swap3A_474, %swap3A_475, %swap3A_476], %swap3A_479 {strides = array<i32>} : memref<2x64x512xf32, #tpu.memory_space<vmem>>, vector<1x1x16xf32>,
            } else {
            }
            %eq3A_444 = arith.constant 0 : i32
            %eq3A_445 = arith.cmpi eq, %rem3A_96, %eq3A_444 : i32
            %convert_element_type3A_446 = arith.extui %eq3A_445 : i1 to i32
            %cond3A_447 = arith.constant 0 : i32
            %cond3A_448 = arith.cmpi ne, %convert_element_type3A_446, %cond3A_447 : i32
            scf.if %cond3A_448 {
              %swap3A = arith.constant 0 : i32
              %swap3A_474 = arith.index_cast %swap3A : i32 to index
              %swap3A_475 = arith.index_cast %while3A_153 : i32 to index
              %swap3A_476 = arith.constant 464 : index
              %swap3A_477 = tpu.vector_load %arg8[%swap3A_474, %swap3A_475, %swap3A_476] {strides = array<i32>} : memref<2x64x512xf32, #tpu.memory_space<vmem>>, vector<1x1x16xf32>,
              %swap3A_478 = vector.shape_cast %swap3A_477 : vector<1x1x16xf32> to vector<16xf32>
              %swap3A_479 = vector.shape_cast %broadcast_in_dim3A_1 : vector<16xf32> to vector<1x1x16xf32>
              tpu.vector_store %arg8[%swap3A_474, %swap3A_475, %swap3A_476], %swap3A_479 {strides = array<i32>} : memref<2x64x512xf32, #tpu.memory_space<vmem>>, vector<1x1x16xf32>,
            } else {
            }
            %eq3A_449 = arith.constant 1 : i32
            %eq3A_450 = arith.cmpi eq, %rem3A_96, %eq3A_449 : i32
            %convert_element_type3A_451 = arith.extui %eq3A_450 : i1 to i32
            %cond3A_452 = arith.constant 0 : i32
            %cond3A_453 = arith.cmpi ne, %convert_element_type3A_451, %cond3A_452 : i32
            scf.if %cond3A_453 {
              %swap3A = arith.constant 1 : i32
              %swap3A_474 = arith.index_cast %swap3A : i32 to index
              %swap3A_475 = arith.index_cast %while3A_153 : i32 to index
              %swap3A_476 = arith.constant 464 : index
              %swap3A_477 = tpu.vector_load %arg8[%swap3A_474, %swap3A_475, %swap3A_476] {strides = array<i32>} : memref<2x64x512xf32, #tpu.memory_space<vmem>>, vector<1x1x16xf32>,
              %swap3A_478 = vector.shape_cast %swap3A_477 : vector<1x1x16xf32> to vector<16xf32>
              %swap3A_479 = vector.shape_cast %broadcast_in_dim3A_1 : vector<16xf32> to vector<1x1x16xf32>
              tpu.vector_store %arg8[%swap3A_474, %swap3A_475, %swap3A_476], %swap3A_479 {strides = array<i32>} : memref<2x64x512xf32, #tpu.memory_space<vmem>>, vector<1x1x16xf32>,
            } else {
            }
            %eq3A_454 = arith.constant 0 : i32
            %eq3A_455 = arith.cmpi eq, %rem3A_96, %eq3A_454 : i32
            %convert_element_type3A_456 = arith.extui %eq3A_455 : i1 to i32
            %cond3A_457 = arith.constant 0 : i32
            %cond3A_458 = arith.cmpi ne, %convert_element_type3A_456, %cond3A_457 : i32
            scf.if %cond3A_458 {
              %swap3A = arith.constant 0 : i32
              %swap3A_474 = arith.index_cast %swap3A : i32 to index
              %swap3A_475 = arith.index_cast %while3A_153 : i32 to index
              %swap3A_476 = arith.constant 480 : index
              %swap3A_477 = tpu.vector_load %arg8[%swap3A_474, %swap3A_475, %swap3A_476] {strides = array<i32>} : memref<2x64x512xf32, #tpu.memory_space<vmem>>, vector<1x1x16xf32>,
              %swap3A_478 = vector.shape_cast %swap3A_477 : vector<1x1x16xf32> to vector<16xf32>
              %swap3A_479 = vector.shape_cast %broadcast_in_dim3A_1 : vector<16xf32> to vector<1x1x16xf32>
              tpu.vector_store %arg8[%swap3A_474, %swap3A_475, %swap3A_476], %swap3A_479 {strides = array<i32>} : memref<2x64x512xf32, #tpu.memory_space<vmem>>, vector<1x1x16xf32>,
            } else {
            }
            %eq3A_459 = arith.constant 1 : i32
            %eq3A_460 = arith.cmpi eq, %rem3A_96, %eq3A_459 : i32
            %convert_element_type3A_461 = arith.extui %eq3A_460 : i1 to i32
            %cond3A_462 = arith.constant 0 : i32
            %cond3A_463 = arith.cmpi ne, %convert_element_type3A_461, %cond3A_462 : i32
            scf.if %cond3A_463 {
              %swap3A = arith.constant 1 : i32
              %swap3A_474 = arith.index_cast %swap3A : i32 to index
              %swap3A_475 = arith.index_cast %while3A_153 : i32 to index
              %swap3A_476 = arith.constant 480 : index
              %swap3A_477 = tpu.vector_load %arg8[%swap3A_474, %swap3A_475, %swap3A_476] {strides = array<i32>} : memref<2x64x512xf32, #tpu.memory_space<vmem>>, vector<1x1x16xf32>,
              %swap3A_478 = vector.shape_cast %swap3A_477 : vector<1x1x16xf32> to vector<16xf32>
              %swap3A_479 = vector.shape_cast %broadcast_in_dim3A_1 : vector<16xf32> to vector<1x1x16xf32>
              tpu.vector_store %arg8[%swap3A_474, %swap3A_475, %swap3A_476], %swap3A_479 {strides = array<i32>} : memref<2x64x512xf32, #tpu.memory_space<vmem>>, vector<1x1x16xf32>,
            } else {
            }
            %eq3A_464 = arith.constant 0 : i32
            %eq3A_465 = arith.cmpi eq, %rem3A_96, %eq3A_464 : i32
            %convert_element_type3A_466 = arith.extui %eq3A_465 : i1 to i32
            %cond3A_467 = arith.constant 0 : i32
            %cond3A_468 = arith.cmpi ne, %convert_element_type3A_466, %cond3A_467 : i32
            scf.if %cond3A_468 {
              %swap3A = arith.constant 0 : i32
              %swap3A_474 = arith.index_cast %swap3A : i32 to index
              %swap3A_475 = arith.index_cast %while3A_153 : i32 to index
              %swap3A_476 = arith.constant 496 : index
              %swap3A_477 = tpu.vector_load %arg8[%swap3A_474, %swap3A_475, %swap3A_476] {strides = array<i32>} : memref<2x64x512xf32, #tpu.memory_space<vmem>>, vector<1x1x16xf32>,
              %swap3A_478 = vector.shape_cast %swap3A_477 : vector<1x1x16xf32> to vector<16xf32>
              %swap3A_479 = vector.shape_cast %broadcast_in_dim3A_1 : vector<16xf32> to vector<1x1x16xf32>
              tpu.vector_store %arg8[%swap3A_474, %swap3A_475, %swap3A_476], %swap3A_479 {strides = array<i32>} : memref<2x64x512xf32, #tpu.memory_space<vmem>>, vector<1x1x16xf32>,
            } else {
            }
            %eq3A_469 = arith.constant 1 : i32
            %eq3A_470 = arith.cmpi eq, %rem3A_96, %eq3A_469 : i32
            %convert_element_type3A_471 = arith.extui %eq3A_470 : i1 to i32
            %cond3A_472 = arith.constant 0 : i32
            %cond3A_473 = arith.cmpi ne, %convert_element_type3A_471, %cond3A_472 : i32
            scf.if %cond3A_473 {
              %swap3A = arith.constant 1 : i32
              %swap3A_474 = arith.index_cast %swap3A : i32 to index
              %swap3A_475 = arith.index_cast %while3A_153 : i32 to index
              %swap3A_476 = arith.constant 496 : index
              %swap3A_477 = tpu.vector_load %arg8[%swap3A_474, %swap3A_475, %swap3A_476] {strides = array<i32>} : memref<2x64x512xf32, #tpu.memory_space<vmem>>, vector<1x1x16xf32>,
              %swap3A_478 = vector.shape_cast %swap3A_477 : vector<1x1x16xf32> to vector<16xf32>
              %swap3A_479 = vector.shape_cast %broadcast_in_dim3A_1 : vector<16xf32> to vector<1x1x16xf32>
              tpu.vector_store %arg8[%swap3A_474, %swap3A_475, %swap3A_476], %swap3A_479 {strides = array<i32>} : memref<2x64x512xf32, #tpu.memory_space<vmem>>, vector<1x1x16xf32>,
            } else {
            }
          }
          %while3A_152 = arith.constant 1 : i32
          scf.for %while3A_153 = %while3A_150 to %while3A_146 step %while3A_152  : i32 {
            %eq3A_154 = arith.constant 0 : i32
            %eq3A_155 = arith.cmpi eq, %rem3A_96, %eq3A_154 : i32
            %convert_element_type3A_156 = arith.extui %eq3A_155 : i1 to i32
            %cond3A_157 = arith.constant 0 : i32
            %cond3A_158 = arith.cmpi ne, %convert_element_type3A_156, %cond3A_157 : i32
            scf.if %cond3A_158 {
              %swap3A = arith.constant 0 : i32
              %swap3A_474 = arith.index_cast %swap3A : i32 to index
              %swap3A_475 = arith.index_cast %while3A_153 : i32 to index
              %swap3A_476 = arith.constant 0 : index
              %swap3A_477 = tpu.vector_load %arg8[%swap3A_474, %swap3A_475, %swap3A_476] {strides = array<i32>} : memref<2x64x512xf32, #tpu.memory_space<vmem>>, vector<1x1x16xf32>,
              %swap3A_478 = vector.shape_cast %swap3A_477 : vector<1x1x16xf32> to vector<16xf32>
              %swap3A_479 = vector.shape_cast %broadcast_in_dim3A_1 : vector<16xf32> to vector<1x1x16xf32>
              tpu.vector_store %arg8[%swap3A_474, %swap3A_475, %swap3A_476], %swap3A_479 {strides = array<i32>} : memref<2x64x512xf32, #tpu.memory_space<vmem>>, vector<1x1x16xf32>,
            } else {
            }
            %eq3A_159 = arith.constant 1 : i32
            %eq3A_160 = arith.cmpi eq, %rem3A_96, %eq3A_159 : i32
            %convert_element_type3A_161 = arith.extui %eq3A_160 : i1 to i32
            %cond3A_162 = arith.constant 0 : i32
            %cond3A_163 = arith.cmpi ne, %convert_element_type3A_161, %cond3A_162 : i32
            scf.if %cond3A_163 {
              %swap3A = arith.constant 1 : i32
              %swap3A_474 = arith.index_cast %swap3A : i32 to index
              %swap3A_475 = arith.index_cast %while3A_153 : i32 to index
              %swap3A_476 = arith.constant 0 : index
              %swap3A_477 = tpu.vector_load %arg8[%swap3A_474, %swap3A_475, %swap3A_476] {strides = array<i32>} : memref<2x64x512xf32, #tpu.memory_space<vmem>>, vector<1x1x16xf32>,
              %swap3A_478 = vector.shape_cast %swap3A_477 : vector<1x1x16xf32> to vector<16xf32>
              %swap3A_479 = vector.shape_cast %broadcast_in_dim3A_1 : vector<16xf32> to vector<1x1x16xf32>
              tpu.vector_store %arg8[%swap3A_474, %swap3A_475, %swap3A_476], %swap3A_479 {strides = array<i32>} : memref<2x64x512xf32, #tpu.memory_space<vmem>>, vector<1x1x16xf32>,
            } else {
            }
            %eq3A_164 = arith.constant 0 : i32
            %eq3A_165 = arith.cmpi eq, %rem3A_96, %eq3A_164 : i32
            %convert_element_type3A_166 = arith.extui %eq3A_165 : i1 to i32
            %cond3A_167 = arith.constant 0 : i32
            %cond3A_168 = arith.cmpi ne, %convert_element_type3A_166, %cond3A_167 : i32
            scf.if %cond3A_168 {
              %swap3A = arith.constant 0 : i32
              %swap3A_474 = arith.index_cast %swap3A : i32 to index
              %swap3A_475 = arith.index_cast %while3A_153 : i32 to index
              %swap3A_476 = arith.constant 16 : index
              %swap3A_477 = tpu.vector_load %arg8[%swap3A_474, %swap3A_475, %swap3A_476] {strides = array<i32>} : memref<2x64x512xf32, #tpu.memory_space<vmem>>, vector<1x1x16xf32>,
              %swap3A_478 = vector.shape_cast %swap3A_477 : vector<1x1x16xf32> to vector<16xf32>
              %swap3A_479 = vector.shape_cast %broadcast_in_dim3A_1 : vector<16xf32> to vector<1x1x16xf32>
              tpu.vector_store %arg8[%swap3A_474, %swap3A_475, %swap3A_476], %swap3A_479 {strides = array<i32>} : memref<2x64x512xf32, #tpu.memory_space<vmem>>, vector<1x1x16xf32>,
            } else {
            }
            %eq3A_169 = arith.constant 1 : i32
            %eq3A_170 = arith.cmpi eq, %rem3A_96, %eq3A_169 : i32
            %convert_element_type3A_171 = arith.extui %eq3A_170 : i1 to i32
            %cond3A_172 = arith.constant 0 : i32
            %cond3A_173 = arith.cmpi ne, %convert_element_type3A_171, %cond3A_172 : i32
            scf.if %cond3A_173 {
              %swap3A = arith.constant 1 : i32
              %swap3A_474 = arith.index_cast %swap3A : i32 to index
              %swap3A_475 = arith.index_cast %while3A_153 : i32 to index
              %swap3A_476 = arith.constant 16 : index
              %swap3A_477 = tpu.vector_load %arg8[%swap3A_474, %swap3A_475, %swap3A_476] {strides = array<i32>} : memref<2x64x512xf32, #tpu.memory_space<vmem>>, vector<1x1x16xf32>,
              %swap3A_478 = vector.shape_cast %swap3A_477 : vector<1x1x16xf32> to vector<16xf32>
              %swap3A_479 = vector.shape_cast %broadcast_in_dim3A_1 : vector<16xf32> to vector<1x1x16xf32>
              tpu.vector_store %arg8[%swap3A_474, %swap3A_475, %swap3A_476], %swap3A_479 {strides = array<i32>} : memref<2x64x512xf32, #tpu.memory_space<vmem>>, vector<1x1x16xf32>,
            } else {
            }
            %eq3A_174 = arith.constant 0 : i32
            %eq3A_175 = arith.cmpi eq, %rem3A_96, %eq3A_174 : i32
            %convert_element_type3A_176 = arith.extui %eq3A_175 : i1 to i32
            %cond3A_177 = arith.constant 0 : i32
            %cond3A_178 = arith.cmpi ne, %convert_element_type3A_176, %cond3A_177 : i32
            scf.if %cond3A_178 {
              %swap3A = arith.constant 0 : i32
              %swap3A_474 = arith.index_cast %swap3A : i32 to index
              %swap3A_475 = arith.index_cast %while3A_153 : i32 to index
              %swap3A_476 = arith.constant 32 : index
              %swap3A_477 = tpu.vector_load %arg8[%swap3A_474, %swap3A_475, %swap3A_476] {strides = array<i32>} : memref<2x64x512xf32, #tpu.memory_space<vmem>>, vector<1x1x16xf32>,
              %swap3A_478 = vector.shape_cast %swap3A_477 : vector<1x1x16xf32> to vector<16xf32>
              %swap3A_479 = vector.shape_cast %broadcast_in_dim3A_1 : vector<16xf32> to vector<1x1x16xf32>
              tpu.vector_store %arg8[%swap3A_474, %swap3A_475, %swap3A_476], %swap3A_479 {strides = array<i32>} : memref<2x64x512xf32, #tpu.memory_space<vmem>>, vector<1x1x16xf32>,
            } else {
            }
            %eq3A_179 = arith.constant 1 : i32
            %eq3A_180 = arith.cmpi eq, %rem3A_96, %eq3A_179 : i32
            %convert_element_type3A_181 = arith.extui %eq3A_180 : i1 to i32
            %cond3A_182 = arith.constant 0 : i32
            %cond3A_183 = arith.cmpi ne, %convert_element_type3A_181, %cond3A_182 : i32
            scf.if %cond3A_183 {
              %swap3A = arith.constant 1 : i32
              %swap3A_474 = arith.index_cast %swap3A : i32 to index
              %swap3A_475 = arith.index_cast %while3A_153 : i32 to index
              %swap3A_476 = arith.constant 32 : index
              %swap3A_477 = tpu.vector_load %arg8[%swap3A_474, %swap3A_475, %swap3A_476] {strides = array<i32>} : memref<2x64x512xf32, #tpu.memory_space<vmem>>, vector<1x1x16xf32>,
              %swap3A_478 = vector.shape_cast %swap3A_477 : vector<1x1x16xf32> to vector<16xf32>
              %swap3A_479 = vector.shape_cast %broadcast_in_dim3A_1 : vector<16xf32> to vector<1x1x16xf32>
              tpu.vector_store %arg8[%swap3A_474, %swap3A_475, %swap3A_476], %swap3A_479 {strides = array<i32>} : memref<2x64x512xf32, #tpu.memory_space<vmem>>, vector<1x1x16xf32>,
            } else {
            }
            %eq3A_184 = arith.constant 0 : i32
            %eq3A_185 = arith.cmpi eq, %rem3A_96, %eq3A_184 : i32
            %convert_element_type3A_186 = arith.extui %eq3A_185 : i1 to i32
            %cond3A_187 = arith.constant 0 : i32
            %cond3A_188 = arith.cmpi ne, %convert_element_type3A_186, %cond3A_187 : i32
            scf.if %cond3A_188 {
              %swap3A = arith.constant 0 : i32
              %swap3A_474 = arith.index_cast %swap3A : i32 to index
              %swap3A_475 = arith.index_cast %while3A_153 : i32 to index
              %swap3A_476 = arith.constant 48 : index
              %swap3A_477 = tpu.vector_load %arg8[%swap3A_474, %swap3A_475, %swap3A_476] {strides = array<i32>} : memref<2x64x512xf32, #tpu.memory_space<vmem>>, vector<1x1x16xf32>,
              %swap3A_478 = vector.shape_cast %swap3A_477 : vector<1x1x16xf32> to vector<16xf32>
              %swap3A_479 = vector.shape_cast %broadcast_in_dim3A_1 : vector<16xf32> to vector<1x1x16xf32>
              tpu.vector_store %arg8[%swap3A_474, %swap3A_475, %swap3A_476], %swap3A_479 {strides = array<i32>} : memref<2x64x512xf32, #tpu.memory_space<vmem>>, vector<1x1x16xf32>,
            } else {
            }
            %eq3A_189 = arith.constant 1 : i32
            %eq3A_190 = arith.cmpi eq, %rem3A_96, %eq3A_189 : i32
            %convert_element_type3A_191 = arith.extui %eq3A_190 : i1 to i32
            %cond3A_192 = arith.constant 0 : i32
            %cond3A_193 = arith.cmpi ne, %convert_element_type3A_191, %cond3A_192 : i32
            scf.if %cond3A_193 {
              %swap3A = arith.constant 1 : i32
              %swap3A_474 = arith.index_cast %swap3A : i32 to index
              %swap3A_475 = arith.index_cast %while3A_153 : i32 to index
              %swap3A_476 = arith.constant 48 : index
              %swap3A_477 = tpu.vector_load %arg8[%swap3A_474, %swap3A_475, %swap3A_476] {strides = array<i32>} : memref<2x64x512xf32, #tpu.memory_space<vmem>>, vector<1x1x16xf32>,
              %swap3A_478 = vector.shape_cast %swap3A_477 : vector<1x1x16xf32> to vector<16xf32>
              %swap3A_479 = vector.shape_cast %broadcast_in_dim3A_1 : vector<16xf32> to vector<1x1x16xf32>
              tpu.vector_store %arg8[%swap3A_474, %swap3A_475, %swap3A_476], %swap3A_479 {strides = array<i32>} : memref<2x64x512xf32, #tpu.memory_space<vmem>>, vector<1x1x16xf32>,
            } else {
            }
            %eq3A_194 = arith.constant 0 : i32
            %eq3A_195 = arith.cmpi eq, %rem3A_96, %eq3A_194 : i32
            %convert_element_type3A_196 = arith.extui %eq3A_195 : i1 to i32
            %cond3A_197 = arith.constant 0 : i32
            %cond3A_198 = arith.cmpi ne, %convert_element_type3A_196, %cond3A_197 : i32
            scf.if %cond3A_198 {
              %swap3A = arith.constant 0 : i32
              %swap3A_474 = arith.index_cast %swap3A : i32 to index
              %swap3A_475 = arith.index_cast %while3A_153 : i32 to index
              %swap3A_476 = arith.constant 64 : index
              %swap3A_477 = tpu.vector_load %arg8[%swap3A_474, %swap3A_475, %swap3A_476] {strides = array<i32>} : memref<2x64x512xf32, #tpu.memory_space<vmem>>, vector<1x1x16xf32>,
              %swap3A_478 = vector.shape_cast %swap3A_477 : vector<1x1x16xf32> to vector<16xf32>
              %swap3A_479 = vector.shape_cast %broadcast_in_dim3A_1 : vector<16xf32> to vector<1x1x16xf32>
              tpu.vector_store %arg8[%swap3A_474, %swap3A_475, %swap3A_476], %swap3A_479 {strides = array<i32>} : memref<2x64x512xf32, #tpu.memory_space<vmem>>, vector<1x1x16xf32>,
            } else {
            }
            %eq3A_199 = arith.constant 1 : i32
            %eq3A_200 = arith.cmpi eq, %rem3A_96, %eq3A_199 : i32
            %convert_element_type3A_201 = arith.extui %eq3A_200 : i1 to i32
            %cond3A_202 = arith.constant 0 : i32
            %cond3A_203 = arith.cmpi ne, %convert_element_type3A_201, %cond3A_202 : i32
            scf.if %cond3A_203 {
              %swap3A = arith.constant 1 : i32
              %swap3A_474 = arith.index_cast %swap3A : i32 to index
              %swap3A_475 = arith.index_cast %while3A_153 : i32 to index
              %swap3A_476 = arith.constant 64 : index
              %swap3A_477 = tpu.vector_load %arg8[%swap3A_474, %swap3A_475, %swap3A_476] {strides = array<i32>} : memref<2x64x512xf32, #tpu.memory_space<vmem>>, vector<1x1x16xf32>,
              %swap3A_478 = vector.shape_cast %swap3A_477 : vector<1x1x16xf32> to vector<16xf32>
              %swap3A_479 = vector.shape_cast %broadcast_in_dim3A_1 : vector<16xf32> to vector<1x1x16xf32>
              tpu.vector_store %arg8[%swap3A_474, %swap3A_475, %swap3A_476], %swap3A_479 {strides = array<i32>} : memref<2x64x512xf32, #tpu.memory_space<vmem>>, vector<1x1x16xf32>,
            } else {
            }
            %eq3A_204 = arith.constant 0 : i32
            %eq3A_205 = arith.cmpi eq, %rem3A_96, %eq3A_204 : i32
            %convert_element_type3A_206 = arith.extui %eq3A_205 : i1 to i32
            %cond3A_207 = arith.constant 0 : i32
            %cond3A_208 = arith.cmpi ne, %convert_element_type3A_206, %cond3A_207 : i32
            scf.if %cond3A_208 {
              %swap3A = arith.constant 0 : i32
              %swap3A_474 = arith.index_cast %swap3A : i32 to index
              %swap3A_475 = arith.index_cast %while3A_153 : i32 to index
              %swap3A_476 = arith.constant 80 : index
              %swap3A_477 = tpu.vector_load %arg8[%swap3A_474, %swap3A_475, %swap3A_476] {strides = array<i32>} : memref<2x64x512xf32, #tpu.memory_space<vmem>>, vector<1x1x16xf32>,
              %swap3A_478 = vector.shape_cast %swap3A_477 : vector<1x1x16xf32> to vector<16xf32>
              %swap3A_479 = vector.shape_cast %broadcast_in_dim3A_1 : vector<16xf32> to vector<1x1x16xf32>
              tpu.vector_store %arg8[%swap3A_474, %swap3A_475, %swap3A_476], %swap3A_479 {strides = array<i32>} : memref<2x64x512xf32, #tpu.memory_space<vmem>>, vector<1x1x16xf32>,
            } else {
            }
            %eq3A_209 = arith.constant 1 : i32
            %eq3A_210 = arith.cmpi eq, %rem3A_96, %eq3A_209 : i32
            %convert_element_type3A_211 = arith.extui %eq3A_210 : i1 to i32
            %cond3A_212 = arith.constant 0 : i32
            %cond3A_213 = arith.cmpi ne, %convert_element_type3A_211, %cond3A_212 : i32
            scf.if %cond3A_213 {
              %swap3A = arith.constant 1 : i32
              %swap3A_474 = arith.index_cast %swap3A : i32 to index
              %swap3A_475 = arith.index_cast %while3A_153 : i32 to index
              %swap3A_476 = arith.constant 80 : index
              %swap3A_477 = tpu.vector_load %arg8[%swap3A_474, %swap3A_475, %swap3A_476] {strides = array<i32>} : memref<2x64x512xf32, #tpu.memory_space<vmem>>, vector<1x1x16xf32>,
              %swap3A_478 = vector.shape_cast %swap3A_477 : vector<1x1x16xf32> to vector<16xf32>
              %swap3A_479 = vector.shape_cast %broadcast_in_dim3A_1 : vector<16xf32> to vector<1x1x16xf32>
              tpu.vector_store %arg8[%swap3A_474, %swap3A_475, %swap3A_476], %swap3A_479 {strides = array<i32>} : memref<2x64x512xf32, #tpu.memory_space<vmem>>, vector<1x1x16xf32>,
            } else {
            }
            %eq3A_214 = arith.constant 0 : i32
            %eq3A_215 = arith.cmpi eq, %rem3A_96, %eq3A_214 : i32
            %convert_element_type3A_216 = arith.extui %eq3A_215 : i1 to i32
            %cond3A_217 = arith.constant 0 : i32
            %cond3A_218 = arith.cmpi ne, %convert_element_type3A_216, %cond3A_217 : i32
            scf.if %cond3A_218 {
              %swap3A = arith.constant 0 : i32
              %swap3A_474 = arith.index_cast %swap3A : i32 to index
              %swap3A_475 = arith.index_cast %while3A_153 : i32 to index
              %swap3A_476 = arith.constant 96 : index
              %swap3A_477 = tpu.vector_load %arg8[%swap3A_474, %swap3A_475, %swap3A_476] {strides = array<i32>} : memref<2x64x512xf32, #tpu.memory_space<vmem>>, vector<1x1x16xf32>,
              %swap3A_478 = vector.shape_cast %swap3A_477 : vector<1x1x16xf32> to vector<16xf32>
              %swap3A_479 = vector.shape_cast %broadcast_in_dim3A_1 : vector<16xf32> to vector<1x1x16xf32>
              tpu.vector_store %arg8[%swap3A_474, %swap3A_475, %swap3A_476], %swap3A_479 {strides = array<i32>} : memref<2x64x512xf32, #tpu.memory_space<vmem>>, vector<1x1x16xf32>,
            } else {
            }
            %eq3A_219 = arith.constant 1 : i32
            %eq3A_220 = arith.cmpi eq, %rem3A_96, %eq3A_219 : i32
            %convert_element_type3A_221 = arith.extui %eq3A_220 : i1 to i32
            %cond3A_222 = arith.constant 0 : i32
            %cond3A_223 = arith.cmpi ne, %convert_element_type3A_221, %cond3A_222 : i32
            scf.if %cond3A_223 {
              %swap3A = arith.constant 1 : i32
              %swap3A_474 = arith.index_cast %swap3A : i32 to index
              %swap3A_475 = arith.index_cast %while3A_153 : i32 to index
              %swap3A_476 = arith.constant 96 : index
              %swap3A_477 = tpu.vector_load %arg8[%swap3A_474, %swap3A_475, %swap3A_476] {strides = array<i32>} : memref<2x64x512xf32, #tpu.memory_space<vmem>>, vector<1x1x16xf32>,
              %swap3A_478 = vector.shape_cast %swap3A_477 : vector<1x1x16xf32> to vector<16xf32>
              %swap3A_479 = vector.shape_cast %broadcast_in_dim3A_1 : vector<16xf32> to vector<1x1x16xf32>
              tpu.vector_store %arg8[%swap3A_474, %swap3A_475, %swap3A_476], %swap3A_479 {strides = array<i32>} : memref<2x64x512xf32, #tpu.memory_space<vmem>>, vector<1x1x16xf32>,
            } else {
            }
            %eq3A_224 = arith.constant 0 : i32
            %eq3A_225 = arith.cmpi eq, %rem3A_96, %eq3A_224 : i32
            %convert_element_type3A_226 = arith.extui %eq3A_225 : i1 to i32
            %cond3A_227 = arith.constant 0 : i32
            %cond3A_228 = arith.cmpi ne, %convert_element_type3A_226, %cond3A_227 : i32
            scf.if %cond3A_228 {
              %swap3A = arith.constant 0 : i32
              %swap3A_474 = arith.index_cast %swap3A : i32 to index
              %swap3A_475 = arith.index_cast %while3A_153 : i32 to index
              %swap3A_476 = arith.constant 112 : index
              %swap3A_477 = tpu.vector_load %arg8[%swap3A_474, %swap3A_475, %swap3A_476] {strides = array<i32>} : memref<2x64x512xf32, #tpu.memory_space<vmem>>, vector<1x1x16xf32>,
              %swap3A_478 = vector.shape_cast %swap3A_477 : vector<1x1x16xf32> to vector<16xf32>
              %swap3A_479 = vector.shape_cast %broadcast_in_dim3A_1 : vector<16xf32> to vector<1x1x16xf32>
              tpu.vector_store %arg8[%swap3A_474, %swap3A_475, %swap3A_476], %swap3A_479 {strides = array<i32>} : memref<2x64x512xf32, #tpu.memory_space<vmem>>, vector<1x1x16xf32>,
            } else {
            }
            %eq3A_229 = arith.constant 1 : i32
            %eq3A_230 = arith.cmpi eq, %rem3A_96, %eq3A_229 : i32
            %convert_element_type3A_231 = arith.extui %eq3A_230 : i1 to i32
            %cond3A_232 = arith.constant 0 : i32
            %cond3A_233 = arith.cmpi ne, %convert_element_type3A_231, %cond3A_232 : i32
            scf.if %cond3A_233 {
              %swap3A = arith.constant 1 : i32
              %swap3A_474 = arith.index_cast %swap3A : i32 to index
              %swap3A_475 = arith.index_cast %while3A_153 : i32 to index
              %swap3A_476 = arith.constant 112 : index
              %swap3A_477 = tpu.vector_load %arg8[%swap3A_474, %swap3A_475, %swap3A_476] {strides = array<i32>} : memref<2x64x512xf32, #tpu.memory_space<vmem>>, vector<1x1x16xf32>,
              %swap3A_478 = vector.shape_cast %swap3A_477 : vector<1x1x16xf32> to vector<16xf32>
              %swap3A_479 = vector.shape_cast %broadcast_in_dim3A_1 : vector<16xf32> to vector<1x1x16xf32>
              tpu.vector_store %arg8[%swap3A_474, %swap3A_475, %swap3A_476], %swap3A_479 {strides = array<i32>} : memref<2x64x512xf32, #tpu.memory_space<vmem>>, vector<1x1x16xf32>,
            } else {
            }
            %eq3A_234 = arith.constant 0 : i32
            %eq3A_235 = arith.cmpi eq, %rem3A_96, %eq3A_234 : i32
            %convert_element_type3A_236 = arith.extui %eq3A_235 : i1 to i32
            %cond3A_237 = arith.constant 0 : i32
            %cond3A_238 = arith.cmpi ne, %convert_element_type3A_236, %cond3A_237 : i32
            scf.if %cond3A_238 {
              %swap3A = arith.constant 0 : i32
              %swap3A_474 = arith.index_cast %swap3A : i32 to index
              %swap3A_475 = arith.index_cast %while3A_153 : i32 to index
              %swap3A_476 = arith.constant 128 : index
              %swap3A_477 = tpu.vector_load %arg8[%swap3A_474, %swap3A_475, %swap3A_476] {strides = array<i32>} : memref<2x64x512xf32, #tpu.memory_space<vmem>>, vector<1x1x16xf32>,
              %swap3A_478 = vector.shape_cast %swap3A_477 : vector<1x1x16xf32> to vector<16xf32>
              %swap3A_479 = vector.shape_cast %broadcast_in_dim3A_1 : vector<16xf32> to vector<1x1x16xf32>
              tpu.vector_store %arg8[%swap3A_474, %swap3A_475, %swap3A_476], %swap3A_479 {strides = array<i32>} : memref<2x64x512xf32, #tpu.memory_space<vmem>>, vector<1x1x16xf32>,
            } else {
            }
            %eq3A_239 = arith.constant 1 : i32
            %eq3A_240 = arith.cmpi eq, %rem3A_96, %eq3A_239 : i32
            %convert_element_type3A_241 = arith.extui %eq3A_240 : i1 to i32
            %cond3A_242 = arith.constant 0 : i32
            %cond3A_243 = arith.cmpi ne, %convert_element_type3A_241, %cond3A_242 : i32
            scf.if %cond3A_243 {
              %swap3A = arith.constant 1 : i32
              %swap3A_474 = arith.index_cast %swap3A : i32 to index
              %swap3A_475 = arith.index_cast %while3A_153 : i32 to index
              %swap3A_476 = arith.constant 128 : index
              %swap3A_477 = tpu.vector_load %arg8[%swap3A_474, %swap3A_475, %swap3A_476] {strides = array<i32>} : memref<2x64x512xf32, #tpu.memory_space<vmem>>, vector<1x1x16xf32>,
              %swap3A_478 = vector.shape_cast %swap3A_477 : vector<1x1x16xf32> to vector<16xf32>
              %swap3A_479 = vector.shape_cast %broadcast_in_dim3A_1 : vector<16xf32> to vector<1x1x16xf32>
              tpu.vector_store %arg8[%swap3A_474, %swap3A_475, %swap3A_476], %swap3A_479 {strides = array<i32>} : memref<2x64x512xf32, #tpu.memory_space<vmem>>, vector<1x1x16xf32>,
            } else {
            }
            %eq3A_244 = arith.constant 0 : i32
            %eq3A_245 = arith.cmpi eq, %rem3A_96, %eq3A_244 : i32
            %convert_element_type3A_246 = arith.extui %eq3A_245 : i1 to i32
            %cond3A_247 = arith.constant 0 : i32
            %cond3A_248 = arith.cmpi ne, %convert_element_type3A_246, %cond3A_247 : i32
            scf.if %cond3A_248 {
              %swap3A = arith.constant 0 : i32
              %swap3A_474 = arith.index_cast %swap3A : i32 to index
              %swap3A_475 = arith.index_cast %while3A_153 : i32 to index
              %swap3A_476 = arith.constant 144 : index
              %swap3A_477 = tpu.vector_load %arg8[%swap3A_474, %swap3A_475, %swap3A_476] {strides = array<i32>} : memref<2x64x512xf32, #tpu.memory_space<vmem>>, vector<1x1x16xf32>,
              %swap3A_478 = vector.shape_cast %swap3A_477 : vector<1x1x16xf32> to vector<16xf32>
              %swap3A_479 = vector.shape_cast %broadcast_in_dim3A_1 : vector<16xf32> to vector<1x1x16xf32>
              tpu.vector_store %arg8[%swap3A_474, %swap3A_475, %swap3A_476], %swap3A_479 {strides = array<i32>} : memref<2x64x512xf32, #tpu.memory_space<vmem>>, vector<1x1x16xf32>,
            } else {
            }
            %eq3A_249 = arith.constant 1 : i32
            %eq3A_250 = arith.cmpi eq, %rem3A_96, %eq3A_249 : i32
            %convert_element_type3A_251 = arith.extui %eq3A_250 : i1 to i32
            %cond3A_252 = arith.constant 0 : i32
            %cond3A_253 = arith.cmpi ne, %convert_element_type3A_251, %cond3A_252 : i32
            scf.if %cond3A_253 {
              %swap3A = arith.constant 1 : i32
              %swap3A_474 = arith.index_cast %swap3A : i32 to index
              %swap3A_475 = arith.index_cast %while3A_153 : i32 to index
              %swap3A_476 = arith.constant 144 : index
              %swap3A_477 = tpu.vector_load %arg8[%swap3A_474, %swap3A_475, %swap3A_476] {strides = array<i32>} : memref<2x64x512xf32, #tpu.memory_space<vmem>>, vector<1x1x16xf32>,
              %swap3A_478 = vector.shape_cast %swap3A_477 : vector<1x1x16xf32> to vector<16xf32>
              %swap3A_479 = vector.shape_cast %broadcast_in_dim3A_1 : vector<16xf32> to vector<1x1x16xf32>
              tpu.vector_store %arg8[%swap3A_474, %swap3A_475, %swap3A_476], %swap3A_479 {strides = array<i32>} : memref<2x64x512xf32, #tpu.memory_space<vmem>>, vector<1x1x16xf32>,
            } else {
            }
            %eq3A_254 = arith.constant 0 : i32
            %eq3A_255 = arith.cmpi eq, %rem3A_96, %eq3A_254 : i32
            %convert_element_type3A_256 = arith.extui %eq3A_255 : i1 to i32
            %cond3A_257 = arith.constant 0 : i32
            %cond3A_258 = arith.cmpi ne, %convert_element_type3A_256, %cond3A_257 : i32
            scf.if %cond3A_258 {
              %swap3A = arith.constant 0 : i32
              %swap3A_474 = arith.index_cast %swap3A : i32 to index
              %swap3A_475 = arith.index_cast %while3A_153 : i32 to index
              %swap3A_476 = arith.constant 160 : index
              %swap3A_477 = tpu.vector_load %arg8[%swap3A_474, %swap3A_475, %swap3A_476] {strides = array<i32>} : memref<2x64x512xf32, #tpu.memory_space<vmem>>, vector<1x1x16xf32>,
              %swap3A_478 = vector.shape_cast %swap3A_477 : vector<1x1x16xf32> to vector<16xf32>
              %swap3A_479 = vector.shape_cast %broadcast_in_dim3A_1 : vector<16xf32> to vector<1x1x16xf32>
              tpu.vector_store %arg8[%swap3A_474, %swap3A_475, %swap3A_476], %swap3A_479 {strides = array<i32>} : memref<2x64x512xf32, #tpu.memory_space<vmem>>, vector<1x1x16xf32>,
            } else {
            }
            %eq3A_259 = arith.constant 1 : i32
            %eq3A_260 = arith.cmpi eq, %rem3A_96, %eq3A_259 : i32
            %convert_element_type3A_261 = arith.extui %eq3A_260 : i1 to i32
            %cond3A_262 = arith.constant 0 : i32
            %cond3A_263 = arith.cmpi ne, %convert_element_type3A_261, %cond3A_262 : i32
            scf.if %cond3A_263 {
              %swap3A = arith.constant 1 : i32
              %swap3A_474 = arith.index_cast %swap3A : i32 to index
              %swap3A_475 = arith.index_cast %while3A_153 : i32 to index
              %swap3A_476 = arith.constant 160 : index
              %swap3A_477 = tpu.vector_load %arg8[%swap3A_474, %swap3A_475, %swap3A_476] {strides = array<i32>} : memref<2x64x512xf32, #tpu.memory_space<vmem>>, vector<1x1x16xf32>,
              %swap3A_478 = vector.shape_cast %swap3A_477 : vector<1x1x16xf32> to vector<16xf32>
              %swap3A_479 = vector.shape_cast %broadcast_in_dim3A_1 : vector<16xf32> to vector<1x1x16xf32>
              tpu.vector_store %arg8[%swap3A_474, %swap3A_475, %swap3A_476], %swap3A_479 {strides = array<i32>} : memref<2x64x512xf32, #tpu.memory_space<vmem>>, vector<1x1x16xf32>,
            } else {
            }
            %eq3A_264 = arith.constant 0 : i32
            %eq3A_265 = arith.cmpi eq, %rem3A_96, %eq3A_264 : i32
            %convert_element_type3A_266 = arith.extui %eq3A_265 : i1 to i32
            %cond3A_267 = arith.constant 0 : i32
            %cond3A_268 = arith.cmpi ne, %convert_element_type3A_266, %cond3A_267 : i32
            scf.if %cond3A_268 {
              %swap3A = arith.constant 0 : i32
              %swap3A_474 = arith.index_cast %swap3A : i32 to index
              %swap3A_475 = arith.index_cast %while3A_153 : i32 to index
              %swap3A_476 = arith.constant 176 : index
              %swap3A_477 = tpu.vector_load %arg8[%swap3A_474, %swap3A_475, %swap3A_476] {strides = array<i32>} : memref<2x64x512xf32, #tpu.memory_space<vmem>>, vector<1x1x16xf32>,
              %swap3A_478 = vector.shape_cast %swap3A_477 : vector<1x1x16xf32> to vector<16xf32>
              %swap3A_479 = vector.shape_cast %broadcast_in_dim3A_1 : vector<16xf32> to vector<1x1x16xf32>
              tpu.vector_store %arg8[%swap3A_474, %swap3A_475, %swap3A_476], %swap3A_479 {strides = array<i32>} : memref<2x64x512xf32, #tpu.memory_space<vmem>>, vector<1x1x16xf32>,
            } else {
            }
            %eq3A_269 = arith.constant 1 : i32
            %eq3A_270 = arith.cmpi eq, %rem3A_96, %eq3A_269 : i32
            %convert_element_type3A_271 = arith.extui %eq3A_270 : i1 to i32
            %cond3A_272 = arith.constant 0 : i32
            %cond3A_273 = arith.cmpi ne, %convert_element_type3A_271, %cond3A_272 : i32
            scf.if %cond3A_273 {
              %swap3A = arith.constant 1 : i32
              %swap3A_474 = arith.index_cast %swap3A : i32 to index
              %swap3A_475 = arith.index_cast %while3A_153 : i32 to index
              %swap3A_476 = arith.constant 176 : index
              %swap3A_477 = tpu.vector_load %arg8[%swap3A_474, %swap3A_475, %swap3A_476] {strides = array<i32>} : memref<2x64x512xf32, #tpu.memory_space<vmem>>, vector<1x1x16xf32>,
              %swap3A_478 = vector.shape_cast %swap3A_477 : vector<1x1x16xf32> to vector<16xf32>
              %swap3A_479 = vector.shape_cast %broadcast_in_dim3A_1 : vector<16xf32> to vector<1x1x16xf32>
              tpu.vector_store %arg8[%swap3A_474, %swap3A_475, %swap3A_476], %swap3A_479 {strides = array<i32>} : memref<2x64x512xf32, #tpu.memory_space<vmem>>, vector<1x1x16xf32>,
            } else {
            }
            %eq3A_274 = arith.constant 0 : i32
            %eq3A_275 = arith.cmpi eq, %rem3A_96, %eq3A_274 : i32
            %convert_element_type3A_276 = arith.extui %eq3A_275 : i1 to i32
            %cond3A_277 = arith.constant 0 : i32
            %cond3A_278 = arith.cmpi ne, %convert_element_type3A_276, %cond3A_277 : i32
            scf.if %cond3A_278 {
              %swap3A = arith.constant 0 : i32
              %swap3A_474 = arith.index_cast %swap3A : i32 to index
              %swap3A_475 = arith.index_cast %while3A_153 : i32 to index
              %swap3A_476 = arith.constant 192 : index
              %swap3A_477 = tpu.vector_load %arg8[%swap3A_474, %swap3A_475, %swap3A_476] {strides = array<i32>} : memref<2x64x512xf32, #tpu.memory_space<vmem>>, vector<1x1x16xf32>,
              %swap3A_478 = vector.shape_cast %swap3A_477 : vector<1x1x16xf32> to vector<16xf32>
              %swap3A_479 = vector.shape_cast %broadcast_in_dim3A_1 : vector<16xf32> to vector<1x1x16xf32>
              tpu.vector_store %arg8[%swap3A_474, %swap3A_475, %swap3A_476], %swap3A_479 {strides = array<i32>} : memref<2x64x512xf32, #tpu.memory_space<vmem>>, vector<1x1x16xf32>,
            } else {
            }
            %eq3A_279 = arith.constant 1 : i32
            %eq3A_280 = arith.cmpi eq, %rem3A_96, %eq3A_279 : i32
            %convert_element_type3A_281 = arith.extui %eq3A_280 : i1 to i32
            %cond3A_282 = arith.constant 0 : i32
            %cond3A_283 = arith.cmpi ne, %convert_element_type3A_281, %cond3A_282 : i32
            scf.if %cond3A_283 {
              %swap3A = arith.constant 1 : i32
              %swap3A_474 = arith.index_cast %swap3A : i32 to index
              %swap3A_475 = arith.index_cast %while3A_153 : i32 to index
              %swap3A_476 = arith.constant 192 : index
              %swap3A_477 = tpu.vector_load %arg8[%swap3A_474, %swap3A_475, %swap3A_476] {strides = array<i32>} : memref<2x64x512xf32, #tpu.memory_space<vmem>>, vector<1x1x16xf32>,
              %swap3A_478 = vector.shape_cast %swap3A_477 : vector<1x1x16xf32> to vector<16xf32>
              %swap3A_479 = vector.shape_cast %broadcast_in_dim3A_1 : vector<16xf32> to vector<1x1x16xf32>
              tpu.vector_store %arg8[%swap3A_474, %swap3A_475, %swap3A_476], %swap3A_479 {strides = array<i32>} : memref<2x64x512xf32, #tpu.memory_space<vmem>>, vector<1x1x16xf32>,
            } else {
            }
            %eq3A_284 = arith.constant 0 : i32
            %eq3A_285 = arith.cmpi eq, %rem3A_96, %eq3A_284 : i32
            %convert_element_type3A_286 = arith.extui %eq3A_285 : i1 to i32
            %cond3A_287 = arith.constant 0 : i32
            %cond3A_288 = arith.cmpi ne, %convert_element_type3A_286, %cond3A_287 : i32
            scf.if %cond3A_288 {
              %swap3A = arith.constant 0 : i32
              %swap3A_474 = arith.index_cast %swap3A : i32 to index
              %swap3A_475 = arith.index_cast %while3A_153 : i32 to index
              %swap3A_476 = arith.constant 208 : index
              %swap3A_477 = tpu.vector_load %arg8[%swap3A_474, %swap3A_475, %swap3A_476] {strides = array<i32>} : memref<2x64x512xf32, #tpu.memory_space<vmem>>, vector<1x1x16xf32>,
              %swap3A_478 = vector.shape_cast %swap3A_477 : vector<1x1x16xf32> to vector<16xf32>
              %swap3A_479 = vector.shape_cast %broadcast_in_dim3A_1 : vector<16xf32> to vector<1x1x16xf32>
              tpu.vector_store %arg8[%swap3A_474, %swap3A_475, %swap3A_476], %swap3A_479 {strides = array<i32>} : memref<2x64x512xf32, #tpu.memory_space<vmem>>, vector<1x1x16xf32>,
            } else {
            }
            %eq3A_289 = arith.constant 1 : i32
            %eq3A_290 = arith.cmpi eq, %rem3A_96, %eq3A_289 : i32
            %convert_element_type3A_291 = arith.extui %eq3A_290 : i1 to i32
            %cond3A_292 = arith.constant 0 : i32
            %cond3A_293 = arith.cmpi ne, %convert_element_type3A_291, %cond3A_292 : i32
            scf.if %cond3A_293 {
              %swap3A = arith.constant 1 : i32
              %swap3A_474 = arith.index_cast %swap3A : i32 to index
              %swap3A_475 = arith.index_cast %while3A_153 : i32 to index
              %swap3A_476 = arith.constant 208 : index
              %swap3A_477 = tpu.vector_load %arg8[%swap3A_474, %swap3A_475, %swap3A_476] {strides = array<i32>} : memref<2x64x512xf32, #tpu.memory_space<vmem>>, vector<1x1x16xf32>,
              %swap3A_478 = vector.shape_cast %swap3A_477 : vector<1x1x16xf32> to vector<16xf32>
              %swap3A_479 = vector.shape_cast %broadcast_in_dim3A_1 : vector<16xf32> to vector<1x1x16xf32>
              tpu.vector_store %arg8[%swap3A_474, %swap3A_475, %swap3A_476], %swap3A_479 {strides = array<i32>} : memref<2x64x512xf32, #tpu.memory_space<vmem>>, vector<1x1x16xf32>,
            } else {
            }
            %eq3A_294 = arith.constant 0 : i32
            %eq3A_295 = arith.cmpi eq, %rem3A_96, %eq3A_294 : i32
            %convert_element_type3A_296 = arith.extui %eq3A_295 : i1 to i32
            %cond3A_297 = arith.constant 0 : i32
            %cond3A_298 = arith.cmpi ne, %convert_element_type3A_296, %cond3A_297 : i32
            scf.if %cond3A_298 {
              %swap3A = arith.constant 0 : i32
              %swap3A_474 = arith.index_cast %swap3A : i32 to index
              %swap3A_475 = arith.index_cast %while3A_153 : i32 to index
              %swap3A_476 = arith.constant 224 : index
              %swap3A_477 = tpu.vector_load %arg8[%swap3A_474, %swap3A_475, %swap3A_476] {strides = array<i32>} : memref<2x64x512xf32, #tpu.memory_space<vmem>>, vector<1x1x16xf32>,
              %swap3A_478 = vector.shape_cast %swap3A_477 : vector<1x1x16xf32> to vector<16xf32>
              %swap3A_479 = vector.shape_cast %broadcast_in_dim3A_1 : vector<16xf32> to vector<1x1x16xf32>
              tpu.vector_store %arg8[%swap3A_474, %swap3A_475, %swap3A_476], %swap3A_479 {strides = array<i32>} : memref<2x64x512xf32, #tpu.memory_space<vmem>>, vector<1x1x16xf32>,
            } else {
            }
            %eq3A_299 = arith.constant 1 : i32
            %eq3A_300 = arith.cmpi eq, %rem3A_96, %eq3A_299 : i32
            %convert_element_type3A_301 = arith.extui %eq3A_300 : i1 to i32
            %cond3A_302 = arith.constant 0 : i32
            %cond3A_303 = arith.cmpi ne, %convert_element_type3A_301, %cond3A_302 : i32
            scf.if %cond3A_303 {
              %swap3A = arith.constant 1 : i32
              %swap3A_474 = arith.index_cast %swap3A : i32 to index
              %swap3A_475 = arith.index_cast %while3A_153 : i32 to index
              %swap3A_476 = arith.constant 224 : index
              %swap3A_477 = tpu.vector_load %arg8[%swap3A_474, %swap3A_475, %swap3A_476] {strides = array<i32>} : memref<2x64x512xf32, #tpu.memory_space<vmem>>, vector<1x1x16xf32>,
              %swap3A_478 = vector.shape_cast %swap3A_477 : vector<1x1x16xf32> to vector<16xf32>
              %swap3A_479 = vector.shape_cast %broadcast_in_dim3A_1 : vector<16xf32> to vector<1x1x16xf32>
              tpu.vector_store %arg8[%swap3A_474, %swap3A_475, %swap3A_476], %swap3A_479 {strides = array<i32>} : memref<2x64x512xf32, #tpu.memory_space<vmem>>, vector<1x1x16xf32>,
            } else {
            }
            %eq3A_304 = arith.constant 0 : i32
            %eq3A_305 = arith.cmpi eq, %rem3A_96, %eq3A_304 : i32
            %convert_element_type3A_306 = arith.extui %eq3A_305 : i1 to i32
            %cond3A_307 = arith.constant 0 : i32
            %cond3A_308 = arith.cmpi ne, %convert_element_type3A_306, %cond3A_307 : i32
            scf.if %cond3A_308 {
              %swap3A = arith.constant 0 : i32
              %swap3A_474 = arith.index_cast %swap3A : i32 to index
              %swap3A_475 = arith.index_cast %while3A_153 : i32 to index
              %swap3A_476 = arith.constant 240 : index
              %swap3A_477 = tpu.vector_load %arg8[%swap3A_474, %swap3A_475, %swap3A_476] {strides = array<i32>} : memref<2x64x512xf32, #tpu.memory_space<vmem>>, vector<1x1x16xf32>,
              %swap3A_478 = vector.shape_cast %swap3A_477 : vector<1x1x16xf32> to vector<16xf32>
              %swap3A_479 = vector.shape_cast %broadcast_in_dim3A_1 : vector<16xf32> to vector<1x1x16xf32>
              tpu.vector_store %arg8[%swap3A_474, %swap3A_475, %swap3A_476], %swap3A_479 {strides = array<i32>} : memref<2x64x512xf32, #tpu.memory_space<vmem>>, vector<1x1x16xf32>,
            } else {
            }
            %eq3A_309 = arith.constant 1 : i32
            %eq3A_310 = arith.cmpi eq, %rem3A_96, %eq3A_309 : i32
            %convert_element_type3A_311 = arith.extui %eq3A_310 : i1 to i32
            %cond3A_312 = arith.constant 0 : i32
            %cond3A_313 = arith.cmpi ne, %convert_element_type3A_311, %cond3A_312 : i32
            scf.if %cond3A_313 {
              %swap3A = arith.constant 1 : i32
              %swap3A_474 = arith.index_cast %swap3A : i32 to index
              %swap3A_475 = arith.index_cast %while3A_153 : i32 to index
              %swap3A_476 = arith.constant 240 : index
              %swap3A_477 = tpu.vector_load %arg8[%swap3A_474, %swap3A_475, %swap3A_476] {strides = array<i32>} : memref<2x64x512xf32, #tpu.memory_space<vmem>>, vector<1x1x16xf32>,
              %swap3A_478 = vector.shape_cast %swap3A_477 : vector<1x1x16xf32> to vector<16xf32>
              %swap3A_479 = vector.shape_cast %broadcast_in_dim3A_1 : vector<16xf32> to vector<1x1x16xf32>
              tpu.vector_store %arg8[%swap3A_474, %swap3A_475, %swap3A_476], %swap3A_479 {strides = array<i32>} : memref<2x64x512xf32, #tpu.memory_space<vmem>>, vector<1x1x16xf32>,
            } else {
            }
            %eq3A_314 = arith.constant 0 : i32
            %eq3A_315 = arith.cmpi eq, %rem3A_96, %eq3A_314 : i32
            %convert_element_type3A_316 = arith.extui %eq3A_315 : i1 to i32
            %cond3A_317 = arith.constant 0 : i32
            %cond3A_318 = arith.cmpi ne, %convert_element_type3A_316, %cond3A_317 : i32
            scf.if %cond3A_318 {
              %swap3A = arith.constant 0 : i32
              %swap3A_474 = arith.index_cast %swap3A : i32 to index
              %swap3A_475 = arith.index_cast %while3A_153 : i32 to index
              %swap3A_476 = arith.constant 256 : index
              %swap3A_477 = tpu.vector_load %arg8[%swap3A_474, %swap3A_475, %swap3A_476] {strides = array<i32>} : memref<2x64x512xf32, #tpu.memory_space<vmem>>, vector<1x1x16xf32>,
              %swap3A_478 = vector.shape_cast %swap3A_477 : vector<1x1x16xf32> to vector<16xf32>
              %swap3A_479 = vector.shape_cast %broadcast_in_dim3A_1 : vector<16xf32> to vector<1x1x16xf32>
              tpu.vector_store %arg8[%swap3A_474, %swap3A_475, %swap3A_476], %swap3A_479 {strides = array<i32>} : memref<2x64x512xf32, #tpu.memory_space<vmem>>, vector<1x1x16xf32>,
            } else {
            }
            %eq3A_319 = arith.constant 1 : i32
            %eq3A_320 = arith.cmpi eq, %rem3A_96, %eq3A_319 : i32
            %convert_element_type3A_321 = arith.extui %eq3A_320 : i1 to i32
            %cond3A_322 = arith.constant 0 : i32
            %cond3A_323 = arith.cmpi ne, %convert_element_type3A_321, %cond3A_322 : i32
            scf.if %cond3A_323 {
              %swap3A = arith.constant 1 : i32
              %swap3A_474 = arith.index_cast %swap3A : i32 to index
              %swap3A_475 = arith.index_cast %while3A_153 : i32 to index
              %swap3A_476 = arith.constant 256 : index
              %swap3A_477 = tpu.vector_load %arg8[%swap3A_474, %swap3A_475, %swap3A_476] {strides = array<i32>} : memref<2x64x512xf32, #tpu.memory_space<vmem>>, vector<1x1x16xf32>,
              %swap3A_478 = vector.shape_cast %swap3A_477 : vector<1x1x16xf32> to vector<16xf32>
              %swap3A_479 = vector.shape_cast %broadcast_in_dim3A_1 : vector<16xf32> to vector<1x1x16xf32>
              tpu.vector_store %arg8[%swap3A_474, %swap3A_475, %swap3A_476], %swap3A_479 {strides = array<i32>} : memref<2x64x512xf32, #tpu.memory_space<vmem>>, vector<1x1x16xf32>,
            } else {
            }
            %eq3A_324 = arith.constant 0 : i32
            %eq3A_325 = arith.cmpi eq, %rem3A_96, %eq3A_324 : i32
            %convert_element_type3A_326 = arith.extui %eq3A_325 : i1 to i32
            %cond3A_327 = arith.constant 0 : i32
            %cond3A_328 = arith.cmpi ne, %convert_element_type3A_326, %cond3A_327 : i32
            scf.if %cond3A_328 {
              %swap3A = arith.constant 0 : i32
              %swap3A_474 = arith.index_cast %swap3A : i32 to index
              %swap3A_475 = arith.index_cast %while3A_153 : i32 to index
              %swap3A_476 = arith.constant 272 : index
              %swap3A_477 = tpu.vector_load %arg8[%swap3A_474, %swap3A_475, %swap3A_476] {strides = array<i32>} : memref<2x64x512xf32, #tpu.memory_space<vmem>>, vector<1x1x16xf32>,
              %swap3A_478 = vector.shape_cast %swap3A_477 : vector<1x1x16xf32> to vector<16xf32>
              %swap3A_479 = vector.shape_cast %broadcast_in_dim3A_1 : vector<16xf32> to vector<1x1x16xf32>
              tpu.vector_store %arg8[%swap3A_474, %swap3A_475, %swap3A_476], %swap3A_479 {strides = array<i32>} : memref<2x64x512xf32, #tpu.memory_space<vmem>>, vector<1x1x16xf32>,
            } else {
            }
            %eq3A_329 = arith.constant 1 : i32
            %eq3A_330 = arith.cmpi eq, %rem3A_96, %eq3A_329 : i32
            %convert_element_type3A_331 = arith.extui %eq3A_330 : i1 to i32
            %cond3A_332 = arith.constant 0 : i32
            %cond3A_333 = arith.cmpi ne, %convert_element_type3A_331, %cond3A_332 : i32
            scf.if %cond3A_333 {
              %swap3A = arith.constant 1 : i32
              %swap3A_474 = arith.index_cast %swap3A : i32 to index
              %swap3A_475 = arith.index_cast %while3A_153 : i32 to index
              %swap3A_476 = arith.constant 272 : index
              %swap3A_477 = tpu.vector_load %arg8[%swap3A_474, %swap3A_475, %swap3A_476] {strides = array<i32>} : memref<2x64x512xf32, #tpu.memory_space<vmem>>, vector<1x1x16xf32>,
              %swap3A_478 = vector.shape_cast %swap3A_477 : vector<1x1x16xf32> to vector<16xf32>
              %swap3A_479 = vector.shape_cast %broadcast_in_dim3A_1 : vector<16xf32> to vector<1x1x16xf32>
              tpu.vector_store %arg8[%swap3A_474, %swap3A_475, %swap3A_476], %swap3A_479 {strides = array<i32>} : memref<2x64x512xf32, #tpu.memory_space<vmem>>, vector<1x1x16xf32>,
            } else {
            }
            %eq3A_334 = arith.constant 0 : i32
            %eq3A_335 = arith.cmpi eq, %rem3A_96, %eq3A_334 : i32
            %convert_element_type3A_336 = arith.extui %eq3A_335 : i1 to i32
            %cond3A_337 = arith.constant 0 : i32
            %cond3A_338 = arith.cmpi ne, %convert_element_type3A_336, %cond3A_337 : i32
            scf.if %cond3A_338 {
              %swap3A = arith.constant 0 : i32
              %swap3A_474 = arith.index_cast %swap3A : i32 to index
              %swap3A_475 = arith.index_cast %while3A_153 : i32 to index
              %swap3A_476 = arith.constant 288 : index
              %swap3A_477 = tpu.vector_load %arg8[%swap3A_474, %swap3A_475, %swap3A_476] {strides = array<i32>} : memref<2x64x512xf32, #tpu.memory_space<vmem>>, vector<1x1x16xf32>,
              %swap3A_478 = vector.shape_cast %swap3A_477 : vector<1x1x16xf32> to vector<16xf32>
              %swap3A_479 = vector.shape_cast %broadcast_in_dim3A_1 : vector<16xf32> to vector<1x1x16xf32>
              tpu.vector_store %arg8[%swap3A_474, %swap3A_475, %swap3A_476], %swap3A_479 {strides = array<i32>} : memref<2x64x512xf32, #tpu.memory_space<vmem>>, vector<1x1x16xf32>,
            } else {
            }
            %eq3A_339 = arith.constant 1 : i32
            %eq3A_340 = arith.cmpi eq, %rem3A_96, %eq3A_339 : i32
            %convert_element_type3A_341 = arith.extui %eq3A_340 : i1 to i32
            %cond3A_342 = arith.constant 0 : i32
            %cond3A_343 = arith.cmpi ne, %convert_element_type3A_341, %cond3A_342 : i32
            scf.if %cond3A_343 {
              %swap3A = arith.constant 1 : i32
              %swap3A_474 = arith.index_cast %swap3A : i32 to index
              %swap3A_475 = arith.index_cast %while3A_153 : i32 to index
              %swap3A_476 = arith.constant 288 : index
              %swap3A_477 = tpu.vector_load %arg8[%swap3A_474, %swap3A_475, %swap3A_476] {strides = array<i32>} : memref<2x64x512xf32, #tpu.memory_space<vmem>>, vector<1x1x16xf32>,
              %swap3A_478 = vector.shape_cast %swap3A_477 : vector<1x1x16xf32> to vector<16xf32>
              %swap3A_479 = vector.shape_cast %broadcast_in_dim3A_1 : vector<16xf32> to vector<1x1x16xf32>
              tpu.vector_store %arg8[%swap3A_474, %swap3A_475, %swap3A_476], %swap3A_479 {strides = array<i32>} : memref<2x64x512xf32, #tpu.memory_space<vmem>>, vector<1x1x16xf32>,
            } else {
            }
            %eq3A_344 = arith.constant 0 : i32
            %eq3A_345 = arith.cmpi eq, %rem3A_96, %eq3A_344 : i32
            %convert_element_type3A_346 = arith.extui %eq3A_345 : i1 to i32
            %cond3A_347 = arith.constant 0 : i32
            %cond3A_348 = arith.cmpi ne, %convert_element_type3A_346, %cond3A_347 : i32
            scf.if %cond3A_348 {
              %swap3A = arith.constant 0 : i32
              %swap3A_474 = arith.index_cast %swap3A : i32 to index
              %swap3A_475 = arith.index_cast %while3A_153 : i32 to index
              %swap3A_476 = arith.constant 304 : index
              %swap3A_477 = tpu.vector_load %arg8[%swap3A_474, %swap3A_475, %swap3A_476] {strides = array<i32>} : memref<2x64x512xf32, #tpu.memory_space<vmem>>, vector<1x1x16xf32>,
              %swap3A_478 = vector.shape_cast %swap3A_477 : vector<1x1x16xf32> to vector<16xf32>
              %swap3A_479 = vector.shape_cast %broadcast_in_dim3A_1 : vector<16xf32> to vector<1x1x16xf32>
              tpu.vector_store %arg8[%swap3A_474, %swap3A_475, %swap3A_476], %swap3A_479 {strides = array<i32>} : memref<2x64x512xf32, #tpu.memory_space<vmem>>, vector<1x1x16xf32>,
            } else {
            }
            %eq3A_349 = arith.constant 1 : i32
            %eq3A_350 = arith.cmpi eq, %rem3A_96, %eq3A_349 : i32
            %convert_element_type3A_351 = arith.extui %eq3A_350 : i1 to i32
            %cond3A_352 = arith.constant 0 : i32
            %cond3A_353 = arith.cmpi ne, %convert_element_type3A_351, %cond3A_352 : i32
            scf.if %cond3A_353 {
              %swap3A = arith.constant 1 : i32
              %swap3A_474 = arith.index_cast %swap3A : i32 to index
              %swap3A_475 = arith.index_cast %while3A_153 : i32 to index
              %swap3A_476 = arith.constant 304 : index
              %swap3A_477 = tpu.vector_load %arg8[%swap3A_474, %swap3A_475, %swap3A_476] {strides = array<i32>} : memref<2x64x512xf32, #tpu.memory_space<vmem>>, vector<1x1x16xf32>,
              %swap3A_478 = vector.shape_cast %swap3A_477 : vector<1x1x16xf32> to vector<16xf32>
              %swap3A_479 = vector.shape_cast %broadcast_in_dim3A_1 : vector<16xf32> to vector<1x1x16xf32>
              tpu.vector_store %arg8[%swap3A_474, %swap3A_475, %swap3A_476], %swap3A_479 {strides = array<i32>} : memref<2x64x512xf32, #tpu.memory_space<vmem>>, vector<1x1x16xf32>,
            } else {
            }
            %eq3A_354 = arith.constant 0 : i32
            %eq3A_355 = arith.cmpi eq, %rem3A_96, %eq3A_354 : i32
            %convert_element_type3A_356 = arith.extui %eq3A_355 : i1 to i32
            %cond3A_357 = arith.constant 0 : i32
            %cond3A_358 = arith.cmpi ne, %convert_element_type3A_356, %cond3A_357 : i32
            scf.if %cond3A_358 {
              %swap3A = arith.constant 0 : i32
              %swap3A_474 = arith.index_cast %swap3A : i32 to index
              %swap3A_475 = arith.index_cast %while3A_153 : i32 to index
              %swap3A_476 = arith.constant 320 : index
              %swap3A_477 = tpu.vector_load %arg8[%swap3A_474, %swap3A_475, %swap3A_476] {strides = array<i32>} : memref<2x64x512xf32, #tpu.memory_space<vmem>>, vector<1x1x16xf32>,
              %swap3A_478 = vector.shape_cast %swap3A_477 : vector<1x1x16xf32> to vector<16xf32>
              %swap3A_479 = vector.shape_cast %broadcast_in_dim3A_1 : vector<16xf32> to vector<1x1x16xf32>
              tpu.vector_store %arg8[%swap3A_474, %swap3A_475, %swap3A_476], %swap3A_479 {strides = array<i32>} : memref<2x64x512xf32, #tpu.memory_space<vmem>>, vector<1x1x16xf32>,
            } else {
            }
            %eq3A_359 = arith.constant 1 : i32
            %eq3A_360 = arith.cmpi eq, %rem3A_96, %eq3A_359 : i32
            %convert_element_type3A_361 = arith.extui %eq3A_360 : i1 to i32
            %cond3A_362 = arith.constant 0 : i32
            %cond3A_363 = arith.cmpi ne, %convert_element_type3A_361, %cond3A_362 : i32
            scf.if %cond3A_363 {
              %swap3A = arith.constant 1 : i32
              %swap3A_474 = arith.index_cast %swap3A : i32 to index
              %swap3A_475 = arith.index_cast %while3A_153 : i32 to index
              %swap3A_476 = arith.constant 320 : index
              %swap3A_477 = tpu.vector_load %arg8[%swap3A_474, %swap3A_475, %swap3A_476] {strides = array<i32>} : memref<2x64x512xf32, #tpu.memory_space<vmem>>, vector<1x1x16xf32>,
              %swap3A_478 = vector.shape_cast %swap3A_477 : vector<1x1x16xf32> to vector<16xf32>
              %swap3A_479 = vector.shape_cast %broadcast_in_dim3A_1 : vector<16xf32> to vector<1x1x16xf32>
              tpu.vector_store %arg8[%swap3A_474, %swap3A_475, %swap3A_476], %swap3A_479 {strides = array<i32>} : memref<2x64x512xf32, #tpu.memory_space<vmem>>, vector<1x1x16xf32>,
            } else {
            }
            %eq3A_364 = arith.constant 0 : i32
            %eq3A_365 = arith.cmpi eq, %rem3A_96, %eq3A_364 : i32
            %convert_element_type3A_366 = arith.extui %eq3A_365 : i1 to i32
            %cond3A_367 = arith.constant 0 : i32
            %cond3A_368 = arith.cmpi ne, %convert_element_type3A_366, %cond3A_367 : i32
            scf.if %cond3A_368 {
              %swap3A = arith.constant 0 : i32
              %swap3A_474 = arith.index_cast %swap3A : i32 to index
              %swap3A_475 = arith.index_cast %while3A_153 : i32 to index
              %swap3A_476 = arith.constant 336 : index
              %swap3A_477 = tpu.vector_load %arg8[%swap3A_474, %swap3A_475, %swap3A_476] {strides = array<i32>} : memref<2x64x512xf32, #tpu.memory_space<vmem>>, vector<1x1x16xf32>,
              %swap3A_478 = vector.shape_cast %swap3A_477 : vector<1x1x16xf32> to vector<16xf32>
              %swap3A_479 = vector.shape_cast %broadcast_in_dim3A_1 : vector<16xf32> to vector<1x1x16xf32>
              tpu.vector_store %arg8[%swap3A_474, %swap3A_475, %swap3A_476], %swap3A_479 {strides = array<i32>} : memref<2x64x512xf32, #tpu.memory_space<vmem>>, vector<1x1x16xf32>,
            } else {
            }
            %eq3A_369 = arith.constant 1 : i32
            %eq3A_370 = arith.cmpi eq, %rem3A_96, %eq3A_369 : i32
            %convert_element_type3A_371 = arith.extui %eq3A_370 : i1 to i32
            %cond3A_372 = arith.constant 0 : i32
            %cond3A_373 = arith.cmpi ne, %convert_element_type3A_371, %cond3A_372 : i32
            scf.if %cond3A_373 {
              %swap3A = arith.constant 1 : i32
              %swap3A_474 = arith.index_cast %swap3A : i32 to index
              %swap3A_475 = arith.index_cast %while3A_153 : i32 to index
              %swap3A_476 = arith.constant 336 : index
              %swap3A_477 = tpu.vector_load %arg8[%swap3A_474, %swap3A_475, %swap3A_476] {strides = array<i32>} : memref<2x64x512xf32, #tpu.memory_space<vmem>>, vector<1x1x16xf32>,
              %swap3A_478 = vector.shape_cast %swap3A_477 : vector<1x1x16xf32> to vector<16xf32>
              %swap3A_479 = vector.shape_cast %broadcast_in_dim3A_1 : vector<16xf32> to vector<1x1x16xf32>
              tpu.vector_store %arg8[%swap3A_474, %swap3A_475, %swap3A_476], %swap3A_479 {strides = array<i32>} : memref<2x64x512xf32, #tpu.memory_space<vmem>>, vector<1x1x16xf32>,
            } else {
            }
            %eq3A_374 = arith.constant 0 : i32
            %eq3A_375 = arith.cmpi eq, %rem3A_96, %eq3A_374 : i32
            %convert_element_type3A_376 = arith.extui %eq3A_375 : i1 to i32
            %cond3A_377 = arith.constant 0 : i32
            %cond3A_378 = arith.cmpi ne, %convert_element_type3A_376, %cond3A_377 : i32
            scf.if %cond3A_378 {
              %swap3A = arith.constant 0 : i32
              %swap3A_474 = arith.index_cast %swap3A : i32 to index
              %swap3A_475 = arith.index_cast %while3A_153 : i32 to index
              %swap3A_476 = arith.constant 352 : index
              %swap3A_477 = tpu.vector_load %arg8[%swap3A_474, %swap3A_475, %swap3A_476] {strides = array<i32>} : memref<2x64x512xf32, #tpu.memory_space<vmem>>, vector<1x1x16xf32>,
              %swap3A_478 = vector.shape_cast %swap3A_477 : vector<1x1x16xf32> to vector<16xf32>
              %swap3A_479 = vector.shape_cast %broadcast_in_dim3A_1 : vector<16xf32> to vector<1x1x16xf32>
              tpu.vector_store %arg8[%swap3A_474, %swap3A_475, %swap3A_476], %swap3A_479 {strides = array<i32>} : memref<2x64x512xf32, #tpu.memory_space<vmem>>, vector<1x1x16xf32>,
            } else {
            }
            %eq3A_379 = arith.constant 1 : i32
            %eq3A_380 = arith.cmpi eq, %rem3A_96, %eq3A_379 : i32
            %convert_element_type3A_381 = arith.extui %eq3A_380 : i1 to i32
            %cond3A_382 = arith.constant 0 : i32
            %cond3A_383 = arith.cmpi ne, %convert_element_type3A_381, %cond3A_382 : i32
            scf.if %cond3A_383 {
              %swap3A = arith.constant 1 : i32
              %swap3A_474 = arith.index_cast %swap3A : i32 to index
              %swap3A_475 = arith.index_cast %while3A_153 : i32 to index
              %swap3A_476 = arith.constant 352 : index
              %swap3A_477 = tpu.vector_load %arg8[%swap3A_474, %swap3A_475, %swap3A_476] {strides = array<i32>} : memref<2x64x512xf32, #tpu.memory_space<vmem>>, vector<1x1x16xf32>,
              %swap3A_478 = vector.shape_cast %swap3A_477 : vector<1x1x16xf32> to vector<16xf32>
              %swap3A_479 = vector.shape_cast %broadcast_in_dim3A_1 : vector<16xf32> to vector<1x1x16xf32>
              tpu.vector_store %arg8[%swap3A_474, %swap3A_475, %swap3A_476], %swap3A_479 {strides = array<i32>} : memref<2x64x512xf32, #tpu.memory_space<vmem>>, vector<1x1x16xf32>,
            } else {
            }
            %eq3A_384 = arith.constant 0 : i32
            %eq3A_385 = arith.cmpi eq, %rem3A_96, %eq3A_384 : i32
            %convert_element_type3A_386 = arith.extui %eq3A_385 : i1 to i32
            %cond3A_387 = arith.constant 0 : i32
            %cond3A_388 = arith.cmpi ne, %convert_element_type3A_386, %cond3A_387 : i32
            scf.if %cond3A_388 {
              %swap3A = arith.constant 0 : i32
              %swap3A_474 = arith.index_cast %swap3A : i32 to index
              %swap3A_475 = arith.index_cast %while3A_153 : i32 to index
              %swap3A_476 = arith.constant 368 : index
              %swap3A_477 = tpu.vector_load %arg8[%swap3A_474, %swap3A_475, %swap3A_476] {strides = array<i32>} : memref<2x64x512xf32, #tpu.memory_space<vmem>>, vector<1x1x16xf32>,
              %swap3A_478 = vector.shape_cast %swap3A_477 : vector<1x1x16xf32> to vector<16xf32>
              %swap3A_479 = vector.shape_cast %broadcast_in_dim3A_1 : vector<16xf32> to vector<1x1x16xf32>
              tpu.vector_store %arg8[%swap3A_474, %swap3A_475, %swap3A_476], %swap3A_479 {strides = array<i32>} : memref<2x64x512xf32, #tpu.memory_space<vmem>>, vector<1x1x16xf32>,
            } else {
            }
            %eq3A_389 = arith.constant 1 : i32
            %eq3A_390 = arith.cmpi eq, %rem3A_96, %eq3A_389 : i32
            %convert_element_type3A_391 = arith.extui %eq3A_390 : i1 to i32
            %cond3A_392 = arith.constant 0 : i32
            %cond3A_393 = arith.cmpi ne, %convert_element_type3A_391, %cond3A_392 : i32
            scf.if %cond3A_393 {
              %swap3A = arith.constant 1 : i32
              %swap3A_474 = arith.index_cast %swap3A : i32 to index
              %swap3A_475 = arith.index_cast %while3A_153 : i32 to index
              %swap3A_476 = arith.constant 368 : index
              %swap3A_477 = tpu.vector_load %arg8[%swap3A_474, %swap3A_475, %swap3A_476] {strides = array<i32>} : memref<2x64x512xf32, #tpu.memory_space<vmem>>, vector<1x1x16xf32>,
              %swap3A_478 = vector.shape_cast %swap3A_477 : vector<1x1x16xf32> to vector<16xf32>
              %swap3A_479 = vector.shape_cast %broadcast_in_dim3A_1 : vector<16xf32> to vector<1x1x16xf32>
              tpu.vector_store %arg8[%swap3A_474, %swap3A_475, %swap3A_476], %swap3A_479 {strides = array<i32>} : memref<2x64x512xf32, #tpu.memory_space<vmem>>, vector<1x1x16xf32>,
            } else {
            }
            %eq3A_394 = arith.constant 0 : i32
            %eq3A_395 = arith.cmpi eq, %rem3A_96, %eq3A_394 : i32
            %convert_element_type3A_396 = arith.extui %eq3A_395 : i1 to i32
            %cond3A_397 = arith.constant 0 : i32
            %cond3A_398 = arith.cmpi ne, %convert_element_type3A_396, %cond3A_397 : i32
            scf.if %cond3A_398 {
              %swap3A = arith.constant 0 : i32
              %swap3A_474 = arith.index_cast %swap3A : i32 to index
              %swap3A_475 = arith.index_cast %while3A_153 : i32 to index
              %swap3A_476 = arith.constant 384 : index
              %swap3A_477 = tpu.vector_load %arg8[%swap3A_474, %swap3A_475, %swap3A_476] {strides = array<i32>} : memref<2x64x512xf32, #tpu.memory_space<vmem>>, vector<1x1x16xf32>,
              %swap3A_478 = vector.shape_cast %swap3A_477 : vector<1x1x16xf32> to vector<16xf32>
              %swap3A_479 = vector.shape_cast %broadcast_in_dim3A_1 : vector<16xf32> to vector<1x1x16xf32>
              tpu.vector_store %arg8[%swap3A_474, %swap3A_475, %swap3A_476], %swap3A_479 {strides = array<i32>} : memref<2x64x512xf32, #tpu.memory_space<vmem>>, vector<1x1x16xf32>,
            } else {
            }
            %eq3A_399 = arith.constant 1 : i32
            %eq3A_400 = arith.cmpi eq, %rem3A_96, %eq3A_399 : i32
            %convert_element_type3A_401 = arith.extui %eq3A_400 : i1 to i32
            %cond3A_402 = arith.constant 0 : i32
            %cond3A_403 = arith.cmpi ne, %convert_element_type3A_401, %cond3A_402 : i32
            scf.if %cond3A_403 {
              %swap3A = arith.constant 1 : i32
              %swap3A_474 = arith.index_cast %swap3A : i32 to index
              %swap3A_475 = arith.index_cast %while3A_153 : i32 to index
              %swap3A_476 = arith.constant 384 : index
              %swap3A_477 = tpu.vector_load %arg8[%swap3A_474, %swap3A_475, %swap3A_476] {strides = array<i32>} : memref<2x64x512xf32, #tpu.memory_space<vmem>>, vector<1x1x16xf32>,
              %swap3A_478 = vector.shape_cast %swap3A_477 : vector<1x1x16xf32> to vector<16xf32>
              %swap3A_479 = vector.shape_cast %broadcast_in_dim3A_1 : vector<16xf32> to vector<1x1x16xf32>
              tpu.vector_store %arg8[%swap3A_474, %swap3A_475, %swap3A_476], %swap3A_479 {strides = array<i32>} : memref<2x64x512xf32, #tpu.memory_space<vmem>>, vector<1x1x16xf32>,
            } else {
            }
            %eq3A_404 = arith.constant 0 : i32
            %eq3A_405 = arith.cmpi eq, %rem3A_96, %eq3A_404 : i32
            %convert_element_type3A_406 = arith.extui %eq3A_405 : i1 to i32
            %cond3A_407 = arith.constant 0 : i32
            %cond3A_408 = arith.cmpi ne, %convert_element_type3A_406, %cond3A_407 : i32
            scf.if %cond3A_408 {
              %swap3A = arith.constant 0 : i32
              %swap3A_474 = arith.index_cast %swap3A : i32 to index
              %swap3A_475 = arith.index_cast %while3A_153 : i32 to index
              %swap3A_476 = arith.constant 400 : index
              %swap3A_477 = tpu.vector_load %arg8[%swap3A_474, %swap3A_475, %swap3A_476] {strides = array<i32>} : memref<2x64x512xf32, #tpu.memory_space<vmem>>, vector<1x1x16xf32>,
              %swap3A_478 = vector.shape_cast %swap3A_477 : vector<1x1x16xf32> to vector<16xf32>
              %swap3A_479 = vector.shape_cast %broadcast_in_dim3A_1 : vector<16xf32> to vector<1x1x16xf32>
              tpu.vector_store %arg8[%swap3A_474, %swap3A_475, %swap3A_476], %swap3A_479 {strides = array<i32>} : memref<2x64x512xf32, #tpu.memory_space<vmem>>, vector<1x1x16xf32>,
            } else {
            }
            %eq3A_409 = arith.constant 1 : i32
            %eq3A_410 = arith.cmpi eq, %rem3A_96, %eq3A_409 : i32
            %convert_element_type3A_411 = arith.extui %eq3A_410 : i1 to i32
            %cond3A_412 = arith.constant 0 : i32
            %cond3A_413 = arith.cmpi ne, %convert_element_type3A_411, %cond3A_412 : i32
            scf.if %cond3A_413 {
              %swap3A = arith.constant 1 : i32
              %swap3A_474 = arith.index_cast %swap3A : i32 to index
              %swap3A_475 = arith.index_cast %while3A_153 : i32 to index
              %swap3A_476 = arith.constant 400 : index
              %swap3A_477 = tpu.vector_load %arg8[%swap3A_474, %swap3A_475, %swap3A_476] {strides = array<i32>} : memref<2x64x512xf32, #tpu.memory_space<vmem>>, vector<1x1x16xf32>,
              %swap3A_478 = vector.shape_cast %swap3A_477 : vector<1x1x16xf32> to vector<16xf32>
              %swap3A_479 = vector.shape_cast %broadcast_in_dim3A_1 : vector<16xf32> to vector<1x1x16xf32>
              tpu.vector_store %arg8[%swap3A_474, %swap3A_475, %swap3A_476], %swap3A_479 {strides = array<i32>} : memref<2x64x512xf32, #tpu.memory_space<vmem>>, vector<1x1x16xf32>,
            } else {
            }
            %eq3A_414 = arith.constant 0 : i32
            %eq3A_415 = arith.cmpi eq, %rem3A_96, %eq3A_414 : i32
            %convert_element_type3A_416 = arith.extui %eq3A_415 : i1 to i32
            %cond3A_417 = arith.constant 0 : i32
            %cond3A_418 = arith.cmpi ne, %convert_element_type3A_416, %cond3A_417 : i32
            scf.if %cond3A_418 {
              %swap3A = arith.constant 0 : i32
              %swap3A_474 = arith.index_cast %swap3A : i32 to index
              %swap3A_475 = arith.index_cast %while3A_153 : i32 to index
              %swap3A_476 = arith.constant 416 : index
              %swap3A_477 = tpu.vector_load %arg8[%swap3A_474, %swap3A_475, %swap3A_476] {strides = array<i32>} : memref<2x64x512xf32, #tpu.memory_space<vmem>>, vector<1x1x16xf32>,
              %swap3A_478 = vector.shape_cast %swap3A_477 : vector<1x1x16xf32> to vector<16xf32>
              %swap3A_479 = vector.shape_cast %broadcast_in_dim3A_1 : vector<16xf32> to vector<1x1x16xf32>
              tpu.vector_store %arg8[%swap3A_474, %swap3A_475, %swap3A_476], %swap3A_479 {strides = array<i32>} : memref<2x64x512xf32, #tpu.memory_space<vmem>>, vector<1x1x16xf32>,
            } else {
            }
            %eq3A_419 = arith.constant 1 : i32
            %eq3A_420 = arith.cmpi eq, %rem3A_96, %eq3A_419 : i32
            %convert_element_type3A_421 = arith.extui %eq3A_420 : i1 to i32
            %cond3A_422 = arith.constant 0 : i32
            %cond3A_423 = arith.cmpi ne, %convert_element_type3A_421, %cond3A_422 : i32
            scf.if %cond3A_423 {
              %swap3A = arith.constant 1 : i32
              %swap3A_474 = arith.index_cast %swap3A : i32 to index
              %swap3A_475 = arith.index_cast %while3A_153 : i32 to index
              %swap3A_476 = arith.constant 416 : index
              %swap3A_477 = tpu.vector_load %arg8[%swap3A_474, %swap3A_475, %swap3A_476] {strides = array<i32>} : memref<2x64x512xf32, #tpu.memory_space<vmem>>, vector<1x1x16xf32>,
              %swap3A_478 = vector.shape_cast %swap3A_477 : vector<1x1x16xf32> to vector<16xf32>
              %swap3A_479 = vector.shape_cast %broadcast_in_dim3A_1 : vector<16xf32> to vector<1x1x16xf32>
              tpu.vector_store %arg8[%swap3A_474, %swap3A_475, %swap3A_476], %swap3A_479 {strides = array<i32>} : memref<2x64x512xf32, #tpu.memory_space<vmem>>, vector<1x1x16xf32>,
            } else {
            }
            %eq3A_424 = arith.constant 0 : i32
            %eq3A_425 = arith.cmpi eq, %rem3A_96, %eq3A_424 : i32
            %convert_element_type3A_426 = arith.extui %eq3A_425 : i1 to i32
            %cond3A_427 = arith.constant 0 : i32
            %cond3A_428 = arith.cmpi ne, %convert_element_type3A_426, %cond3A_427 : i32
            scf.if %cond3A_428 {
              %swap3A = arith.constant 0 : i32
              %swap3A_474 = arith.index_cast %swap3A : i32 to index
              %swap3A_475 = arith.index_cast %while3A_153 : i32 to index
              %swap3A_476 = arith.constant 432 : index
              %swap3A_477 = tpu.vector_load %arg8[%swap3A_474, %swap3A_475, %swap3A_476] {strides = array<i32>} : memref<2x64x512xf32, #tpu.memory_space<vmem>>, vector<1x1x16xf32>,
              %swap3A_478 = vector.shape_cast %swap3A_477 : vector<1x1x16xf32> to vector<16xf32>
              %swap3A_479 = vector.shape_cast %broadcast_in_dim3A_1 : vector<16xf32> to vector<1x1x16xf32>
              tpu.vector_store %arg8[%swap3A_474, %swap3A_475, %swap3A_476], %swap3A_479 {strides = array<i32>} : memref<2x64x512xf32, #tpu.memory_space<vmem>>, vector<1x1x16xf32>,
            } else {
            }
            %eq3A_429 = arith.constant 1 : i32
            %eq3A_430 = arith.cmpi eq, %rem3A_96, %eq3A_429 : i32
            %convert_element_type3A_431 = arith.extui %eq3A_430 : i1 to i32
            %cond3A_432 = arith.constant 0 : i32
            %cond3A_433 = arith.cmpi ne, %convert_element_type3A_431, %cond3A_432 : i32
            scf.if %cond3A_433 {
              %swap3A = arith.constant 1 : i32
              %swap3A_474 = arith.index_cast %swap3A : i32 to index
              %swap3A_475 = arith.index_cast %while3A_153 : i32 to index
              %swap3A_476 = arith.constant 432 : index
              %swap3A_477 = tpu.vector_load %arg8[%swap3A_474, %swap3A_475, %swap3A_476] {strides = array<i32>} : memref<2x64x512xf32, #tpu.memory_space<vmem>>, vector<1x1x16xf32>,
              %swap3A_478 = vector.shape_cast %swap3A_477 : vector<1x1x16xf32> to vector<16xf32>
              %swap3A_479 = vector.shape_cast %broadcast_in_dim3A_1 : vector<16xf32> to vector<1x1x16xf32>
              tpu.vector_store %arg8[%swap3A_474, %swap3A_475, %swap3A_476], %swap3A_479 {strides = array<i32>} : memref<2x64x512xf32, #tpu.memory_space<vmem>>, vector<1x1x16xf32>,
            } else {
            }
            %eq3A_434 = arith.constant 0 : i32
            %eq3A_435 = arith.cmpi eq, %rem3A_96, %eq3A_434 : i32
            %convert_element_type3A_436 = arith.extui %eq3A_435 : i1 to i32
            %cond3A_437 = arith.constant 0 : i32
            %cond3A_438 = arith.cmpi ne, %convert_element_type3A_436, %cond3A_437 : i32
            scf.if %cond3A_438 {
              %swap3A = arith.constant 0 : i32
              %swap3A_474 = arith.index_cast %swap3A : i32 to index
              %swap3A_475 = arith.index_cast %while3A_153 : i32 to index
              %swap3A_476 = arith.constant 448 : index
              %swap3A_477 = tpu.vector_load %arg8[%swap3A_474, %swap3A_475, %swap3A_476] {strides = array<i32>} : memref<2x64x512xf32, #tpu.memory_space<vmem>>, vector<1x1x16xf32>,
              %swap3A_478 = vector.shape_cast %swap3A_477 : vector<1x1x16xf32> to vector<16xf32>
              %swap3A_479 = vector.shape_cast %broadcast_in_dim3A_1 : vector<16xf32> to vector<1x1x16xf32>
              tpu.vector_store %arg8[%swap3A_474, %swap3A_475, %swap3A_476], %swap3A_479 {strides = array<i32>} : memref<2x64x512xf32, #tpu.memory_space<vmem>>, vector<1x1x16xf32>,
            } else {
            }
            %eq3A_439 = arith.constant 1 : i32
            %eq3A_440 = arith.cmpi eq, %rem3A_96, %eq3A_439 : i32
            %convert_element_type3A_441 = arith.extui %eq3A_440 : i1 to i32
            %cond3A_442 = arith.constant 0 : i32
            %cond3A_443 = arith.cmpi ne, %convert_element_type3A_441, %cond3A_442 : i32
            scf.if %cond3A_443 {
              %swap3A = arith.constant 1 : i32
              %swap3A_474 = arith.index_cast %swap3A : i32 to index
              %swap3A_475 = arith.index_cast %while3A_153 : i32 to index
              %swap3A_476 = arith.constant 448 : index
              %swap3A_477 = tpu.vector_load %arg8[%swap3A_474, %swap3A_475, %swap3A_476] {strides = array<i32>} : memref<2x64x512xf32, #tpu.memory_space<vmem>>, vector<1x1x16xf32>,
              %swap3A_478 = vector.shape_cast %swap3A_477 : vector<1x1x16xf32> to vector<16xf32>
              %swap3A_479 = vector.shape_cast %broadcast_in_dim3A_1 : vector<16xf32> to vector<1x1x16xf32>
              tpu.vector_store %arg8[%swap3A_474, %swap3A_475, %swap3A_476], %swap3A_479 {strides = array<i32>} : memref<2x64x512xf32, #tpu.memory_space<vmem>>, vector<1x1x16xf32>,
            } else {
            }
            %eq3A_444 = arith.constant 0 : i32
            %eq3A_445 = arith.cmpi eq, %rem3A_96, %eq3A_444 : i32
            %convert_element_type3A_446 = arith.extui %eq3A_445 : i1 to i32
            %cond3A_447 = arith.constant 0 : i32
            %cond3A_448 = arith.cmpi ne, %convert_element_type3A_446, %cond3A_447 : i32
            scf.if %cond3A_448 {
              %swap3A = arith.constant 0 : i32
              %swap3A_474 = arith.index_cast %swap3A : i32 to index
              %swap3A_475 = arith.index_cast %while3A_153 : i32 to index
              %swap3A_476 = arith.constant 464 : index
              %swap3A_477 = tpu.vector_load %arg8[%swap3A_474, %swap3A_475, %swap3A_476] {strides = array<i32>} : memref<2x64x512xf32, #tpu.memory_space<vmem>>, vector<1x1x16xf32>,
              %swap3A_478 = vector.shape_cast %swap3A_477 : vector<1x1x16xf32> to vector<16xf32>
              %swap3A_479 = vector.shape_cast %broadcast_in_dim3A_1 : vector<16xf32> to vector<1x1x16xf32>
              tpu.vector_store %arg8[%swap3A_474, %swap3A_475, %swap3A_476], %swap3A_479 {strides = array<i32>} : memref<2x64x512xf32, #tpu.memory_space<vmem>>, vector<1x1x16xf32>,
            } else {
            }
            %eq3A_449 = arith.constant 1 : i32
            %eq3A_450 = arith.cmpi eq, %rem3A_96, %eq3A_449 : i32
            %convert_element_type3A_451 = arith.extui %eq3A_450 : i1 to i32
            %cond3A_452 = arith.constant 0 : i32
            %cond3A_453 = arith.cmpi ne, %convert_element_type3A_451, %cond3A_452 : i32
            scf.if %cond3A_453 {
              %swap3A = arith.constant 1 : i32
              %swap3A_474 = arith.index_cast %swap3A : i32 to index
              %swap3A_475 = arith.index_cast %while3A_153 : i32 to index
              %swap3A_476 = arith.constant 464 : index
              %swap3A_477 = tpu.vector_load %arg8[%swap3A_474, %swap3A_475, %swap3A_476] {strides = array<i32>} : memref<2x64x512xf32, #tpu.memory_space<vmem>>, vector<1x1x16xf32>,
              %swap3A_478 = vector.shape_cast %swap3A_477 : vector<1x1x16xf32> to vector<16xf32>
              %swap3A_479 = vector.shape_cast %broadcast_in_dim3A_1 : vector<16xf32> to vector<1x1x16xf32>
              tpu.vector_store %arg8[%swap3A_474, %swap3A_475, %swap3A_476], %swap3A_479 {strides = array<i32>} : memref<2x64x512xf32, #tpu.memory_space<vmem>>, vector<1x1x16xf32>,
            } else {
            }
            %eq3A_454 = arith.constant 0 : i32
            %eq3A_455 = arith.cmpi eq, %rem3A_96, %eq3A_454 : i32
            %convert_element_type3A_456 = arith.extui %eq3A_455 : i1 to i32
            %cond3A_457 = arith.constant 0 : i32
            %cond3A_458 = arith.cmpi ne, %convert_element_type3A_456, %cond3A_457 : i32
            scf.if %cond3A_458 {
              %swap3A = arith.constant 0 : i32
              %swap3A_474 = arith.index_cast %swap3A : i32 to index
              %swap3A_475 = arith.index_cast %while3A_153 : i32 to index
              %swap3A_476 = arith.constant 480 : index
              %swap3A_477 = tpu.vector_load %arg8[%swap3A_474, %swap3A_475, %swap3A_476] {strides = array<i32>} : memref<2x64x512xf32, #tpu.memory_space<vmem>>, vector<1x1x16xf32>,
              %swap3A_478 = vector.shape_cast %swap3A_477 : vector<1x1x16xf32> to vector<16xf32>
              %swap3A_479 = vector.shape_cast %broadcast_in_dim3A_1 : vector<16xf32> to vector<1x1x16xf32>
              tpu.vector_store %arg8[%swap3A_474, %swap3A_475, %swap3A_476], %swap3A_479 {strides = array<i32>} : memref<2x64x512xf32, #tpu.memory_space<vmem>>, vector<1x1x16xf32>,
            } else {
            }
            %eq3A_459 = arith.constant 1 : i32
            %eq3A_460 = arith.cmpi eq, %rem3A_96, %eq3A_459 : i32
            %convert_element_type3A_461 = arith.extui %eq3A_460 : i1 to i32
            %cond3A_462 = arith.constant 0 : i32
            %cond3A_463 = arith.cmpi ne, %convert_element_type3A_461, %cond3A_462 : i32
            scf.if %cond3A_463 {
              %swap3A = arith.constant 1 : i32
              %swap3A_474 = arith.index_cast %swap3A : i32 to index
              %swap3A_475 = arith.index_cast %while3A_153 : i32 to index
              %swap3A_476 = arith.constant 480 : index
              %swap3A_477 = tpu.vector_load %arg8[%swap3A_474, %swap3A_475, %swap3A_476] {strides = array<i32>} : memref<2x64x512xf32, #tpu.memory_space<vmem>>, vector<1x1x16xf32>,
              %swap3A_478 = vector.shape_cast %swap3A_477 : vector<1x1x16xf32> to vector<16xf32>
              %swap3A_479 = vector.shape_cast %broadcast_in_dim3A_1 : vector<16xf32> to vector<1x1x16xf32>
              tpu.vector_store %arg8[%swap3A_474, %swap3A_475, %swap3A_476], %swap3A_479 {strides = array<i32>} : memref<2x64x512xf32, #tpu.memory_space<vmem>>, vector<1x1x16xf32>,
            } else {
            }
            %eq3A_464 = arith.constant 0 : i32
            %eq3A_465 = arith.cmpi eq, %rem3A_96, %eq3A_464 : i32
            %convert_element_type3A_466 = arith.extui %eq3A_465 : i1 to i32
            %cond3A_467 = arith.constant 0 : i32
            %cond3A_468 = arith.cmpi ne, %convert_element_type3A_466, %cond3A_467 : i32
            scf.if %cond3A_468 {
              %swap3A = arith.constant 0 : i32
              %swap3A_474 = arith.index_cast %swap3A : i32 to index
              %swap3A_475 = arith.index_cast %while3A_153 : i32 to index
              %swap3A_476 = arith.constant 496 : index
              %swap3A_477 = tpu.vector_load %arg8[%swap3A_474, %swap3A_475, %swap3A_476] {strides = array<i32>} : memref<2x64x512xf32, #tpu.memory_space<vmem>>, vector<1x1x16xf32>,
              %swap3A_478 = vector.shape_cast %swap3A_477 : vector<1x1x16xf32> to vector<16xf32>
              %swap3A_479 = vector.shape_cast %broadcast_in_dim3A_1 : vector<16xf32> to vector<1x1x16xf32>
              tpu.vector_store %arg8[%swap3A_474, %swap3A_475, %swap3A_476], %swap3A_479 {strides = array<i32>} : memref<2x64x512xf32, #tpu.memory_space<vmem>>, vector<1x1x16xf32>,
            } else {
            }
            %eq3A_469 = arith.constant 1 : i32
            %eq3A_470 = arith.cmpi eq, %rem3A_96, %eq3A_469 : i32
            %convert_element_type3A_471 = arith.extui %eq3A_470 : i1 to i32
            %cond3A_472 = arith.constant 0 : i32
            %cond3A_473 = arith.cmpi ne, %convert_element_type3A_471, %cond3A_472 : i32
            scf.if %cond3A_473 {
              %swap3A = arith.constant 1 : i32
              %swap3A_474 = arith.index_cast %swap3A : i32 to index
              %swap3A_475 = arith.index_cast %while3A_153 : i32 to index
              %swap3A_476 = arith.constant 496 : index
              %swap3A_477 = tpu.vector_load %arg8[%swap3A_474, %swap3A_475, %swap3A_476] {strides = array<i32>} : memref<2x64x512xf32, #tpu.memory_space<vmem>>, vector<1x1x16xf32>,
              %swap3A_478 = vector.shape_cast %swap3A_477 : vector<1x1x16xf32> to vector<16xf32>
              %swap3A_479 = vector.shape_cast %broadcast_in_dim3A_1 : vector<16xf32> to vector<1x1x16xf32>
              tpu.vector_store %arg8[%swap3A_474, %swap3A_475, %swap3A_476], %swap3A_479 {strides = array<i32>} : memref<2x64x512xf32, #tpu.memory_space<vmem>>, vector<1x1x16xf32>,
            } else {
            }
          }
        } else {
        }
        %eq3A_134 = arith.constant 0 : i32
        %eq3A_135 = arith.cmpi eq, %rem3A_96, %eq3A_134 : i32
        %convert_element_type3A_136 = arith.extui %eq3A_135 : i1 to i32
        %cond3A_137 = arith.constant 0 : i32
        %cond3A_138 = arith.cmpi ne, %convert_element_type3A_136, %cond3A_137 : i32
        scf.if %cond3A_138 {
          %dma_start3A = arith.constant 0 : i32
          %dma_start3A_144 = arith.constant 0 : i32
          %dma_start3A_145 = arith.constant 0 : i32
          %dma_start3A_146 = tpu.memref_slice %arg8[%dma_start3A, %dma_start3A_144, %dma_start3A_145] : memref<2x64x512xf32, #tpu.memory_space<vmem>> -> memref<1x64x512xf32, #tpu.memory_space<vmem>>
          %dma_start3A_147 = tpu.memref_squeeze %dma_start3A_146 : memref<1x64x512xf32, #tpu.memory_space<vmem>> -> memref<64x512xf32, #tpu.memory_space<vmem>>
          %dma_start3A_148 = arith.constant 0 : i32
          %dma_start3A_149 = tpu.memref_slice %arg4[%add3A_94, %dma_start3A_148] : memref<32768x512xf32, #tpu.memory_space<hbm>> -> memref<64x512xf32, #tpu.memory_space<hbm>>
          %dma_start3A_150 = arith.constant 0 : i32
          %dma_start3A_151 = tpu.memref_slice %arg4[%add3A_94, %dma_start3A_150] : memref<32768x512xf32, #tpu.memory_space<hbm>> -> memref<64x512xf32, #tpu.memory_space<hbm>>
          %dma_start3A_152 = arith.constant 0 : i32
          %dma_start3A_153 = arith.constant 0 : i32
          %dma_start3A_154 = tpu.memref_slice %arg8[%dma_start3A, %dma_start3A_152, %dma_start3A_153] : memref<2x64x512xf32, #tpu.memory_space<vmem>> -> memref<1x64x512xf32, #tpu.memory_space<vmem>>
          %dma_start3A_155 = tpu.memref_squeeze %dma_start3A_154 : memref<1x64x512xf32, #tpu.memory_space<vmem>> -> memref<64x512xf32, #tpu.memory_space<vmem>>
          tpu.enqueue_dma source(%dma_start3A_155 : memref<64x512xf32, #tpu.memory_space<vmem>>) target(%dma_start3A_151 : memref<64x512xf32, #tpu.memory_space<hbm>>) target_semaphore(%arg12 : memref<!tpu.dma_semaphore, #tpu.memory_space<semaphore_mem>>)
        } else {
        }
        %eq3A_139 = arith.constant 1 : i32
        %eq3A_140 = arith.cmpi eq, %rem3A_96, %eq3A_139 : i32
        %convert_element_type3A_141 = arith.extui %eq3A_140 : i1 to i32
        %cond3A_142 = arith.constant 0 : i32
        %cond3A_143 = arith.cmpi ne, %convert_element_type3A_141, %cond3A_142 : i32
        scf.if %cond3A_143 {
          %dma_start3A = arith.constant 1 : i32
          %dma_start3A_144 = arith.constant 0 : i32
          %dma_start3A_145 = arith.constant 0 : i32
          %dma_start3A_146 = tpu.memref_slice %arg8[%dma_start3A, %dma_start3A_144, %dma_start3A_145] : memref<2x64x512xf32, #tpu.memory_space<vmem>> -> memref<1x64x512xf32, #tpu.memory_space<vmem>>
          %dma_start3A_147 = tpu.memref_squeeze %dma_start3A_146 : memref<1x64x512xf32, #tpu.memory_space<vmem>> -> memref<64x512xf32, #tpu.memory_space<vmem>>
          %dma_start3A_148 = arith.constant 0 : i32
          %dma_start3A_149 = tpu.memref_slice %arg4[%add3A_94, %dma_start3A_148] : memref<32768x512xf32, #tpu.memory_space<hbm>> -> memref<64x512xf32, #tpu.memory_space<hbm>>
          %dma_start3A_150 = arith.constant 0 : i32
          %dma_start3A_151 = tpu.memref_slice %arg4[%add3A_94, %dma_start3A_150] : memref<32768x512xf32, #tpu.memory_space<hbm>> -> memref<64x512xf32, #tpu.memory_space<hbm>>
          %dma_start3A_152 = arith.constant 0 : i32
          %dma_start3A_153 = arith.constant 0 : i32
          %dma_start3A_154 = tpu.memref_slice %arg8[%dma_start3A, %dma_start3A_152, %dma_start3A_153] : memref<2x64x512xf32, #tpu.memory_space<vmem>> -> memref<1x64x512xf32, #tpu.memory_space<vmem>>
          %dma_start3A_155 = tpu.memref_squeeze %dma_start3A_154 : memref<1x64x512xf32, #tpu.memory_space<vmem>> -> memref<64x512xf32, #tpu.memory_space<vmem>>
          tpu.enqueue_dma source(%dma_start3A_155 : memref<64x512xf32, #tpu.memory_space<vmem>>) target(%dma_start3A_151 : memref<64x512xf32, #tpu.memory_space<hbm>>) target_semaphore(%arg13 : memref<!tpu.dma_semaphore, #tpu.memory_space<semaphore_mem>>)
        } else {
        }
      } else {
      }
      %gt3A_118 = arith.constant 0 : i32
      %gt3A_119 = arith.cmpi sgt, %min3A_89, %gt3A_118 : i32
      %eq3A_120 = arith.constant 0 : i32
      %eq3A_121 = arith.cmpi eq, %rem3A_96, %eq3A_120 : i32
      %and3A = arith.andi %gt3A_119, %eq3A_121 : i1
      %select_n3A_122 = arith.select %and3A, %scan3A_57, %scan3A_58 : i32
      %gt3A_123 = arith.constant 0 : i32
      %gt3A_124 = arith.cmpi sgt, %min3A_89, %gt3A_123 : i32
      %eq3A_125 = arith.constant 1 : i32
      %eq3A_126 = arith.cmpi eq, %rem3A_96, %eq3A_125 : i32
      %and3A_127 = arith.andi %gt3A_124, %eq3A_126 : i1
      %select_n3A_128 = arith.select %and3A_127, %scan3A_57, %scan3A_59 : i32
      scf.yield %select_n3A_122, %select_n3A_128 : i32, i32
    }
    %scan3A_39 = arith.constant 16 : i32
    %ge3A = arith.constant 0 : i32
    %ge3A_40 = arith.cmpi sge, %scan3A_38#0, %ge3A : i32
    %convert_element_type3A_41 = arith.extui %ge3A_40 : i1 to i32
    %cond3A_42 = arith.constant 0 : i32
    %cond3A_43 = arith.constant 0 : i32
    %cond3A_44 = arith.cmpi ne, %convert_element_type3A_41, %cond3A_43 : i32
    scf.if %cond3A_44 {
      %eq3A = arith.constant 0 : i32
      %eq3A_57 = arith.cmpi eq, %scan3A_38#0, %eq3A : i32
      %get3A_58 = arith.index_cast %scan3A_38#0 : i32 to index
      %get3A_59 = tpu.vector_load %arg5[%get3A_58] {strides = array<i32>} : memref<32xi32, #tpu.memory_space<vmem>>, vector<16xi32>,
      %get3A_60 = vector.shape_cast %get3A_59 : vector<16xi32> to vector<16xi32>
      %slice3A_61 = vector.extract_strided_slice %get3A_60 {offsets = [0], sizes = [1], strides = [1]} : vector<16xi32> to vector<1xi32>
      %squeeze3A_62 = vector.extract %slice3A_61[0] : i32 from vector<1xi32>
      %jit3A_63 = arith.constant 0 : i32
      %select_n3A_64 = arith.select %eq3A_57, %jit3A_63, %squeeze3A_62 : i32
      %eq3A_65 = arith.constant 15 : i32
      %eq3A_66 = arith.cmpi eq, %scan3A_38#0, %eq3A_65 : i32
      %add3A_67 = arith.constant 1 : i32
      %add3A_68 = arith.addi %scan3A_38#0, %add3A_67 : i32
      %get3A_69 = arith.index_cast %add3A_68 : i32 to index
      %get3A_70 = tpu.vector_load %arg5[%get3A_69] {strides = array<i32>} : memref<32xi32, #tpu.memory_space<vmem>>, vector<16xi32>,
      %get3A_71 = vector.shape_cast %get3A_70 : vector<16xi32> to vector<16xi32>
      %slice3A_72 = vector.extract_strided_slice %get3A_71 {offsets = [0], sizes = [1], strides = [1]} : vector<16xi32> to vector<1xi32>
      %squeeze3A_73 = vector.extract %slice3A_72[0] : i32 from vector<1xi32>
      %jit3A_74 = arith.constant 16384 : i32
      %select_n3A_75 = arith.select %eq3A_66, %jit3A_74, %squeeze3A_73 : i32
      %add3A_76 = arith.addi %add3A, %scan3A_38#0 : i32
      %rem3A_77 = arith.constant 32 : i32
      %rem3A_78 = arith.remsi %add3A_76, %rem3A_77 : i32
      %mul3A_79 = arith.constant 64 : i32
      %mul3A_80 = arith.muli %rem3A_78, %mul3A_79 : i32
      %add3A_81 = arith.addi %select_n3A_64, %mul3A_80 : i32
      %sub3A_82 = arith.subi %select_n3A_75, %add3A_81 : i32
      %jit3A_83 = arith.constant 0 : i32
      %jit3A_84 = arith.constant 64 : i32
      %max3A_85 = arith.maxsi %jit3A_83, %sub3A_82 : i32
      %min3A_86 = arith.minsi %jit3A_84, %max3A_85 : i32
      %mul3A_87 = arith.constant 2048 : i32
      %mul3A_88 = arith.muli %scan3A_38#0, %mul3A_87 : i32
      %mul3A_89 = arith.constant 64 : i32
      %mul3A_90 = arith.muli %rem3A_78, %mul3A_89 : i32
      %add3A_91 = arith.addi %mul3A_88, %mul3A_90 : i32
      %eq3A_92 = arith.constant 0 : i32
      %eq3A_93 = arith.cmpi eq, %cond3A_42, %eq3A_92 : i32
      %convert_element_type3A_94 = arith.extui %eq3A_93 : i1 to i32
      %cond3A_95 = arith.constant 0 : i32
      %cond3A_96 = arith.cmpi ne, %convert_element_type3A_94, %cond3A_95 : i32
      scf.if %cond3A_96 {
        %dma_wait3A = arith.constant 0 : i32
        %dma_wait3A_102 = arith.constant 0 : i32
        %dma_wait3A_103 = arith.constant 0 : i32
        %dma_wait3A_104 = tpu.memref_slice %arg8[%dma_wait3A, %dma_wait3A_102, %dma_wait3A_103] : memref<2x64x512xf32, #tpu.memory_space<vmem>> -> memref<1x64x512xf32, #tpu.memory_space<vmem>>
        %dma_wait3A_105 = tpu.memref_squeeze %dma_wait3A_104 : memref<1x64x512xf32, #tpu.memory_space<vmem>> -> memref<64x512xf32, #tpu.memory_space<vmem>>
        %dma_wait3A_106 = arith.constant 0 : i32
        %dma_wait3A_107 = tpu.memref_slice %arg4[%add3A_91, %dma_wait3A_106] : memref<32768x512xf32, #tpu.memory_space<hbm>> -> memref<64x512xf32, #tpu.memory_space<hbm>>
        %dma_wait3A_108 = arith.constant 0 : i32
        %dma_wait3A_109 = tpu.memref_slice %arg4[%add3A_91, %dma_wait3A_108] : memref<32768x512xf32, #tpu.memory_space<hbm>> -> memref<64x512xf32, #tpu.memory_space<hbm>>
        %dma_wait3A_110 = arith.constant 0 : i32
        %dma_wait3A_111 = arith.constant 0 : i32
        %dma_wait3A_112 = tpu.memref_slice %arg8[%dma_wait3A, %dma_wait3A_110, %dma_wait3A_111] : memref<2x64x512xf32, #tpu.memory_space<vmem>> -> memref<1x64x512xf32, #tpu.memory_space<vmem>>
        %dma_wait3A_113 = tpu.memref_squeeze %dma_wait3A_112 : memref<1x64x512xf32, #tpu.memory_space<vmem>> -> memref<64x512xf32, #tpu.memory_space<vmem>>
        tpu.wait_dma2 semaphore(%arg12 : memref<!tpu.dma_semaphore, #tpu.memory_space<semaphore_mem>>) src(%dma_wait3A_113 : memref<64x512xf32, #tpu.memory_space<vmem>>) dst(%dma_wait3A_109 : memref<64x512xf32, #tpu.memory_space<hbm>>)
      } else {
      }
      %eq3A_97 = arith.constant 1 : i32
      %eq3A_98 = arith.cmpi eq, %cond3A_42, %eq3A_97 : i32
      %convert_element_type3A_99 = arith.extui %eq3A_98 : i1 to i32
      %cond3A_100 = arith.constant 0 : i32
      %cond3A_101 = arith.cmpi ne, %convert_element_type3A_99, %cond3A_100 : i32
      scf.if %cond3A_101 {
        %dma_wait3A = arith.constant 1 : i32
        %dma_wait3A_102 = arith.constant 0 : i32
        %dma_wait3A_103 = arith.constant 0 : i32
        %dma_wait3A_104 = tpu.memref_slice %arg8[%dma_wait3A, %dma_wait3A_102, %dma_wait3A_103] : memref<2x64x512xf32, #tpu.memory_space<vmem>> -> memref<1x64x512xf32, #tpu.memory_space<vmem>>
        %dma_wait3A_105 = tpu.memref_squeeze %dma_wait3A_104 : memref<1x64x512xf32, #tpu.memory_space<vmem>> -> memref<64x512xf32, #tpu.memory_space<vmem>>
        %dma_wait3A_106 = arith.constant 0 : i32
        %dma_wait3A_107 = tpu.memref_slice %arg4[%add3A_91, %dma_wait3A_106] : memref<32768x512xf32, #tpu.memory_space<hbm>> -> memref<64x512xf32, #tpu.memory_space<hbm>>
        %dma_wait3A_108 = arith.constant 0 : i32
        %dma_wait3A_109 = tpu.memref_slice %arg4[%add3A_91, %dma_wait3A_108] : memref<32768x512xf32, #tpu.memory_space<hbm>> -> memref<64x512xf32, #tpu.memory_space<hbm>>
        %dma_wait3A_110 = arith.constant 0 : i32
        %dma_wait3A_111 = arith.constant 0 : i32
        %dma_wait3A_112 = tpu.memref_slice %arg8[%dma_wait3A, %dma_wait3A_110, %dma_wait3A_111] : memref<2x64x512xf32, #tpu.memory_space<vmem>> -> memref<1x64x512xf32, #tpu.memory_space<vmem>>
        %dma_wait3A_113 = tpu.memref_squeeze %dma_wait3A_112 : memref<1x64x512xf32, #tpu.memory_space<vmem>> -> memref<64x512xf32, #tpu.memory_space<vmem>>
        tpu.wait_dma2 semaphore(%arg13 : memref<!tpu.dma_semaphore, #tpu.memory_space<semaphore_mem>>) src(%dma_wait3A_113 : memref<64x512xf32, #tpu.memory_space<vmem>>) dst(%dma_wait3A_109 : memref<64x512xf32, #tpu.memory_space<hbm>>)
      } else {
      }
    } else {
    }
    %ge3A_45 = arith.constant 0 : i32
    %ge3A_46 = arith.cmpi sge, %scan3A_38#1, %ge3A_45 : i32
    %convert_element_type3A_47 = arith.extui %ge3A_46 : i1 to i32
    %cond3A_48 = arith.constant 1 : i32
    %cond3A_49 = arith.constant 0 : i32
    %cond3A_50 = arith.cmpi ne, %convert_element_type3A_47, %cond3A_49 : i32
    scf.if %cond3A_50 {
      %eq3A = arith.constant 0 : i32
      %eq3A_57 = arith.cmpi eq, %scan3A_38#1, %eq3A : i32
      %get3A_58 = arith.index_cast %scan3A_38#1 : i32 to index
      %get3A_59 = tpu.vector_load %arg5[%get3A_58] {strides = array<i32>} : memref<32xi32, #tpu.memory_space<vmem>>, vector<16xi32>,
      %get3A_60 = vector.shape_cast %get3A_59 : vector<16xi32> to vector<16xi32>
      %slice3A_61 = vector.extract_strided_slice %get3A_60 {offsets = [0], sizes = [1], strides = [1]} : vector<16xi32> to vector<1xi32>
      %squeeze3A_62 = vector.extract %slice3A_61[0] : i32 from vector<1xi32>
      %jit3A_63 = arith.constant 0 : i32
      %select_n3A_64 = arith.select %eq3A_57, %jit3A_63, %squeeze3A_62 : i32
      %eq3A_65 = arith.constant 15 : i32
      %eq3A_66 = arith.cmpi eq, %scan3A_38#1, %eq3A_65 : i32
      %add3A_67 = arith.constant 1 : i32
      %add3A_68 = arith.addi %scan3A_38#1, %add3A_67 : i32
      %get3A_69 = arith.index_cast %add3A_68 : i32 to index
      %get3A_70 = tpu.vector_load %arg5[%get3A_69] {strides = array<i32>} : memref<32xi32, #tpu.memory_space<vmem>>, vector<16xi32>,
      %get3A_71 = vector.shape_cast %get3A_70 : vector<16xi32> to vector<16xi32>
      %slice3A_72 = vector.extract_strided_slice %get3A_71 {offsets = [0], sizes = [1], strides = [1]} : vector<16xi32> to vector<1xi32>
      %squeeze3A_73 = vector.extract %slice3A_72[0] : i32 from vector<1xi32>
      %jit3A_74 = arith.constant 16384 : i32
      %select_n3A_75 = arith.select %eq3A_66, %jit3A_74, %squeeze3A_73 : i32
      %add3A_76 = arith.addi %add3A, %scan3A_38#1 : i32
      %rem3A_77 = arith.constant 32 : i32
      %rem3A_78 = arith.remsi %add3A_76, %rem3A_77 : i32
      %mul3A_79 = arith.constant 64 : i32
      %mul3A_80 = arith.muli %rem3A_78, %mul3A_79 : i32
      %add3A_81 = arith.addi %select_n3A_64, %mul3A_80 : i32
      %sub3A_82 = arith.subi %select_n3A_75, %add3A_81 : i32
      %jit3A_83 = arith.constant 0 : i32
      %jit3A_84 = arith.constant 64 : i32
      %max3A_85 = arith.maxsi %jit3A_83, %sub3A_82 : i32
      %min3A_86 = arith.minsi %jit3A_84, %max3A_85 : i32
      %mul3A_87 = arith.constant 2048 : i32
      %mul3A_88 = arith.muli %scan3A_38#1, %mul3A_87 : i32
      %mul3A_89 = arith.constant 64 : i32
      %mul3A_90 = arith.muli %rem3A_78, %mul3A_89 : i32
      %add3A_91 = arith.addi %mul3A_88, %mul3A_90 : i32
      %eq3A_92 = arith.constant 0 : i32
      %eq3A_93 = arith.cmpi eq, %cond3A_48, %eq3A_92 : i32
      %convert_element_type3A_94 = arith.extui %eq3A_93 : i1 to i32
      %cond3A_95 = arith.constant 0 : i32
      %cond3A_96 = arith.cmpi ne, %convert_element_type3A_94, %cond3A_95 : i32
      scf.if %cond3A_96 {
        %dma_wait3A = arith.constant 0 : i32
        %dma_wait3A_102 = arith.constant 0 : i32
        %dma_wait3A_103 = arith.constant 0 : i32
        %dma_wait3A_104 = tpu.memref_slice %arg8[%dma_wait3A, %dma_wait3A_102, %dma_wait3A_103] : memref<2x64x512xf32, #tpu.memory_space<vmem>> -> memref<1x64x512xf32, #tpu.memory_space<vmem>>
        %dma_wait3A_105 = tpu.memref_squeeze %dma_wait3A_104 : memref<1x64x512xf32, #tpu.memory_space<vmem>> -> memref<64x512xf32, #tpu.memory_space<vmem>>
        %dma_wait3A_106 = arith.constant 0 : i32
        %dma_wait3A_107 = tpu.memref_slice %arg4[%add3A_91, %dma_wait3A_106] : memref<32768x512xf32, #tpu.memory_space<hbm>> -> memref<64x512xf32, #tpu.memory_space<hbm>>
        %dma_wait3A_108 = arith.constant 0 : i32
        %dma_wait3A_109 = tpu.memref_slice %arg4[%add3A_91, %dma_wait3A_108] : memref<32768x512xf32, #tpu.memory_space<hbm>> -> memref<64x512xf32, #tpu.memory_space<hbm>>
        %dma_wait3A_110 = arith.constant 0 : i32
        %dma_wait3A_111 = arith.constant 0 : i32
        %dma_wait3A_112 = tpu.memref_slice %arg8[%dma_wait3A, %dma_wait3A_110, %dma_wait3A_111] : memref<2x64x512xf32, #tpu.memory_space<vmem>> -> memref<1x64x512xf32, #tpu.memory_space<vmem>>
        %dma_wait3A_113 = tpu.memref_squeeze %dma_wait3A_112 : memref<1x64x512xf32, #tpu.memory_space<vmem>> -> memref<64x512xf32, #tpu.memory_space<vmem>>
        tpu.wait_dma2 semaphore(%arg12 : memref<!tpu.dma_semaphore, #tpu.memory_space<semaphore_mem>>) src(%dma_wait3A_113 : memref<64x512xf32, #tpu.memory_space<vmem>>) dst(%dma_wait3A_109 : memref<64x512xf32, #tpu.memory_space<hbm>>)
      } else {
      }
      %eq3A_97 = arith.constant 1 : i32
      %eq3A_98 = arith.cmpi eq, %cond3A_48, %eq3A_97 : i32
      %convert_element_type3A_99 = arith.extui %eq3A_98 : i1 to i32
      %cond3A_100 = arith.constant 0 : i32
      %cond3A_101 = arith.cmpi ne, %convert_element_type3A_99, %cond3A_100 : i32
      scf.if %cond3A_101 {
        %dma_wait3A = arith.constant 1 : i32
        %dma_wait3A_102 = arith.constant 0 : i32
        %dma_wait3A_103 = arith.constant 0 : i32
        %dma_wait3A_104 = tpu.memref_slice %arg8[%dma_wait3A, %dma_wait3A_102, %dma_wait3A_103] : memref<2x64x512xf32, #tpu.memory_space<vmem>> -> memref<1x64x512xf32, #tpu.memory_space<vmem>>
        %dma_wait3A_105 = tpu.memref_squeeze %dma_wait3A_104 : memref<1x64x512xf32, #tpu.memory_space<vmem>> -> memref<64x512xf32, #tpu.memory_space<vmem>>
        %dma_wait3A_106 = arith.constant 0 : i32
        %dma_wait3A_107 = tpu.memref_slice %arg4[%add3A_91, %dma_wait3A_106] : memref<32768x512xf32, #tpu.memory_space<hbm>> -> memref<64x512xf32, #tpu.memory_space<hbm>>
        %dma_wait3A_108 = arith.constant 0 : i32
        %dma_wait3A_109 = tpu.memref_slice %arg4[%add3A_91, %dma_wait3A_108] : memref<32768x512xf32, #tpu.memory_space<hbm>> -> memref<64x512xf32, #tpu.memory_space<hbm>>
        %dma_wait3A_110 = arith.constant 0 : i32
        %dma_wait3A_111 = arith.constant 0 : i32
        %dma_wait3A_112 = tpu.memref_slice %arg8[%dma_wait3A, %dma_wait3A_110, %dma_wait3A_111] : memref<2x64x512xf32, #tpu.memory_space<vmem>> -> memref<1x64x512xf32, #tpu.memory_space<vmem>>
        %dma_wait3A_113 = tpu.memref_squeeze %dma_wait3A_112 : memref<1x64x512xf32, #tpu.memory_space<vmem>> -> memref<64x512xf32, #tpu.memory_space<vmem>>
        tpu.wait_dma2 semaphore(%arg13 : memref<!tpu.dma_semaphore, #tpu.memory_space<semaphore_mem>>) src(%dma_wait3A_113 : memref<64x512xf32, #tpu.memory_space<vmem>>) dst(%dma_wait3A_109 : memref<64x512xf32, #tpu.memory_space<hbm>>)
      } else {
      }
    } else {
    }
    %scan3A_51 = arith.constant 0 : i32
    %scan3A_52 = arith.constant 0 : i32
    %scan3A_53 = arith.constant 16 : i32
    %scan3A_54 = arith.addi %scan3A_52, %scan3A_53 : i32
    %scan3A_55 = arith.constant 1 : i32
    scf.for %scan3A_57 = %scan3A_52 to %scan3A_54 step %scan3A_55  : i32 {
      %eq3A = arith.constant 0 : i32
      %eq3A_58 = arith.cmpi eq, %scan3A_57, %eq3A : i32
      %get3A_59 = arith.index_cast %scan3A_57 : i32 to index
      %get3A_60 = tpu.vector_load %arg5[%get3A_59] {strides = array<i32>} : memref<32xi32, #tpu.memory_space<vmem>>, vector<16xi32>,
      %get3A_61 = vector.shape_cast %get3A_60 : vector<16xi32> to vector<16xi32>
      %slice3A_62 = vector.extract_strided_slice %get3A_61 {offsets = [0], sizes = [1], strides = [1]} : vector<16xi32> to vector<1xi32>
      %squeeze3A_63 = vector.extract %slice3A_62[0] : i32 from vector<1xi32>
      %jit3A_64 = arith.constant 0 : i32
      %select_n3A_65 = arith.select %eq3A_58, %jit3A_64, %squeeze3A_63 : i32
      %eq3A_66 = arith.constant 15 : i32
      %eq3A_67 = arith.cmpi eq, %scan3A_57, %eq3A_66 : i32
      %add3A_68 = arith.constant 1 : i32
      %add3A_69 = arith.addi %scan3A_57, %add3A_68 : i32
      %get3A_70 = arith.index_cast %add3A_69 : i32 to index
      %get3A_71 = tpu.vector_load %arg5[%get3A_70] {strides = array<i32>} : memref<32xi32, #tpu.memory_space<vmem>>, vector<16xi32>,
      %get3A_72 = vector.shape_cast %get3A_71 : vector<16xi32> to vector<16xi32>
      %slice3A_73 = vector.extract_strided_slice %get3A_72 {offsets = [0], sizes = [1], strides = [1]} : vector<16xi32> to vector<1xi32>
      %squeeze3A_74 = vector.extract %slice3A_73[0] : i32 from vector<1xi32>
      %jit3A_75 = arith.constant 16384 : i32
      %select_n3A_76 = arith.select %eq3A_67, %jit3A_75, %squeeze3A_74 : i32
      %add3A_77 = arith.addi %add3A, %scan3A_57 : i32
      %rem3A_78 = arith.constant 32 : i32
      %rem3A_79 = arith.remsi %add3A_77, %rem3A_78 : i32
      %mul3A_80 = arith.constant 64 : i32
      %mul3A_81 = arith.muli %rem3A_79, %mul3A_80 : i32
      %add3A_82 = arith.addi %select_n3A_65, %mul3A_81 : i32
      %sub3A_83 = arith.subi %select_n3A_76, %add3A_82 : i32
      %jit3A_84 = arith.constant 0 : i32
      %jit3A_85 = arith.constant 64 : i32
      %max3A_86 = arith.maxsi %jit3A_84, %sub3A_83 : i32
      %min3A_87 = arith.minsi %jit3A_85, %max3A_86 : i32
      %mul3A_88 = arith.constant 2048 : i32
      %mul3A_89 = arith.muli %scan3A_57, %mul3A_88 : i32
      %mul3A_90 = arith.constant 64 : i32
      %mul3A_91 = arith.muli %rem3A_79, %mul3A_90 : i32
      %add3A_92 = arith.addi %mul3A_89, %mul3A_91 : i32
      %eq3A_93 = arith.constant 0 : i32
      %eq3A_94 = arith.cmpi eq, %min3A_87, %eq3A_93 : i32
      %convert_element_type3A_95 = arith.extui %eq3A_94 : i1 to i32
      %cond3A_96 = arith.constant 0 : i32
      %cond3A_97 = arith.cmpi ne, %convert_element_type3A_95, %cond3A_96 : i32
      scf.if %cond3A_97 {
        %dma_wait3A = arith.constant 0 : i32
        %dma_wait3A_98 = tpu.memref_slice %arg4[%add3A_92, %dma_wait3A] : memref<32768x512xf32, #tpu.memory_space<hbm>> -> memref<64x512xf32, #tpu.memory_space<hbm>>
        %dma_wait3A_99 = arith.constant 0 : i32
        %dma_wait3A_100 = tpu.memref_slice %arg4[%add3A_92, %dma_wait3A_99] : memref<32768x512xf32, #tpu.memory_space<hbm>> -> memref<64x512xf32, #tpu.memory_space<hbm>>
        tpu.wait_dma2 semaphore(%arg14 : memref<!tpu.dma_semaphore, #tpu.memory_space<semaphore_mem>>) src(%arg9 : memref<64x512xf32, #tpu.memory_space<vmem>>) dst(%dma_wait3A_100 : memref<64x512xf32, #tpu.memory_space<hbm>>)
      } else {
      }
    }
    %scan3A_56 = arith.constant 16 : i32
    return
  }
}

</mosaic_0001>

<sc_bundles>
// kernel: kernel.3.cloned.1.call-start
scs
__scs_entry_jumppad:
0x0: {  	(pc) =	sbr.rel $0x88, $3  }
0x1: {  	(tag) =	ssettag $0x0;
	lr =	simm.s32 $0x1  }
0x2: {  	[smem:$0x3F9F] =	sst lr;
	_ =	strace $0xD0000000  }
0x3: {  	_ = 	snop  }
0x4: {  	_ = 	snop  }
0x5: {  	_ = 	snop  }
0x6: {  	_ = 	snop  }
0x7: {  	_ = 	snop  }
__scs_overlays_trampoline_lowered:
0x8: {  	[smem:$0x3FAE] =	sst s0  }
0x9: {  	[smem:$0x3FAF] =	sst s1  }
0xa: {  	[smem:$0x3FB0] =	sst s2  }
0xb: {  	[smem:$0x3FB1] =	sst s3  }
0xc: {  	[smem:$0x3FB2] =	sst s4  }
0xd: {  	[smem:$0x3FB3] =	sst s5  }
0xe: {  	[smem:$0x3FB4] =	sst s6  }
0xf: {  	[smem:$0x3FB5] =	sst s7  }
0x10: {  	[smem:$0x3FB6] =	sst s8  }
0x11: {  	[smem:$0x3FB7] =	sst s9;
	s0 =	simm.s32 @!p0 $0x0  }
0x12: {  	s1 =	sld [smem:$0x3F9D];
	s0 =	simm.s32 @p0 $0x1  }
0x13: {  	[smem:$0x3FB8] =	sst s0;
	s0 =	simm.s32 @!p1 $0x0  }
0x14: {  	s2 =	sld [smem:$0x3F9C];
	s0 =	simm.s32 @p1 $0x1  }
0x15: {  	[smem:$0x3FB9] =	sst s0;
	s0 =	simm.s32 @!p2 $0x0  }
0x16: {  	s3 =	sld [smem:$0x3FDB];
	s0 =	simm.s32 @p2 $0x1  }
0x17: {  	s4 =	simm.s32 $0x1BF5;
	[smem:$0x3FBB] =	sst s0  }
0x18: {  	s0 =	sld [smem:$0x3F9E];
	_ =	swait.ge [sflag:s4], $0x0  }
0x19: {  	s7 =	sld [smem:$0x3F9F]  }
0x1a: {  	s8 =	sadd.s32 $0xFFFFE003, lr  }
0x1b: {  	s9 =	sadd.s32 $0xFFFFFEF7, lr;
	s5 =	simm.s32 $0xFFFFFFFF;
	p2 =	slt.u32 s8, $0xFFFFF086  }
0x1c: {  	p1 =	slt.u32 s9, $0xF7A;
	s5 =	simm.s32 @!p2 $0x0  }
0x1d: {  	s5 =	simm.s32 @p1 $0x1;
	p0 =	seq.s32 s7, s2  }
0x1e: {  	s7 =	smul.u32 @!p0 $0xF7A, s2;
	p2 =	seq.s32 @!p0 s5, $0x0  }
0x1f: {  	s9 =	smul.u32 $0xF7A, s1;
	s8 =	simm.s32 @!p0 $0x1BF5;
	p2 =	por !p2, p0  }
0x20: {  	[sflag:s8] =	ssyncset.s32 @!p0 $0xFFFFF086;
	s6 =	sadd.s32 @!p0 s3, s7;
	s7 =	simm.s32 @!p0 $0x108  }
0x21: {  	s3 =	sadd.s32 s3, s9;
	s6 =	sadd.s32 @!p0 $0x88, s6;
	s7 =	simm.s32 @p2 $0x1082  }
0x22: {  	[simem:s7], [sflag:s8] =	dma.local @!p0 [hbm:s6], $0xF7A  }
0x23: {  	s9 =	sor.u32 $0xD0000000, s2;
	s6 =	simm.s32 $0x108;
	_ =	swait.ge @!p0 [sflag:s8], $0x0  }
0x24: {  	s3 =	sadd.s32 $0x88, s3;
	s6 =	simm.s32 @!p1 $0x1082;
	[sflag:s4] =	ssyncset.s32 $0xFFFFF086  }
0x25: {  	[simem:s6], [sflag:s4] =	dma.local [hbm:s3], $0xF7A  }
0x26: {  	[smem:$0x3F9F] =	sst s1;
	(tag) =	ssettag s2;
	_ =	strace s9  }
0x27: {  	s1 =	sld [smem:$0x3FAF]  }
0x28: {  	s2 =	sld [smem:$0x3FB0]  }
0x29: {  	s4 =	sld [smem:$0x3FB2]  }
0x2a: {  	p0 =	seq.s32 s5, $0x0;
	s5 =	sld [smem:$0x3FB3]  }
0x2b: {  	s6 =	sld [smem:$0x3FB4]  }
0x2c: {  	s7 =	sld [smem:$0x3FB5]  }
0x2d: {  	s3 =	simm.s32 $0x108;
	s8 =	sld [smem:$0x3FB6]  }
0x2e: {  	s3 =	simm.s32 @!p0 $0x1082;
	s9 =	sld [smem:$0x3FB7]  }
0x2f: {  	lr =	sadd.s32 s0, s3;
	s0 =	sld [smem:$0x3FAE]  }
0x30: {  	s3 =	sld [smem:$0x3FB1]  }
0x31: {  	[smem:$0x3FBA] =	sst s10  }
0x32: {  	s10 =	sld [smem:$0x3FB8];
	_ =	sdelay $0x3  }
0x33: {  	p0 =	seq.s32 s10, $0x1;
	s10 =	sld [smem:$0x3FBA];
	_ =	sdelay $0x3  }
0x34: {  	[smem:$0x3FBA] =	sst s10  }
0x35: {  	s10 =	sld [smem:$0x3FB9];
	_ =	sdelay $0x3  }
0x36: {  	p1 =	seq.s32 s10, $0x1;
	s10 =	sld [smem:$0x3FBA];
	_ =	sdelay $0x3  }
0x37: {  	[smem:$0x3FBA] =	sst s10  }
0x38: {  	s10 =	sld [smem:$0x3FBB]  }
0x39: {  	_ = 	snop;
	(pc) =	sbr.ind lr, $3  }
0x3a: {  	_ = 	snop  }
0x3b: {  	_ = 	snop  }
0x3c: {  	p2 =	seq.s32 s10, $0x1;
	s10 =	sld [smem:$0x3FBA]  }
0x3d: {  	_ =	shalt  }
0x3e: {  	_ =	shalt  }
0x3f: {  	_ =	shalt  }
0x40: {  	_ =	shalt  }
0x41: {  	_ =	shalt  }
0x42: {  	_ =	shalt  }
0x43: {  	_ =	shalt  }
0x44: {  	_ =	shalt  }
0x45: {  	_ =	shalt  }
0x46: {  	_ =	shalt  }
0x47: {  	_ =	shalt  }
0x48: {  	_ =	shalt  }
0x49: {  	_ =	shalt  }
0x4a: {  	_ =	shalt  }
0x4b: {  	_ =	shalt  }
0x4c: {  	_ =	shalt  }
0x4d: {  	_ =	shalt  }
0x4e: {  	_ =	shalt  }
0x4f: {  	_ =	shalt  }
0x50: {  	_ =	shalt  }
0x51: {  	_ =	shalt  }
0x52: {  	_ =	shalt  }
0x53: {  	_ =	shalt  }
0x54: {  	_ =	shalt  }
0x55: {  	_ =	shalt  }
0x56: {  	_ =	shalt  }
0x57: {  	_ =	shalt  }
0x58: {  	_ =	shalt  }
0x59: {  	_ =	shalt  }
0x5a: {  	_ =	shalt  }
0x5b: {  	_ =	shalt  }
0x5c: {  	_ =	shalt  }
0x5d: {  	_ =	shalt  }
0x5e: {  	_ =	shalt  }
0x5f: {  	_ =	shalt  }
0x60: {  	_ =	shalt  }
0x61: {  	_ =	shalt  }
0x62: {  	_ =	shalt  }
0x63: {  	_ =	shalt  }
0x64: {  	_ =	shalt  }
0x65: {  	_ =	shalt  }
0x66: {  	_ =	shalt  }
0x67: {  	_ =	shalt  }
0x68: {  	_ =	shalt  }
0x69: {  	_ =	shalt  }
0x6a: {  	_ =	shalt  }
0x6b: {  	_ =	shalt  }
0x6c: {  	_ =	shalt  }
0x6d: {  	_ =	shalt  }
0x6e: {  	_ =	shalt  }
0x6f: {  	_ =	shalt  }
0x70: {  	_ =	shalt  }
0x71: {  	_ =	shalt  }
0x72: {  	_ =	shalt  }
0x73: {  	_ =	shalt  }
0x74: {  	_ =	shalt  }
0x75: {  	_ =	shalt  }
0x76: {  	_ =	shalt  }
0x77: {  	_ =	shalt  }
0x78: {  	_ =	shalt  }
0x79: {  	_ =	shalt  }
0x7a: {  	_ =	shalt  }
0x7b: {  	_ =	shalt  }
0x7c: {  	_ =	shalt  }
0x7d: {  	_ =	shalt  }
0x7e: {  	_ =	shalt  }
0x7f: {  	_ =	shalt  }
0x80: {  	_ =	shalt  }
0x81: {  	_ =	shalt  }
0x82: {  	_ =	shalt  }
0x83: {  	_ =	shalt  }
0x84: {  	_ =	shalt  }
0x85: {  	_ =	shalt  }
0x86: {  	_ =	shalt  }
0x87: {  	_ =	shalt  }
.Lfunc_end0:
.L_simem_size_0:
called_computation_lowered:
.L_overlay_start_0:
0x88: {  	s2 =	sld [smem:$0x3FD9]  }
0x89: {  	s3 =	sld [smem:$0x3FFE];
	_ =	sdelay $0x1  }
0x8a: {  	s1 =	srdreg.scid  }
0x8b: {  	s0 =	sand.u32 $0x1, s1  }
0x8c: {  	s18 =	sshll.u32 s0, $0xA;
	s2 =	sadd.s32 s3, s2  }
0x8d: {  	s2 =	sadd.s32 s2, s18  }
0x8e: {  	[smem:$0x3FC6] =	sst s2  }
0x8f: {  	_ = 	snop  }
0x90: {  	s2 =	sld [smem:$0x3FC9]  }
0x91: {  	s19 =	sld [smem:$0x3FC8]  }
0x92: {  	s4 =	sld [smem:$0x3FD0];
	(tm) =	ssettm $0x1  }
0x93: {  	s5 =	sld [smem:$0x3FFB];
	_ =	sdelay $0x3  }
0x94: {  	_ =	strace s5  }
0x95: {  	s5 =	sld [smem:$0x3FFC];
	_ =	sdelay $0x3  }
0x96: {  	_ =	strace s5  }
0x97: {  	s5 =	sld [smem:$0x3FFD];
	_ =	sdelay $0x3  }
0x98: {  	_ =	strace s5  }
0x99: {  	_ =	strace $0x8FFFFFFF  }
0x9a: {  	s20 =	sld [smem:$0x3FDB];
	_ =	sdelay $0x1  }
0x9b: {  	s6 =	simm.s32 $_scs_section_size  }
0x9c: {  	s7 =	simm.s32 $_size__tile_overlayer_lowered;
	s8 =	simm.s32 $_tile_overlayer_lowered  }
0x9d: {  	s23 =	simm.s32 $0x1BFF;
	s22 =	sshll.u32 s8, $0x1;
	s5 =	sadd.s32 s6, s20  }
0x9e: {  	s9 =	simm.s32 $0x0;
	s21 =	sshll.u32 s7, $0x1;
	s7 =	sadd.s32 s22, s5  }
0x9f: {  	[timem:s9], [sflag:s23] =	dma.local [hbm:s7], s21  }
0xa0: {  	_ =	swait.ge [sflag:s23], s21  }
0xa1: {  	s6 =	ssub.s32 $0x0, s21;
	[sflag:s23] =	ssyncset.done $0x0  }
0xa2: {  	[sflag:s23] =	ssyncadd.s32 s6;
	_ =	sdelay $0x1  }
0xa3: {  	s24 =	simm.s32 $0x1B8B  }
0xa4: {  	_ =	swait.ge [sflag:s24], $0x1  }
0xa5: {  	[sflag:s24] =	ssyncset.done $0x0  }
0xa6: {  	s25 =	simm.s32 $0x1B8E;
	[sflag:s24] =	ssyncadd.s32 $0xFFFFFFFF  }
0xa7: {  	s26 =	simm.s32 $execute0_lowered;
	[smem:$0x3FD2] =	sst s25  }
0xa8: {  	s6 =	sshll.u32 s26, $0x1;
	_ =	strace $0x80000046;
	[dreg:$0x1] =	wrdreg $0xFFFFFFFF  }
0xa9: {  	s28 =	simm.s32 $_size_execute0_lowered;
	s5 =	sadd.s32 s5, s6;
	[dreg:$0x0] =	wrdreg $0x0  }
0xaa: {  	s6 =	sshll.u32 s28, $0x1;
	[dreg:$0x2] =	wrdreg s5  }
0xab: {  	[dreg:$0x3] =	wrdreg s6  }
0xac: {  	[dreg:$0x4] =	wrdreg $0xC0  }
0xad: {  	_ =	task [dreg:s9], $0x5FFFF  }
0xae: {  	[dreg:$0x1] =	wrdreg $0xFFFFFFFF  }
0xaf: {  	[dreg:$0x0] =	wrdreg $0x60  }
0xb0: {  	[dreg:$0x2] =	wrdreg s19  }
0xb1: {  	[dreg:$0x3] =	wrdreg s2  }
0xb2: {  	[dreg:$0x4] =	wrdreg s4  }
0xb3: {  	[dreg:$0x5] =	wrdreg $0x9  }
0xb4: {  	_ =	task.clear_ibuf [dreg:s9], $0x6FFFF;
	_ =	strace $0x90000046  }
0xb5: {  	s29 =	simm.s32 $0x9;
	_ =	strace $0x80000048  }
0xb6: {  	_ =	swait.ge [sflag:s29], $0x1  }
0xb7: {  	[sflag:s29] =	ssyncadd.s32 $0xFFFFFFFF  }
0xb8: {  	_ =	strace $0x90000048  }
0xb9: {  	_ =	sfence  }
0xba: {  	s30 =	sld [smem:$0x0];
	_ =	sdelay $0x2  }
0xbb: {  	s31 =	sshll.u32 s1, $0xD;
	s1 =	sshrl.u32 s1, $0x2  }
0xbc: {  	s3 =	sand.u32 $0x4000, s31;
	s1 =	sadd.s32 s1, s30  }
0xbd: {  	s0 =	sor.u32 s3, s0;
	s1 =	sshll.u32 s1, $0x11  }
0xbe: {  	s0 =	sor.u32 s1, s0  }
0xbf: {  	s0 =	sadd.s32 $0x8F2B, s0  }
0xc0: {  	[sflag:s0] =	ssyncadd.remote.s32 $0x1  }
0xc1: {  	_ =	sfence.sel $0xFFFF  }
0xc2: {  	[dreg:$0x0] =	wrdreg $0xFFFFFFFF;
	(pc) =	sbr.abs _section_cstart, $3  }
0xc3: {  	[dreg:$0x1] =	wrdreg $0xFFFFFFFF  }
0xc4: {  	_ =	task.clear_ibuf [dreg:s9], $0x2FFFF;
	_ =	strace $0x9FFFFFFF  }
0xc5: {  	(tm) =	ssettm $0x7FFFFFFF  }
tec
execute0_lowered:
.L_overlay_start_1:
0x0: {  	(tag) =	ssettag $0x1  }
0x1: {  	s3 =	rddreg [dreg:$0x1]  }
0x2: {  	s4 =	rddreg [dreg:$0x2];
	s0 =	srdreg.scid  }
0x3: {  	s7 =	stileid.u32;
	s5 =	simm.s32 $0x0;
	s13 =	simm.s32 $0x4  }
0x4: {  	s14 =	simm.s32 $0x3;
	s15 =	simm.s32 $0x4180;
	s16 =	simm.s32 $0x4980  }
0x5: {  	s17 =	simm.s32 $0x5180;
	s18 =	simm.s32 $0x5980;
	s19 =	simm.s32 $0x6180  }
0x6: {  	s20 =	simm.s32 $0x6980;
	s21 =	simm.s32 $0x7180;
	s22 =	simm.s32 $0x7980  }
0x7: {  	s0 =	sand.u32 $0x1, s0;
	s1 =	sshll.u32 s7, $0x1;
	[smem:$0x7FF] =	sst s5  }
0x8: {  	s7 =	sshll.u32 s7, $0x7;
	s2 =	ssub.s32 $0x2, s0;
	s6 =	sor.u32 s0, s1  }
0x9: {  	_ =	strace $0x80000047;
	s0 =	sshll.u32 s0, $0x6;
	s29 =	sshrl.u32 s2, $0x1  }
0xa: {  	s11 =	sshll.u32 s6, $0x6;
	s0 =	sor.u32 s0, s7;
	s1 =	ssub.s32 s2, s29  }
0xb: {  	v0 =	vlaneseq.u32;
	v5 =	vimm.f32 $0.0e+00;
	s30 =	sor.u32 $0x10, s11;
	s0 =	sshrl.u32 s0, $0x6;
	[dreg:$0x4] =	wrdreg s11  }
0xc: {  	vm0 =	vmmov $0xffff;
	v6 =	vand.u32 $0x7, v0;
	v7 =	vshrl.u32 v0, $0x3;
	s9 =	sor.u32 $0x20, s11;
	s31 =	sadd.s32 $0x40, s11;
	[dreg:$0x6] =	wrdreg s0  }
0xd: {  	v8 =	vor.u32 $0x8, v0;
	v7 =	vmul.u32 $0x8, v7;
	s10 =	sor.u32 $0x30, s11;
	v4 =	vor.u32 s11, v0;
	s1 =	smax.u32 s1, $0x1;
	[dreg:$0x7] =	wrdreg s31  }
0xe: {  	s23 =	simm.s32 $0x0;
	s8 =	sadd.s32 $0x100, s3;
	v1 =	vor.u32 s30, v0;
	v2 =	vor.u32 s9, v0;
	v3 =	vor.u32 s10, v0;
	[dreg:$0x5] =	wrdreg s1  }
.LBB2_1:
0xf: {  	s0 =	rddreg [dreg:$0x0];
	s2 =	simm.s32 $0x6  }
0x10: {  	[tilespmem:s5], [sflag:$0x6] =	stream.linear.gather [hbm4b:s0+s5], $0x11, $0x38;
	[tilespmem:$0x18180] =	vst v63  }
0x11: {  	_ =	swait.ge [sflag:s2], $0x11  }
0x12: {  	s30 =	sand.u32 $0x7000, s5;
	s1 =	sand.u32 $0x380, s5;
	[sflag:s2] =	ssyncset.done $0x0  }
0x13: {  	s1 =	sor.u32 s1, s30;
	[sflag:s2] =	ssyncadd.s32 $0xFFFFFFEF  }
0x14: {  	s0 =	sadd.s32 $0x10180, s1;
	[tilespmem:s1+$0x10180] =	vst v5  }
0x15: {  	[tilespmem:s0+$0x40] =	vst v5  }
0x16: {  	[tilespmem:s0+$0x50] =	vst v5  }
0x17: {  	[tilespmem:s0+$0x60] =	vst v5  }
0x18: {  	[tilespmem:s0+$0x70] =	vst v5  }
0x19: {  	[tilespmem:s0+$0x400] =	vst v5  }
0x1a: {  	[tilespmem:s0+$0x410] =	vst v5  }
0x1b: {  	[tilespmem:s0+$0x420] =	vst v5  }
0x1c: {  	[tilespmem:s0+$0x430] =	vst v5  }
0x1d: {  	[tilespmem:s0+$0x440] =	vst v5  }
0x1e: {  	[tilespmem:s0+$0x450] =	vst v5  }
0x1f: {  	[tilespmem:s0+$0x460] =	vst v5  }
0x20: {  	[tilespmem:s0+$0x470] =	vst v5  }
0x21: {  	[tilespmem:s0+$0x800] =	vst v5  }
0x22: {  	[tilespmem:s0+$0x810] =	vst v5  }
0x23: {  	[tilespmem:s0+$0x820] =	vst v5  }
0x24: {  	[tilespmem:s0+$0x830] =	vst v5  }
0x25: {  	[tilespmem:s0+$0x840] =	vst v5  }
0x26: {  	[tilespmem:s0+$0x850] =	vst v5  }
0x27: {  	[tilespmem:s0+$0x860] =	vst v5  }
0x28: {  	[tilespmem:s0+$0x870] =	vst v5  }
0x29: {  	[tilespmem:s0+$0xC00] =	vst v5  }
0x2a: {  	[tilespmem:s0+$0xC10] =	vst v5  }
0x2b: {  	[tilespmem:s0+$0xC20] =	vst v5  }
0x2c: {  	[tilespmem:s0+$0xC30] =	vst v5  }
0x2d: {  	[tilespmem:s0+$0xC40] =	vst v5  }
0x2e: {  	[tilespmem:s0+$0xC50] =	vst v5  }
0x2f: {  	[tilespmem:s0+$0xC60] =	vst v5  }
0x30: {  	[tilespmem:s0+$0x10] =	vst v5  }
0x31: {  	s31 =	simm.s32 $0x200;
	s1 =	simm.s32 $0x80;
	[tilespmem:s0+$0x20] =	vst v5  }
0x32: {  	s9 =	sand.u32 $0x7000, s31;
	s2 =	simm.s32 $0x400;
	[tilespmem:s0+$0x30] =	vst v5;
	s10 =	sand.u32 $0x380, s1  }
.LBB2_2:
0x33: {  	p0 =	sne.s32 s2, $0x7E00;
	s9 =	sor.u32 s10, s9;
	[tilespmem:s0+$0xC70] =	vst v5  }
0x34: {  	s0 =	sadd.s32 $0x10180, s9;
	[tilespmem:s9+$0x10180] =	vst v5  }
0x35: {  	[tilespmem:s0+$0x10] =	vst v5  }
0x36: {  	[tilespmem:s0+$0x20] =	vst v5  }
0x37: {  	[tilespmem:s0+$0x30] =	vst v5  }
0x38: {  	[tilespmem:s0+$0x40] =	vst v5  }
0x39: {  	[tilespmem:s0+$0x50] =	vst v5  }
0x3a: {  	[tilespmem:s0+$0x60] =	vst v5  }
0x3b: {  	[tilespmem:s0+$0x70] =	vst v5  }
0x3c: {  	[tilespmem:s0+$0x400] =	vst v5  }
0x3d: {  	[tilespmem:s0+$0x410] =	vst v5  }
0x3e: {  	[tilespmem:s0+$0x420] =	vst v5  }
0x3f: {  	[tilespmem:s0+$0x430] =	vst v5  }
0x40: {  	[tilespmem:s0+$0x440] =	vst v5  }
0x41: {  	[tilespmem:s0+$0x450] =	vst v5  }
0x42: {  	[tilespmem:s0+$0x460] =	vst v5  }
0x43: {  	[tilespmem:s0+$0x470] =	vst v5  }
0x44: {  	[tilespmem:s0+$0x800] =	vst v5  }
0x45: {  	[tilespmem:s0+$0x810] =	vst v5  }
0x46: {  	[tilespmem:s0+$0x820] =	vst v5  }
0x47: {  	[tilespmem:s0+$0x830] =	vst v5  }
0x48: {  	[tilespmem:s0+$0x840] =	vst v5  }
0x49: {  	[tilespmem:s0+$0x850] =	vst v5  }
0x4a: {  	[tilespmem:s0+$0x860] =	vst v5  }
0x4b: {  	[tilespmem:s0+$0x870] =	vst v5  }
0x4c: {  	[tilespmem:s0+$0xC00] =	vst v5  }
0x4d: {  	[tilespmem:s0+$0xC10] =	vst v5  }
.Ltmp0:
0x4e: {  	[tilespmem:s0+$0xC20] =	vst v5;
	(pc) =	sbr.rel @p0 .LBB2_2-.Ltmp0, $4  }
0x4f: {  	[tilespmem:s0+$0xC30] =	vst v5  }
0x50: {  	[tilespmem:s0+$0xC40] =	vst v5  }
0x51: {  	s1 =	sadd.s32 $0x80, s1;
	[tilespmem:s0+$0xC50] =	vst v5  }
0x52: {  	s9 =	sand.u32 $0x7000, s2;
	s10 =	sand.u32 $0x380, s1;
	s2 =	sadd.s32 $0x200, s2;
	[tilespmem:s0+$0xC60] =	vst v5  }
0x53: {  	s1 =	sor.u32 s10, s9;
	[tilespmem:s0+$0xC70] =	vst v5  }
0x54: {  	s30 =	sadd.s32 $0x10180, s1;
	[tilespmem:s1+$0x10180] =	vst v5  }
0x55: {  	[tilespmem:s30+$0x10] =	vst v5  }
0x56: {  	[tilespmem:s30+$0x20] =	vst v5  }
0x57: {  	[tilespmem:s30+$0x30] =	vst v5  }
0x58: {  	[tilespmem:s30+$0x40] =	vst v5  }
0x59: {  	[tilespmem:s30+$0x50] =	vst v5  }
0x5a: {  	[tilespmem:s30+$0x60] =	vst v5  }
0x5b: {  	[tilespmem:s30+$0x70] =	vst v5  }
0x5c: {  	[tilespmem:s30+$0x400] =	vst v5  }
0x5d: {  	[tilespmem:s30+$0x410] =	vst v5  }
0x5e: {  	[tilespmem:s30+$0x420] =	vst v5  }
0x5f: {  	[tilespmem:s30+$0x430] =	vst v5  }
0x60: {  	[tilespmem:s30+$0x440] =	vst v5  }
0x61: {  	[tilespmem:s30+$0x450] =	vst v5  }
0x62: {  	[tilespmem:s30+$0x460] =	vst v5  }
0x63: {  	[tilespmem:s30+$0x470] =	vst v5  }
0x64: {  	[tilespmem:s30+$0x800] =	vst v5  }
0x65: {  	[tilespmem:s30+$0x810] =	vst v5  }
0x66: {  	[tilespmem:s30+$0x820] =	vst v5  }
0x67: {  	[tilespmem:s30+$0x830] =	vst v5  }
0x68: {  	[tilespmem:s30+$0x840] =	vst v5  }
0x69: {  	[tilespmem:s30+$0x850] =	vst v5  }
0x6a: {  	[tilespmem:s30+$0x860] =	vst v5  }
0x6b: {  	[tilespmem:s30+$0x870] =	vst v5  }
0x6c: {  	[tilespmem:s30+$0xC00] =	vst v5  }
0x6d: {  	[tilespmem:s30+$0xC10] =	vst v5  }
0x6e: {  	[tilespmem:s30+$0xC20] =	vst v5  }
0x6f: {  	[tilespmem:s30+$0xC30] =	vst v5  }
0x70: {  	[tilespmem:s30+$0xC40] =	vst v5  }
0x71: {  	[tilespmem:s30+$0xC50] =	vst v5  }
0x72: {  	[tilespmem:s30+$0xC60] =	vst v5  }
0x73: {  	[tilespmem:s30+$0xC70] =	vst v5  }
0x74: {  	v9 =	vld [tilespmem:$0x1];
	_ =	sdelay $0x4  }
0x75: {  	(v2sf) =	vpush v9, $0x0;
	_ =	sdelay $0xe  }
0x76: {  	s0 =	spop (v2sf)  }
0x77: {  	s31 =	ssub.s32 s0, s11  }
0x78: {  	p0 =	slt.s32 s31, $0x1  }
.Ltmp1:
0x79: {  	_ = 	snop;
	(pc) =	sbr.rel @p0 .LBB2_5-.Ltmp1, $1  }
0x7a: {  	_ =	sdelay $0x3  }
0x7b: {  	s0 =	sadd.s32 $0xFFFFFFFF, s0  }
0x7c: {  	vm1 =	vlt.s32 v4, s0  }
0x7d: {  	v9 =	vnsel vm1, s0, v4  }
0x7e: {  	v10 =	vshll.u32 v9, $0x2  }
0x7f: {  	v11 =	vand.u32 $0x7, v9;
	v10 =	vand.u32 $0xFFFFFFE0, v10  }
0x80: {  	v10 =	vor.u32 v11, v10  }
0x81: {  	v11 =	vperm.xlane v10, v6;
	_ =	sdelay $0x1  }
0x82: {  	vm1 =	vlt.s32 v1, s0;
	v11 =	vadd.s32 v7, v11  }
0x83: {  	[tilespmem:$0x80] =	vst v9;
	v9 =	vnsel vm1, s0, v1;
	vm1 =	vlt.s32 v2, s0  }
0x84: {  	[tilespmem:$0x90] =	vst v9;
	v9 =	vnsel vm1, s0, v2;
	vm1 =	vlt.s32 v3, s0;
	v10 =	vperm.xlane v10, v8  }
0x85: {  	[tilespmem:$0xA0] =	vst v9;
	v9 =	vnsel vm1, s0, v3  }
0x86: {  	s12 =	simm.s32 $0x180;
	[tilespmem:$0xB0] =	vst v9;
	v9 =	vadd.s32 v7, v10  }
0x87: {  	[tilespmem:s12], [sflag:$0x1] =	stream.indirect_vreg.gather [hbm4b:s3+s5], $0x80, v11, vm0, $0xb8;
	[tilespmem:$0x18180] =	vst v63  }
0x88: {  	s24 =	simm.s32 $0x980  }
0x89: {  	[tilespmem:s24], [sflag:$0x1] =	stream.indirect_vreg.gather [hbm4b:s8+s5], $0x80, v11, vm0, $0xb8;
	[tilespmem:$0x18180] =	vst v63  }
0x8a: {  	s25 =	simm.s32 $0x1180  }
0x8b: {  	[tilespmem:s25], [sflag:$0x1] =	stream.indirect_vreg.gather [hbm4b:s3+s5], $0x80, v9, vm0, $0xb8;
	[tilespmem:$0x18180] =	vst v63  }
0x8c: {  	s26 =	simm.s32 $0x1980  }
0x8d: {  	[tilespmem:s26], [sflag:$0x1] =	stream.indirect_vreg.gather [hbm4b:s8+s5], $0x80, v9, vm0, $0xb8;
	[tilespmem:$0x18180] =	vst v63  }
0x8e: {  	v9 =	vld [tilespmem:$0x90];
	_ =	sdelay $0x4  }
0x8f: {  	v10 =	vshll.u32 v9, $0x2  }
0x90: {  	v9 =	vand.u32 $0x7, v9;
	v10 =	vand.u32 $0xFFFFFFE0, v10  }
0x91: {  	v9 =	vor.u32 v9, v10  }
0x92: {  	v10 =	vperm.xlane v9, v6;
	_ =	sdelay $0x1  }
0x93: {  	v10 =	vadd.s32 v7, v10;
	_ =	sdelay $0x1  }
0x94: {  	v9 =	vperm.xlane v9, v8;
	_ =	sdelay $0x1  }
0x95: {  	s28 =	simm.s32 $0x2180;
	v9 =	vadd.s32 v7, v9  }
0x96: {  	[tilespmem:s28], [sflag:$0x1] =	stream.indirect_vreg.gather [hbm4b:s3+s5], $0x80, v10, vm0, $0xb8;
	[tilespmem:$0x18180] =	vst v63  }
0x97: {  	s29 =	simm.s32 $0x2980  }
0x98: {  	[tilespmem:s29], [sflag:$0x1] =	stream.indirect_vreg.gather [hbm4b:s8+s5], $0x80, v10, vm0, $0xb8;
	[tilespmem:$0x18180] =	vst v63  }
0x99: {  	s30 =	simm.s32 $0x3180  }
0x9a: {  	[tilespmem:s30], [sflag:$0x1] =	stream.indirect_vreg.gather [hbm4b:s3+s5], $0x80, v9, vm0, $0xb8;
	[tilespmem:$0x18180] =	vst v63  }
0x9b: {  	s31 =	simm.s32 $0x3980  }
0x9c: {  	[tilespmem:s31], [sflag:$0x1] =	stream.indirect_vreg.gather [hbm4b:s8+s5], $0x80, v9, vm0, $0xb8;
	[tilespmem:$0x18180] =	vst v63  }
0x9d: {  	v9 =	vld [tilespmem:$0xA0];
	_ =	sdelay $0x4  }
0x9e: {  	v10 =	vshll.u32 v9, $0x2  }
0x9f: {  	v9 =	vand.u32 $0x7, v9;
	v10 =	vand.u32 $0xFFFFFFE0, v10  }
0xa0: {  	v9 =	vor.u32 v9, v10  }
0xa1: {  	v10 =	vperm.xlane v9, v6;
	_ =	sdelay $0x1  }
0xa2: {  	v10 =	vadd.s32 v7, v10;
	_ =	sdelay $0x1  }
0xa3: {  	v9 =	vperm.xlane v9, v8;
	_ =	sdelay $0x1  }
0xa4: {  	v9 =	vadd.s32 v7, v9  }
0xa5: {  	[tilespmem:s15], [sflag:$0x1] =	stream.indirect_vreg.gather [hbm4b:s3+s5], $0x80, v10, vm0, $0xb8;
	[tilespmem:$0x18180] =	vst v63  }
0xa6: {  	_ = 	snop  }
0xa7: {  	[tilespmem:s16], [sflag:$0x1] =	stream.indirect_vreg.gather [hbm4b:s8+s5], $0x80, v10, vm0, $0xb8;
	[tilespmem:$0x18180] =	vst v63  }
0xa8: {  	_ = 	snop  }
0xa9: {  	[tilespmem:s17], [sflag:$0x1] =	stream.indirect_vreg.gather [hbm4b:s3+s5], $0x80, v9, vm0, $0xb8;
	[tilespmem:$0x18180] =	vst v63  }
0xaa: {  	_ = 	snop  }
0xab: {  	[tilespmem:s18], [sflag:$0x1] =	stream.indirect_vreg.gather [hbm4b:s8+s5], $0x80, v9, vm0, $0xb8;
	[tilespmem:$0x18180] =	vst v63  }
0xac: {  	v9 =	vld [tilespmem:$0xB0];
	_ =	sdelay $0x4  }
0xad: {  	v10 =	vshll.u32 v9, $0x2  }
0xae: {  	v9 =	vand.u32 $0x7, v9;
	v10 =	vand.u32 $0xFFFFFFE0, v10  }
0xaf: {  	v9 =	vor.u32 v9, v10  }
0xb0: {  	v10 =	vperm.xlane v9, v6;
	_ =	sdelay $0x1  }
0xb1: {  	v10 =	vadd.s32 v7, v10;
	_ =	sdelay $0x1  }
0xb2: {  	v9 =	vperm.xlane v9, v8;
	_ =	sdelay $0x1  }
0xb3: {  	v9 =	vadd.s32 v7, v9  }
0xb4: {  	[tilespmem:s19], [sflag:$0x1] =	stream.indirect_vreg.gather [hbm4b:s3+s5], $0x80, v10, vm0, $0xb8;
	[tilespmem:$0x18180] =	vst v63  }
0xb5: {  	_ = 	snop  }
0xb6: {  	[tilespmem:s20], [sflag:$0x1] =	stream.indirect_vreg.gather [hbm4b:s8+s5], $0x80, v10, vm0, $0xb8;
	[tilespmem:$0x18180] =	vst v63  }
0xb7: {  	_ = 	snop  }
0xb8: {  	[tilespmem:s21], [sflag:$0x1] =	stream.indirect_vreg.gather [hbm4b:s3+s5], $0x80, v9, vm0, $0xb8;
	[tilespmem:$0x18180] =	vst v63  }
0xb9: {  	_ = 	snop  }
0xba: {  	[tilespmem:s22], [sflag:$0x1] =	stream.indirect_vreg.gather [hbm4b:s8+s5], $0x80, v9, vm0, $0xb8;
	[tilespmem:$0x18180] =	vst v63  }
.LBB2_5:
.Ltmp2:
0xbb: {  	(pc) =	sbr.rel .LBB2_6-.Ltmp2, $3  }
0xbc: {  	_ =	sdelay $0x1  }
0xbd: {  	s28 =	simm.s32 $0x0  }
0xbe: {  	s12 =	simm.s32 $0xFFFFFFFF;
	s26 =	rddreg [dreg:$0x6];
	s24 =	simm.s32 $0xFFFFFFFF  }
.LBB2_18:
0xbf: {  	[tilespmem:s0+$0x8C10] =	vst @p1 v9  }
0xc0: {  	[tilespmem:s10+$0xC70] =	vst @!p1 v10  }
.LBB2_19:
0xc1: {  	p1 =	seq.s32 s31, $0x1;
	s0 =	sshll.u32 s30, $0x6  }
0xc2: {  	s0 =	sadd.s32 s4, s0;
	s1 =	simm.s32 @p1 $0x0;
	s2 =	simm.s32 @p1 $0x8180  }
0xc3: {  	[hbm4b:s0+s1] =	stream.linear.scatter @p1 [tilespmem:s2], [sflag:$0x4], $0x8000, $0x38;
	[tilespmem:$0x18180] =	vst v63  }
0xc4: {  	s24 =	smov.u32 @p1 s28;
	s1 =	simm.s32 @!p1 $0x0;
	s2 =	simm.s32 @!p1 $0x180  }
0xc5: {  	[hbm4b:s0+s1] =	stream.linear.scatter @!p1 [tilespmem:s2], [sflag:$0x3], $0x8000, $0x38;
	[tilespmem:$0x18180] =	vst v63  }
.LBB2_20:
0xc6: {  	s0 =	smov.u32 s12  }
0xc7: {  	s0 =	smov.u32 @p0 s28;
	p0 =	sne.s32 s29, $0x10  }
.Ltmp3:
0xc8: {  	_ = 	snop;
	(pc) =	sbr.rel @!p0 .LBB2_21-.Ltmp3, $3  }
0xc9: {  	_ =	sdelay $0x1  }
0xca: {  	p1 =	seq.s32 s31, $0x0  }
0xcb: {  	s26 =	sadd.s32 $0x1, s26;
	s28 =	smov.u32 s29;
	s12 =	smov.u32 @p1 s0  }
.LBB2_6:
0xcc: {  	v9 =	vld [tilespmem:s28+$0x0]  }
0xcd: {  	v10 =	vld [tilespmem:s28+$0x1];
	_ =	sdelay $0x3  }
0xce: {  	(v2sf) =	vpush v9, $0x0  }
0xcf: {  	(v2sf) =	vpush v10, $0x0;
	_ =	sdelay $0xc  }
0xd0: {  	p0 =	seq.s32 s28, $0x0;
	s1 =	sadd.s32 s6, s28  }
0xd1: {  	p1 =	seq.s32 s28, $0xF;
	s2 =	sshll.u32 s1, $0x6;
	s0 =	spop (v2sf)  }
0xd2: {  	s9 =	sand.u32 $0x7C0, s2;
	s0 =	simm.s32 @p0 $0x0;
	s1 =	spop (v2sf)  }
0xd3: {  	s1 =	simm.s32 @p1 $0x4000;
	s2 =	sadd.s32 s9, s0  }
0xd4: {  	s2 =	ssub.s32 s1, s2  }
0xd5: {  	p0 =	sgt.s32 s2, $0x0  }
0xd6: {  	s10 =	sand.u32 @p0 $0x1, s28  }
0xd7: {  	p2 =	seq.s32 @p0 s10, $0x1  }
0xd8: {  	p3 =	por !p2, !p0  }
0xd9: {  	s10 =	simm.s32 @!p3 $0x2  }
0xda: {  	_ =	swait.ge @!p3 [sflag:s10], $0x8000  }
0xdb: {  	p2 =	por p2, !p0;
	[sflag:s10] =	ssyncset.done @!p3 $0x0  }
0xdc: {  	s29 =	sshll.u32 s28, $0xB;
	[sflag:s10] =	ssyncadd.s32 @!p3 $0xFFFF8000;
	s10 =	simm.s32 @!p2 $0x1  }
0xdd: {  	s30 =	sor.u32 s29, s9;
	_ =	swait.ge @!p2 [sflag:s10], $0x8000  }
0xde: {  	s9 =	sshll.u32 @!p0 s30, $0x6;
	s29 =	simm.s32 @!p0 $0x10180;
	[sflag:s10] =	ssyncset.done @!p2 $0x0  }
0xdf: {  	s9 =	sadd.s32 @!p0 s4, s9;
	[sflag:s10] =	ssyncadd.s32 @!p2 $0xFFFF8000;
	s10 =	simm.s32 @!p0 $0x0  }
0xe0: {  	[hbm4b:s9+s10] =	stream.linear.scatter @!p0 [tilespmem:s29], [sflag:$0x5], $0x8000, $0x38;
	[tilespmem:$0x18180] =	vst v63  }
0xe1: {  	v9 =	vld @!p1 [tilespmem:s28+$0x1]  }
0xe2: {  	v10 =	vld @!p1 [tilespmem:s28+$0x2];
	_ =	sdelay $0x3  }
0xe3: {  	(v2sf) =	vpush @!p1 v9, $0x0  }
0xe4: {  	(v2sf) =	vpush @!p1 v10, $0x0;
	_ =	sdelay $0xb  }
0xe5: {  	s29 =	sadd.s32 $0x1, s28  }
0xe6: {  	s9 =	sadd.s32 @!p1 s6, s29  }
0xe7: {  	p2 =	seq.s32 @!p1 s29, $0xF;
	s31 =	sshll.u32 @!p1 s9, $0x6;
	s10 =	spop @!p1 (v2sf)  }
0xe8: {  	p2 =	por !p2, p1;
	s31 =	sand.u32 @!p1 $0x7C0, s31;
	s9 =	spop @!p1 (v2sf)  }
0xe9: {  	s10 =	sadd.s32 @!p1 s31, s10;
	s9 =	simm.s32 @!p2 $0x4000  }
0xea: {  	s31 =	ssub.s32 @!p1 s9, s10  }
0xeb: {  	p2 =	slt.s32 @!p1 s31, $0x1  }
0xec: {  	p1 =	por p1, p2  }
.Ltmp4:
0xed: {  	_ = 	snop;
	(pc) =	sbr.rel @p1 .LBB2_14-.Ltmp4, $2  }
0xee: {  	_ =	sdelay $0x2  }
0xef: {  	s31 =	sand.u32 $0x1, s28  }
0xf0: {  	p1 =	seq.s32 s31, $0x0;
	s25 =	smov.u32 s12  }
0xf1: {  	s25 =	smov.u32 @p1 s24  }
0xf2: {  	p2 =	slt.s32 s25, $0x0  }
.Ltmp5:
0xf3: {  	_ = 	snop;
	(pc) =	sbr.rel @p2 .LBB2_10-.Ltmp5, $2  }
0xf4: {  	_ =	sdelay $0x2  }
0xf5: {  	s9 =	sadd.s32 $0xFFFFFFFF, s9  }
.Ltmp6:
0xf6: {  	(pc) =	sbr.rel @!p1 .LBB2_9-.Ltmp6, $1  }
0xf7: {  	_ =	sdelay $0x3  }
.Ltmp7:
0xf8: {  	(pc) =	sbr.rel .LBB2_13-.Ltmp7, $4  }
0xf9: {  	_ = 	snop  }
0xfa: {  	_ =	swait.ge [sflag:s13], $0x8000  }
0xfb: {  	[sflag:s13] =	ssyncset.done $0x0  }
0xfc: {  	[sflag:s13] =	ssyncadd.s32 $0xFFFF8000  }
.LBB2_10:
.Ltmp8:
0xfd: {  	(pc) =	sbr.rel @!p1 .LBB2_11-.Ltmp8, $1  }
0xfe: {  	_ =	sdelay $0x3  }
.LBB2_13:
0xff: {  	v9 =	vadd.s32 s10, v0  }
0x100: {  	vm1 =	vlt.s32 v9, s9  }
0x101: {  	v9 =	vnsel vm1, s9, v9  }
0x102: {  	v10 =	vshll.u32 v9, $0x2  }
0x103: {  	v11 =	vand.u32 $0x7, v9;
	v10 =	vand.u32 $0xFFFFFFE0, v10  }
0x104: {  	v10 =	vor.u32 v11, v10  }
0x105: {  	s25 =	sadd.s32 $0x10, s10;
	v11 =	vperm.xlane v10, v6  }
0x106: {  	s11 =	sadd.s32 $0x20, s10;
	v12 =	vadd.s32 s25, v0  }
0x107: {  	s7 =	sadd.s32 $0x30, s10;
	v13 =	vadd.s32 s11, v0;
	vm1 =	vlt.s32 v12, s9;
	v11 =	vadd.s32 v7, v11  }
0x108: {  	v63 =	vadd.s32 s7, v0;
	[tilespmem:$0x100] =	vst v9;
	v9 =	vnsel vm1, s9, v12;
	vm1 =	vlt.s32 v13, s9  }
0x109: {  	[tilespmem:$0x110] =	vst v9;
	v9 =	vnsel vm1, s9, v13;
	vm1 =	vlt.s32 v63, s9;
	v10 =	vperm.xlane v10, v8  }
0x10a: {  	[tilespmem:$0x120] =	vst v9;
	v9 =	vnsel vm1, s9, v63  }
0x10b: {  	s7 =	simm.s32 $0x8180;
	[tilespmem:$0x130] =	vst v9;
	v9 =	vadd.s32 v7, v10  }
0x10c: {  	[tilespmem:s7], [sflag:$0x2] =	stream.indirect_vreg.gather [hbm4b:s3+s5], $0x80, v11, vm0, $0xb8;
	[tilespmem:$0x18180] =	vst v63  }
0x10d: {  	s10 =	simm.s32 $0x8980  }
0x10e: {  	[tilespmem:s10], [sflag:$0x2] =	stream.indirect_vreg.gather [hbm4b:s8+s5], $0x80, v11, vm0, $0xb8;
	[tilespmem:$0x18180] =	vst v63  }
0x10f: {  	s11 =	simm.s32 $0x9180  }
0x110: {  	[tilespmem:s11], [sflag:$0x2] =	stream.indirect_vreg.gather [hbm4b:s3+s5], $0x80, v9, vm0, $0xb8;
	[tilespmem:$0x18180] =	vst v63  }
0x111: {  	s25 =	simm.s32 $0x9980  }
0x112: {  	[tilespmem:s25], [sflag:$0x2] =	stream.indirect_vreg.gather [hbm4b:s8+s5], $0x80, v9, vm0, $0xb8;
	[tilespmem:$0x18180] =	vst v63  }
0x113: {  	v9 =	vld [tilespmem:$0x110];
	_ =	sdelay $0x4  }
0x114: {  	v10 =	vshll.u32 v9, $0x2  }
0x115: {  	v9 =	vand.u32 $0x7, v9;
	v10 =	vand.u32 $0xFFFFFFE0, v10  }
0x116: {  	v9 =	vor.u32 v9, v10  }
0x117: {  	v10 =	vperm.xlane v9, v6;
	_ =	sdelay $0x1  }
0x118: {  	v10 =	vadd.s32 v7, v10;
	_ =	sdelay $0x1  }
0x119: {  	v9 =	vperm.xlane v9, v8;
	_ =	sdelay $0x1  }
0x11a: {  	s9 =	simm.s32 $0xA180;
	v9 =	vadd.s32 v7, v9  }
0x11b: {  	[tilespmem:s9], [sflag:$0x2] =	stream.indirect_vreg.gather [hbm4b:s3+s5], $0x80, v10, vm0, $0xb8;
	[tilespmem:$0x18180] =	vst v63  }
0x11c: {  	s10 =	simm.s32 $0xA980  }
0x11d: {  	[tilespmem:s10], [sflag:$0x2] =	stream.indirect_vreg.gather [hbm4b:s8+s5], $0x80, v10, vm0, $0xb8;
	[tilespmem:$0x18180] =	vst v63  }
0x11e: {  	s11 =	simm.s32 $0xB180  }
0x11f: {  	[tilespmem:s11], [sflag:$0x2] =	stream.indirect_vreg.gather [hbm4b:s3+s5], $0x80, v9, vm0, $0xb8;
	[tilespmem:$0x18180] =	vst v63  }
0x120: {  	s25 =	simm.s32 $0xB980  }
0x121: {  	[tilespmem:s25], [sflag:$0x2] =	stream.indirect_vreg.gather [hbm4b:s8+s5], $0x80, v9, vm0, $0xb8;
	[tilespmem:$0x18180] =	vst v63  }
0x122: {  	v9 =	vld [tilespmem:$0x120];
	_ =	sdelay $0x4  }
0x123: {  	v10 =	vshll.u32 v9, $0x2  }
0x124: {  	v9 =	vand.u32 $0x7, v9;
	v10 =	vand.u32 $0xFFFFFFE0, v10  }
0x125: {  	v9 =	vor.u32 v9, v10  }
0x126: {  	v10 =	vperm.xlane v9, v6;
	_ =	sdelay $0x1  }
0x127: {  	v10 =	vadd.s32 v7, v10;
	_ =	sdelay $0x1  }
0x128: {  	v9 =	vperm.xlane v9, v8;
	_ =	sdelay $0x1  }
0x129: {  	s9 =	simm.s32 $0xC180;
	v9 =	vadd.s32 v7, v9  }
0x12a: {  	[tilespmem:s9], [sflag:$0x2] =	stream.indirect_vreg.gather [hbm4b:s3+s5], $0x80, v10, vm0, $0xb8;
	[tilespmem:$0x18180] =	vst v63  }
0x12b: {  	s10 =	simm.s32 $0xC980  }
0x12c: {  	[tilespmem:s10], [sflag:$0x2] =	stream.indirect_vreg.gather [hbm4b:s8+s5], $0x80, v10, vm0, $0xb8;
	[tilespmem:$0x18180] =	vst v63  }
0x12d: {  	s11 =	simm.s32 $0xD180  }
0x12e: {  	[tilespmem:s11], [sflag:$0x2] =	stream.indirect_vreg.gather [hbm4b:s3+s5], $0x80, v9, vm0, $0xb8;
	[tilespmem:$0x18180] =	vst v63  }
0x12f: {  	s25 =	simm.s32 $0xD980  }
0x130: {  	[tilespmem:s25], [sflag:$0x2] =	stream.indirect_vreg.gather [hbm4b:s8+s5], $0x80, v9, vm0, $0xb8;
	[tilespmem:$0x18180] =	vst v63  }
0x131: {  	v9 =	vld [tilespmem:$0x130];
	_ =	sdelay $0x4  }
0x132: {  	v10 =	vshll.u32 v9, $0x2  }
0x133: {  	v9 =	vand.u32 $0x7, v9;
	v10 =	vand.u32 $0xFFFFFFE0, v10  }
0x134: {  	v9 =	vor.u32 v9, v10  }
0x135: {  	v10 =	vperm.xlane v9, v6;
	_ =	sdelay $0x1  }
0x136: {  	v10 =	vadd.s32 v7, v10;
	_ =	sdelay $0x2  }
0x137: {  	v9 =	vperm.xlane v9, v8  }
0x138: {  	s9 =	simm.s32 $0xE180  }
0x139: {  	v9 =	vadd.s32 v7, v9;
	[tilespmem:s9], [sflag:$0x2] =	stream.indirect_vreg.gather [hbm4b:s3+s5], $0x80, v10, vm0, $0xb8;
	[tilespmem:$0x18180] =	vst v63  }
0x13a: {  	s10 =	simm.s32 $0xE980  }
0x13b: {  	[tilespmem:s10], [sflag:$0x2] =	stream.indirect_vreg.gather [hbm4b:s8+s5], $0x80, v10, vm0, $0xb8;
	[tilespmem:$0x18180] =	vst v63  }
.Ltmp9:
0x13c: {  	_ = 	snop;
	(pc) =	sbr.rel .LBB2_14-.Ltmp9, $4  }
0x13d: {  	s11 =	simm.s32 $0xF180  }
0x13e: {  	[tilespmem:s11], [sflag:$0x2] =	stream.indirect_vreg.gather [hbm4b:s3+s5], $0x80, v9, vm0, $0xb8;
	[tilespmem:$0x18180] =	vst v63  }
0x13f: {  	s25 =	simm.s32 $0xF980  }
0x140: {  	[tilespmem:s25], [sflag:$0x2] =	stream.indirect_vreg.gather [hbm4b:s8+s5], $0x80, v9, vm0, $0xb8;
	[tilespmem:$0x18180] =	vst v63  }
.LBB2_9:
0x141: {  	_ =	swait.ge [sflag:s14], $0x8000  }
0x142: {  	[sflag:s14] =	ssyncset.done $0x0  }
0x143: {  	[sflag:s14] =	ssyncadd.s32 $0xFFFF8000  }
.LBB2_11:
0x144: {  	v9 =	vadd.s32 s10, v0  }
0x145: {  	vm1 =	vlt.s32 v9, s9  }
0x146: {  	v9 =	vnsel vm1, s9, v9  }
0x147: {  	v10 =	vshll.u32 v9, $0x2  }
0x148: {  	v11 =	vand.u32 $0x7, v9;
	v10 =	vand.u32 $0xFFFFFFE0, v10  }
0x149: {  	v10 =	vor.u32 v11, v10  }
0x14a: {  	s25 =	sadd.s32 $0x10, s10;
	v11 =	vperm.xlane v10, v6  }
0x14b: {  	s11 =	sadd.s32 $0x20, s10;
	v12 =	vadd.s32 s25, v0  }
0x14c: {  	s7 =	sadd.s32 $0x30, s10;
	v13 =	vadd.s32 s11, v0;
	vm1 =	vlt.s32 v12, s9;
	v11 =	vadd.s32 v7, v11  }
0x14d: {  	v63 =	vadd.s32 s7, v0;
	[tilespmem:$0x80] =	vst v9;
	v9 =	vnsel vm1, s9, v12;
	vm1 =	vlt.s32 v13, s9  }
0x14e: {  	[tilespmem:$0x90] =	vst v9;
	v9 =	vnsel vm1, s9, v13;
	vm1 =	vlt.s32 v63, s9;
	v10 =	vperm.xlane v10, v8  }
0x14f: {  	[tilespmem:$0xA0] =	vst v9;
	v9 =	vnsel vm1, s9, v63  }
0x150: {  	s7 =	simm.s32 $0x180;
	[tilespmem:$0xB0] =	vst v9;
	v9 =	vadd.s32 v7, v10  }
0x151: {  	[tilespmem:s7], [sflag:$0x1] =	stream.indirect_vreg.gather [hbm4b:s3+s5], $0x80, v11, vm0, $0xb8;
	[tilespmem:$0x18180] =	vst v63  }
0x152: {  	s10 =	simm.s32 $0x980  }
0x153: {  	[tilespmem:s10], [sflag:$0x1] =	stream.indirect_vreg.gather [hbm4b:s8+s5], $0x80, v11, vm0, $0xb8;
	[tilespmem:$0x18180] =	vst v63  }
0x154: {  	s11 =	simm.s32 $0x1180  }
0x155: {  	[tilespmem:s11], [sflag:$0x1] =	stream.indirect_vreg.gather [hbm4b:s3+s5], $0x80, v9, vm0, $0xb8;
	[tilespmem:$0x18180] =	vst v63  }
0x156: {  	s25 =	simm.s32 $0x1980  }
0x157: {  	[tilespmem:s25], [sflag:$0x1] =	stream.indirect_vreg.gather [hbm4b:s8+s5], $0x80, v9, vm0, $0xb8;
	[tilespmem:$0x18180] =	vst v63  }
0x158: {  	v9 =	vld [tilespmem:$0x90];
	_ =	sdelay $0x4  }
0x159: {  	v10 =	vshll.u32 v9, $0x2  }
0x15a: {  	v9 =	vand.u32 $0x7, v9;
	v10 =	vand.u32 $0xFFFFFFE0, v10  }
0x15b: {  	v9 =	vor.u32 v9, v10  }
0x15c: {  	v10 =	vperm.xlane v9, v6;
	_ =	sdelay $0x1  }
0x15d: {  	v10 =	vadd.s32 v7, v10;
	_ =	sdelay $0x1  }
0x15e: {  	v9 =	vperm.xlane v9, v8;
	_ =	sdelay $0x1  }
0x15f: {  	s9 =	simm.s32 $0x2180;
	v9 =	vadd.s32 v7, v9  }
0x160: {  	[tilespmem:s9], [sflag:$0x1] =	stream.indirect_vreg.gather [hbm4b:s3+s5], $0x80, v10, vm0, $0xb8;
	[tilespmem:$0x18180] =	vst v63  }
0x161: {  	s10 =	simm.s32 $0x2980  }
0x162: {  	[tilespmem:s10], [sflag:$0x1] =	stream.indirect_vreg.gather [hbm4b:s8+s5], $0x80, v10, vm0, $0xb8;
	[tilespmem:$0x18180] =	vst v63  }
0x163: {  	s11 =	simm.s32 $0x3180  }
0x164: {  	[tilespmem:s11], [sflag:$0x1] =	stream.indirect_vreg.gather [hbm4b:s3+s5], $0x80, v9, vm0, $0xb8;
	[tilespmem:$0x18180] =	vst v63  }
0x165: {  	s25 =	simm.s32 $0x3980  }
0x166: {  	[tilespmem:s25], [sflag:$0x1] =	stream.indirect_vreg.gather [hbm4b:s8+s5], $0x80, v9, vm0, $0xb8;
	[tilespmem:$0x18180] =	vst v63  }
0x167: {  	v9 =	vld [tilespmem:$0xA0];
	_ =	sdelay $0x4  }
0x168: {  	v10 =	vshll.u32 v9, $0x2  }
0x169: {  	v9 =	vand.u32 $0x7, v9;
	v10 =	vand.u32 $0xFFFFFFE0, v10  }
0x16a: {  	v9 =	vor.u32 v9, v10  }
0x16b: {  	v10 =	vperm.xlane v9, v6;
	_ =	sdelay $0x1  }
0x16c: {  	v10 =	vadd.s32 v7, v10;
	_ =	sdelay $0x1  }
0x16d: {  	v9 =	vperm.xlane v9, v8;
	_ =	sdelay $0x1  }
0x16e: {  	v9 =	vadd.s32 v7, v9  }
0x16f: {  	[tilespmem:s15], [sflag:$0x1] =	stream.indirect_vreg.gather [hbm4b:s3+s5], $0x80, v10, vm0, $0xb8;
	[tilespmem:$0x18180] =	vst v63  }
0x170: {  	_ = 	snop  }
0x171: {  	[tilespmem:s16], [sflag:$0x1] =	stream.indirect_vreg.gather [hbm4b:s8+s5], $0x80, v10, vm0, $0xb8;
	[tilespmem:$0x18180] =	vst v63  }
0x172: {  	_ = 	snop  }
0x173: {  	[tilespmem:s17], [sflag:$0x1] =	stream.indirect_vreg.gather [hbm4b:s3+s5], $0x80, v9, vm0, $0xb8;
	[tilespmem:$0x18180] =	vst v63  }
0x174: {  	_ = 	snop  }
0x175: {  	[tilespmem:s18], [sflag:$0x1] =	stream.indirect_vreg.gather [hbm4b:s8+s5], $0x80, v9, vm0, $0xb8;
	[tilespmem:$0x18180] =	vst v63  }
0x176: {  	v9 =	vld [tilespmem:$0xB0];
	_ =	sdelay $0x4  }
0x177: {  	v10 =	vshll.u32 v9, $0x2  }
0x178: {  	v9 =	vand.u32 $0x7, v9;
	v10 =	vand.u32 $0xFFFFFFE0, v10  }
0x179: {  	v9 =	vor.u32 v9, v10  }
0x17a: {  	v10 =	vperm.xlane v9, v6;
	_ =	sdelay $0x1  }
0x17b: {  	v10 =	vadd.s32 v7, v10;
	_ =	sdelay $0x1  }
0x17c: {  	v9 =	vperm.xlane v9, v8;
	_ =	sdelay $0x1  }
0x17d: {  	v9 =	vadd.s32 v7, v9  }
0x17e: {  	[tilespmem:s19], [sflag:$0x1] =	stream.indirect_vreg.gather [hbm4b:s3+s5], $0x80, v10, vm0, $0xb8;
	[tilespmem:$0x18180] =	vst v63  }
0x17f: {  	_ = 	snop  }
0x180: {  	[tilespmem:s20], [sflag:$0x1] =	stream.indirect_vreg.gather [hbm4b:s8+s5], $0x80, v10, vm0, $0xb8;
	[tilespmem:$0x18180] =	vst v63  }
0x181: {  	_ = 	snop  }
0x182: {  	[tilespmem:s21], [sflag:$0x1] =	stream.indirect_vreg.gather [hbm4b:s3+s5], $0x80, v9, vm0, $0xb8;
	[tilespmem:$0x18180] =	vst v63  }
0x183: {  	_ = 	snop  }
0x184: {  	[tilespmem:s22], [sflag:$0x1] =	stream.indirect_vreg.gather [hbm4b:s8+s5], $0x80, v9, vm0, $0xb8;
	[tilespmem:$0x18180] =	vst v63  }
.LBB2_14:
0x185: {  	p1 =	slt.s32 s2, $0x1  }
.Ltmp10:
0x186: {  	_ = 	snop;
	(pc) =	sbr.rel @p1 .LBB2_20-.Ltmp10, $1  }
0x187: {  	_ =	sdelay $0x3  }
0x188: {  	p1 =	sgt.u32 s2, $0x3F  }
.Ltmp11:
0x189: {  	_ = 	snop;
	(pc) =	sbr.rel @p1 .LBB2_19-.Ltmp11, $1  }
0x18a: {  	_ =	sdelay $0x3  }
0x18b: {  	s2 =	sand.u32 $0x1F, s26  }
0x18c: {  	s0 =	ssub.s32 s1, s0;
	s2 =	sshll.u32 s2, $0x6  }
0x18d: {  	s0 =	ssub.s32 s0, s2  }
0x18e: {  	p1 =	sgt.s32 s0, $0x0  }
0x18f: {  	s0 =	simm.s32 @!p1 $0x0  }
0x190: {  	s2 =	smin.u32 s0, $0x40  }
0x191: {  	s7 =	sshll.u32 s2, $0x7;
	s9 =	sshll.u32 s2, $0x9  }
0x192: {  	p1 =	sne.s32 s31, $0x0;
	s0 =	sand.u32 $0x7000, s9;
	s10 =	sand.u32 $0x380, s7  }
0x193: {  	v9 =	vimm.f32 @p1 $0.0e+00;
	s25 =	sor.u32 $0x180, s0;
	s11 =	sadd.s32 @p1 s10, s0  }
0x194: {  	[tilespmem:s11+$0x8180] =	vst @p1 v9;
	s0 =	sadd.s32 @p1 s10, s25  }
0x195: {  	[tilespmem:s0+$0x8070] =	vst @p1 v9  }
0x196: {  	[tilespmem:s0+$0x8060] =	vst @p1 v9  }
0x197: {  	[tilespmem:s0+$0x8040] =	vst @p1 v9  }
0x198: {  	[tilespmem:s0+$0x8030] =	vst @p1 v9  }
0x199: {  	[tilespmem:s0+$0x8020] =	vst @p1 v9  }
0x19a: {  	[tilespmem:s0+$0x8010] =	vst @p1 v9  }
0x19b: {  	[tilespmem:s0+$0x8050] =	vst @p1 v9  }
0x19c: {  	[tilespmem:s11+$0x8580] =	vst @p1 v9  }
0x19d: {  	[tilespmem:s0+$0x8470] =	vst @p1 v9  }
0x19e: {  	[tilespmem:s0+$0x8430] =	vst @p1 v9  }
0x19f: {  	[tilespmem:s0+$0x8460] =	vst @p1 v9  }
0x1a0: {  	[tilespmem:s0+$0x8420] =	vst @p1 v9  }
0x1a1: {  	[tilespmem:s0+$0x8440] =	vst @p1 v9  }
0x1a2: {  	[tilespmem:s0+$0x8410] =	vst @p1 v9  }
0x1a3: {  	[tilespmem:s0+$0x8450] =	vst @p1 v9  }
0x1a4: {  	[tilespmem:s11+$0x8980] =	vst @p1 v9  }
0x1a5: {  	[tilespmem:s0+$0x8870] =	vst @p1 v9  }
0x1a6: {  	[tilespmem:s0+$0x8830] =	vst @p1 v9  }
0x1a7: {  	[tilespmem:s0+$0x8860] =	vst @p1 v9  }
0x1a8: {  	[tilespmem:s0+$0x8820] =	vst @p1 v9  }
0x1a9: {  	[tilespmem:s0+$0x8840] =	vst @p1 v9  }
0x1aa: {  	[tilespmem:s0+$0x8810] =	vst @p1 v9  }
0x1ab: {  	[tilespmem:s0+$0x8850] =	vst @p1 v9  }
0x1ac: {  	v10 =	vimm.f32 @!p1 $0.0e+00;
	s10 =	sadd.s32 @!p1 s10, s25;
	[tilespmem:s11+$0x8D80] =	vst @p1 v9  }
0x1ad: {  	[tilespmem:s10+$0xC60] =	vst @!p1 v10  }
0x1ae: {  	[tilespmem:s10+$0xC50] =	vst @!p1 v10  }
0x1af: {  	[tilespmem:s10+$0xC40] =	vst @!p1 v10  }
0x1b0: {  	[tilespmem:s10+$0xC30] =	vst @!p1 v10  }
0x1b1: {  	[tilespmem:s10+$0xC20] =	vst @!p1 v10  }
0x1b2: {  	[tilespmem:s10+$0xC10] =	vst @!p1 v10  }
0x1b3: {  	[tilespmem:s10+$0xC00] =	vst @!p1 v10  }
0x1b4: {  	[tilespmem:s10+$0x870] =	vst @!p1 v10  }
0x1b5: {  	[tilespmem:s10+$0x860] =	vst @!p1 v10  }
0x1b6: {  	[tilespmem:s10+$0x850] =	vst @!p1 v10  }
0x1b7: {  	[tilespmem:s10+$0x840] =	vst @!p1 v10  }
0x1b8: {  	[tilespmem:s10+$0x830] =	vst @!p1 v10  }
0x1b9: {  	[tilespmem:s10+$0x820] =	vst @!p1 v10  }
0x1ba: {  	[tilespmem:s10+$0x810] =	vst @!p1 v10  }
0x1bb: {  	[tilespmem:s10+$0x800] =	vst @!p1 v10  }
0x1bc: {  	[tilespmem:s10+$0x470] =	vst @!p1 v10  }
0x1bd: {  	[tilespmem:s10+$0x460] =	vst @!p1 v10  }
0x1be: {  	[tilespmem:s10+$0x450] =	vst @!p1 v10  }
0x1bf: {  	[tilespmem:s10+$0x440] =	vst @!p1 v10  }
0x1c0: {  	[tilespmem:s10+$0x430] =	vst @!p1 v10  }
0x1c1: {  	[tilespmem:s10+$0x420] =	vst @!p1 v10  }
0x1c2: {  	[tilespmem:s10+$0x410] =	vst @!p1 v10  }
0x1c3: {  	[tilespmem:s10+$0x400] =	vst @!p1 v10  }
0x1c4: {  	[tilespmem:s10+$0x70] =	vst @!p1 v10  }
0x1c5: {  	[tilespmem:s10+$0x60] =	vst @!p1 v10  }
0x1c6: {  	[tilespmem:s10+$0x50] =	vst @!p1 v10  }
0x1c7: {  	[tilespmem:s10+$0x40] =	vst @!p1 v10  }
0x1c8: {  	[tilespmem:s10+$0x30] =	vst @!p1 v10  }
0x1c9: {  	[tilespmem:s10+$0x20] =	vst @!p1 v10  }
0x1ca: {  	s1 =	sadd.s32 $0xFFFFFFFF, s2;
	[tilespmem:s10+$0x10] =	vst @!p1 v10  }
0x1cb: {  	s1 =	sadd.s32 $0x1, s1;
	[tilespmem:s10+$0x0] =	vst @!p1 v10  }
0x1cc: {  	p2 =	slt.u32 s1, $0x3F;
	[tilespmem:s0+$0x8C70] =	vst @p1 v9  }
.Ltmp12:
0x1cd: {  	[tilespmem:s0+$0x8C60] =	vst @p1 v9;
	(pc) =	sbr.rel @!p2 .LBB2_18-.Ltmp12, $4  }
0x1ce: {  	[tilespmem:s0+$0x8C50] =	vst @p1 v9  }
0x1cf: {  	[tilespmem:s0+$0x8C40] =	vst @p1 v9  }
0x1d0: {  	[tilespmem:s0+$0x8C30] =	vst @p1 v9  }
0x1d1: {  	s2 =	sadd.s32 $0x80, s7;
	s9 =	sadd.s32 $0x200, s9;
	[tilespmem:s0+$0x8C20] =	vst @p1 v9  }
.LBB2_17:
0x1d2: {  	s11 =	sand.u32 $0x7000, s9;
	s25 =	sand.u32 $0x380, s2;
	s1 =	sadd.s32 $0x1, s1;
	[tilespmem:s0+$0x8C10] =	vst @p1 v9  }
0x1d3: {  	s7 =	sor.u32 $0x180, s11;
	s11 =	sadd.s32 @p1 s25, s11;
	p2 =	slt.u32 s1, $0x3F;
	[tilespmem:s10+$0xC70] =	vst @!p1 v10  }
0x1d4: {  	[tilespmem:s11+$0x8180] =	vst @p1 v9;
	s0 =	sadd.s32 @p1 s25, s7  }
0x1d5: {  	[tilespmem:s0+$0x8070] =	vst @p1 v9  }
0x1d6: {  	[tilespmem:s0+$0x8060] =	vst @p1 v9  }
0x1d7: {  	[tilespmem:s0+$0x8040] =	vst @p1 v9  }
0x1d8: {  	[tilespmem:s0+$0x8030] =	vst @p1 v9  }
0x1d9: {  	[tilespmem:s0+$0x8020] =	vst @p1 v9  }
0x1da: {  	[tilespmem:s0+$0x8010] =	vst @p1 v9  }
0x1db: {  	[tilespmem:s0+$0x8050] =	vst @p1 v9  }
0x1dc: {  	[tilespmem:s11+$0x8580] =	vst @p1 v9  }
0x1dd: {  	[tilespmem:s0+$0x8470] =	vst @p1 v9  }
0x1de: {  	[tilespmem:s0+$0x8430] =	vst @p1 v9  }
0x1df: {  	[tilespmem:s0+$0x8460] =	vst @p1 v9  }
0x1e0: {  	[tilespmem:s0+$0x8420] =	vst @p1 v9  }
0x1e1: {  	[tilespmem:s0+$0x8440] =	vst @p1 v9  }
0x1e2: {  	[tilespmem:s0+$0x8410] =	vst @p1 v9  }
0x1e3: {  	[tilespmem:s0+$0x8450] =	vst @p1 v9  }
0x1e4: {  	[tilespmem:s11+$0x8980] =	vst @p1 v9  }
0x1e5: {  	[tilespmem:s0+$0x8870] =	vst @p1 v9  }
0x1e6: {  	[tilespmem:s0+$0x8830] =	vst @p1 v9  }
0x1e7: {  	[tilespmem:s0+$0x8860] =	vst @p1 v9  }
0x1e8: {  	[tilespmem:s0+$0x8820] =	vst @p1 v9  }
0x1e9: {  	[tilespmem:s0+$0x8840] =	vst @p1 v9  }
0x1ea: {  	[tilespmem:s0+$0x8810] =	vst @p1 v9  }
0x1eb: {  	[tilespmem:s0+$0x8850] =	vst @p1 v9  }
0x1ec: {  	s10 =	sadd.s32 @!p1 s25, s7;
	[tilespmem:s11+$0x8D80] =	vst @p1 v9  }
0x1ed: {  	[tilespmem:s10+$0xC60] =	vst @!p1 v10  }
0x1ee: {  	[tilespmem:s10+$0xC50] =	vst @!p1 v10  }
0x1ef: {  	[tilespmem:s10+$0xC40] =	vst @!p1 v10  }
0x1f0: {  	[tilespmem:s10+$0xC30] =	vst @!p1 v10  }
0x1f1: {  	[tilespmem:s10+$0xC20] =	vst @!p1 v10  }
0x1f2: {  	[tilespmem:s10+$0xC10] =	vst @!p1 v10  }
0x1f3: {  	[tilespmem:s10+$0xC00] =	vst @!p1 v10  }
0x1f4: {  	[tilespmem:s10+$0x870] =	vst @!p1 v10  }
0x1f5: {  	[tilespmem:s10+$0x860] =	vst @!p1 v10  }
0x1f6: {  	[tilespmem:s10+$0x850] =	vst @!p1 v10  }
0x1f7: {  	[tilespmem:s10+$0x840] =	vst @!p1 v10  }
0x1f8: {  	[tilespmem:s10+$0x830] =	vst @!p1 v10  }
0x1f9: {  	[tilespmem:s10+$0x820] =	vst @!p1 v10  }
0x1fa: {  	[tilespmem:s10+$0x810] =	vst @!p1 v10  }
0x1fb: {  	[tilespmem:s10+$0x800] =	vst @!p1 v10  }
0x1fc: {  	[tilespmem:s10+$0x470] =	vst @!p1 v10  }
0x1fd: {  	[tilespmem:s10+$0x460] =	vst @!p1 v10  }
0x1fe: {  	[tilespmem:s10+$0x450] =	vst @!p1 v10  }
0x1ff: {  	[tilespmem:s10+$0x440] =	vst @!p1 v10  }
0x200: {  	[tilespmem:s10+$0x430] =	vst @!p1 v10  }
0x201: {  	[tilespmem:s10+$0x420] =	vst @!p1 v10  }
0x202: {  	[tilespmem:s10+$0x410] =	vst @!p1 v10  }
0x203: {  	[tilespmem:s10+$0x400] =	vst @!p1 v10  }
0x204: {  	[tilespmem:s10+$0x70] =	vst @!p1 v10  }
0x205: {  	[tilespmem:s10+$0x60] =	vst @!p1 v10  }
0x206: {  	[tilespmem:s10+$0x50] =	vst @!p1 v10  }
0x207: {  	[tilespmem:s10+$0x40] =	vst @!p1 v10  }
0x208: {  	[tilespmem:s10+$0x30] =	vst @!p1 v10  }
0x209: {  	[tilespmem:s10+$0x20] =	vst @!p1 v10  }
0x20a: {  	[tilespmem:s10+$0x10] =	vst @!p1 v10  }
0x20b: {  	[tilespmem:s10+$0x0] =	vst @!p1 v10  }
0x20c: {  	[tilespmem:s0+$0x8C70] =	vst @p1 v9  }
.Ltmp13:
0x20d: {  	[tilespmem:s0+$0x8C60] =	vst @p1 v9;
	(pc) =	sbr.rel @p2 .LBB2_17-.Ltmp13, $4  }
0x20e: {  	[tilespmem:s0+$0x8C50] =	vst @p1 v9  }
0x20f: {  	[tilespmem:s0+$0x8C40] =	vst @p1 v9  }
0x210: {  	[tilespmem:s0+$0x8C30] =	vst @p1 v9  }
0x211: {  	s2 =	sadd.s32 $0x80, s2;
	s9 =	sadd.s32 $0x200, s9;
	[tilespmem:s0+$0x8C20] =	vst @p1 v9  }
.Ltmp14:
0x212: {  	_ = 	snop;
	(pc) =	sbr.rel .LBB2_18-.Ltmp14, $1  }
0x213: {  	_ =	sdelay $0x3  }
.LBB2_21:
0x214: {  	p0 =	slt.s32 s12, $0x0  }
0x215: {  	s0 =	simm.s32 @!p0 $0x3  }
0x216: {  	_ =	swait.ge @!p0 [sflag:s0], $0x8000  }
0x217: {  	p1 =	slt.s32 s24, $0x0;
	[sflag:s0] =	ssyncset.done @!p0 $0x0  }
0x218: {  	[sflag:s0] =	ssyncadd.s32 @!p0 $0xFFFF8000;
	s0 =	simm.s32 @!p1 $0x4  }
0x219: {  	_ =	swait.ge @!p1 [sflag:s0], $0x8000  }
0x21a: {  	[sflag:s0] =	ssyncset.done @!p1 $0x0  }
0x21b: {  	[sflag:s0] =	ssyncadd.s32 @!p1 $0xFFFF8000  }
0x21c: {  	v9 =	vld [tilespmem:$0x1];
	_ =	sdelay $0x4  }
0x21d: {  	(v2sf) =	vpush v9, $0x0;
	_ =	sdelay $0xe  }
0x21e: {  	s11 =	rddreg [dreg:$0x4];
	s28 =	spop (v2sf)  }
0x21f: {  	s0 =	ssub.s32 s28, s11  }
0x220: {  	p0 =	sgt.s32 s0, $0x0  }
0x221: {  	s0 =	simm.s32 @!p0 $0x5  }
0x222: {  	_ =	swait.ge @!p0 [sflag:s0], $0x8000  }
0x223: {  	[sflag:s0] =	ssyncset.done @!p0 $0x0  }
0x224: {  	s29 =	simm.s32 $0x1;
	[sflag:s0] =	ssyncadd.s32 @!p0 $0xFFFF8000  }
0x225: {  	v9 =	vld [tilespmem:s29+$0x0]  }
0x226: {  	v10 =	vld [tilespmem:s29+$0x1];
	_ =	sdelay $0x3  }
0x227: {  	(v2sf) =	vpush v9, $0x0  }
0x228: {  	(v2sf) =	vpush v10, $0x0;
	_ =	sdelay $0xc  }
0x229: {  	s2 =	rddreg [dreg:$0x7]  }
0x22a: {  	s30 =	sand.u32 $0x7C0, s2;
	s1 =	spop (v2sf)  }
0x22b: {  	s0 =	sadd.s32 s30, s1;
	s31 =	spop (v2sf)  }
0x22c: {  	s0 =	ssub.s32 s31, s0  }
0x22d: {  	p0 =	sgt.s32 s0, $0x0  }
0x22e: {  	s1 =	simm.s32 @!p0 $0x5  }
0x22f: {  	_ =	swait.ge @!p0 [sflag:s1], $0x8000  }
0x230: {  	[sflag:s1] =	ssyncset.done @!p0 $0x0  }
0x231: {  	s0 =	simm.s32 $0xFFFFFFFE;
	[sflag:s1] =	ssyncadd.s32 @!p0 $0xFFFF8000;
	s1 =	simm.s32 $0x2  }
.LBB2_22:
0x232: {  	s9 =	smov.u32 s1  }
0x233: {  	v9 =	vld [tilespmem:s1+$0x0]  }
0x234: {  	s0 =	sadd.s32 $0xFFFFFFFF, s0;
	v10 =	vld [tilespmem:s1+$0x1]  }
0x235: {  	p0 =	sne.s32 s0, $0xFFFFFFF1;
	_ =	sdelay $0x2  }
0x236: {  	(v2sf) =	vpush v9, $0x0  }
0x237: {  	(v2sf) =	vpush v10, $0x0;
	_ =	sdelay $0xc  }
0x238: {  	s2 =	sadd.s32 $0x40, s2  }
0x239: {  	s7 =	sand.u32 $0x7C0, s2;
	s10 =	spop (v2sf)  }
0x23a: {  	s7 =	sadd.s32 s7, s10;
	s10 =	spop (v2sf)  }
0x23b: {  	s7 =	ssub.s32 s10, s7  }
.Ltmp15:
0x23c: {  	p1 =	sgt.s32 s7, $0x0;
	(pc) =	sbr.rel @p0 .LBB2_22-.Ltmp15, $4  }
0x23d: {  	s7 =	simm.s32 @!p1 $0x5  }
0x23e: {  	_ =	swait.ge @!p1 [sflag:s7], $0x8000  }
0x23f: {  	[sflag:s7] =	ssyncset.done @!p1 $0x0  }
0x240: {  	s1 =	sadd.s32 $0x1, s1;
	[sflag:s7] =	ssyncadd.s32 @!p1 $0xFFFF8000  }
0x241: {  	v9 =	vld [tilespmem:s9+$0x1];
	_ =	sdelay $0x4  }
0x242: {  	(v2sf) =	vpush v9, $0x0;
	_ =	sdelay $0xc  }
0x243: {  	s0 =	ssub.s32 s6, s0  }
0x244: {  	s0 =	sshll.u32 s0, $0x6  }
0x245: {  	s0 =	sand.u32 $0x7C0, s0;
	s1 =	spop (v2sf)  }
0x246: {  	s0 =	sadd.s32 s0, s1  }
0x247: {  	s0 =	sadd.s32 $0xFFFFBFFF, s0  }
0x248: {  	p0 =	slt.s32 s0, $0xFFFFFFFF  }
0x249: {  	s0 =	simm.s32 @!p0 $0x5  }
0x24a: {  	_ =	swait.ge @!p0 [sflag:s0], $0x8000  }
0x24b: {  	s23 =	sadd.s32 $0x1, s23;
	s31 =	rddreg [dreg:$0x5]  }
0x24c: {  	p1 =	sne.s32 s23, s31  }
.Ltmp16:
0x24d: {  	_ = 	snop;
	(pc) =	sbr.rel @p1 .LBB2_1-.Ltmp16, $3  }
0x24e: {  	_ =	sdelay $0x1  }
0x24f: {  	[sflag:s0] =	ssyncset.done @!p0 $0x0  }
0x250: {  	[sflag:s0] =	ssyncadd.s32 @!p0 $0xFFFF8000  }
0x251: {  	_ =	sfence.sel $0x180000  }
0x252: {  	[bflag:$0x0] =	sbarrier.arrive $0xFFFF  }
0x253: {  	_ =	strace $0x90000047  }
0x254: {  	s0 =	stileid.u32;
	[bflag:$0x2] =	sbarrier.arrive $0xFFFF  }
0x255: {  	p0 =	sne.s32 s0, $0x0;
	s0 =	rddreg [dreg:$0x3]  }
0x256: {  	s0 =	sadd.s32 @!p0 $0x100000, s0  }
0x257: {  	[sflag:s0] =	ssyncadd.tile.s32 @!p0 $0x1;
	_ =	shalt  }
.Lfunc_end2:
_tile_overlayer_lowered:
.L_overlay_start_2:
0x258: {  	(tag) =	ssettag $0x2  }
0x259: {  	s0 =	rddreg [dreg:$0x0];
	s2 =	stileid.u32  }
0x25a: {  	s1 =	rddreg [dreg:$0x1];
	p0 =	sne.s32 s2, $0x0  }
0x25b: {  	s3 =	rddreg [dreg:$0x2];
	[bflag:$0x3] =	sbarrier.arrive $0xFFFF;
	s2 =	simm.s32 @!p0 $0x1C06  }
0x25c: {  	[timem:s3], [sflag:s2] =	dma.local @!p0 [hbm:s0], s1  }
0x25d: {  	s0 =	simm.s32 @!p0 $0x6  }
0x25e: {  	_ =	swait.ge @!p0 [sflag:s0], s1  }
0x25f: {  	s1 =	ssub.s32 @!p0 $0x0, s1;
	[sflag:s0] =	ssyncset.done @!p0 $0x0  }
0x260: {  	[sflag:s0] =	ssyncadd.s32 @!p0 s1  }
0x261: {  	[bflag:$0x3] =	sbarrier.arrive $0xFFFF  }
0x262: {  	_ =	shalt  }

</sc_bundles>
